<compile_context>
chip_gen: v7x
topology: tpu7x:2x2x1
jax: 0.10.2.dev20260603
libtpu: 0.0.44.dev20260713+nightly
codegen_flags: <defaults>
</compile_context>

<pallas_src>
import functools

import numpy as np
import jax
import jax.numpy as jnp
from jax import lax
from jax.experimental import pallas as pl
from jax.experimental.pallas import tpu as pltpu
from jax.experimental.pallas import tpu_sc as plsc

_N = 4096
_K = 32
_CL = 64
_D = 448
_DP = 512
_R = 0.1
_G = 32768
_PAD = 1058
_OFFS = (0, 1, 32, 33, 1024, 1025, 1056, 1057)
_RB = 256
_AB = 128
_HB = 512
_HI = 1e30

_INTERPRET = False


def _posenc_sel():
  s96 = np.zeros((1, 96), np.float32)
  for c in range(8):
    sh = ((c >> 2) & 1, (c >> 1) & 1, c & 1)
    for d in range(3):
      for a in range(4):
        s96[0, c * 12 + d * 4 + a] = float(sh[d])
  ang = np.zeros((1, 96), np.float32)
  for col in range(96):
    ang[0, col] = float(col % 4 + 1)
  return jnp.asarray(s96), jnp.asarray(ang)


def _bf(x):
  return x.astype(jnp.bfloat16)


def _hist_body(pos_ref, h_ref):
  b = pl.program_id(0)
  p = pos_ref[...]
  vx = jnp.clip(jnp.floor(p[:, 0:1] * 32.0), 0.0, 31.0)
  vy = jnp.clip(jnp.floor(p[:, 1:2] * 32.0), 0.0, 31.0)
  vz = jnp.clip(jnp.floor(p[:, 2:3] * 32.0), 0.0, 31.0)
  flat = (vx * 32.0 + vy) * 32.0 + vz
  col = (lax.broadcasted_iota(jnp.int32, (_N, _HB), 1)
         + b * _HB).astype(jnp.float32)
  e = (flat == col).astype(jnp.float32)
  h_ref[...] = jnp.sum(e, axis=0).reshape(1, 1, _HB)


def _hist(pos):
  nb = _G // _HB
  out = pl.pallas_call(
      _hist_body,
      grid=(nb,),
      in_specs=[pl.BlockSpec((_N, 3), lambda i: (0, 0))],
      out_specs=pl.BlockSpec((1, 1, _HB), lambda i: (i, 0, 0)),
      out_shape=jax.ShapeDtypeStruct((nb, 1, _HB), jnp.float32),
      interpret=_INTERPRET,
  )(pos)
  return out.reshape(_G)


def _prep_body(enc_ref, d8_ref, latcat_ref, wstack_ref, uv_ref):
  wb = _bf(wstack_ref[...])
  u = lax.dot_general(_bf(latcat_ref[...]), wb, (((1,), (0,)), ((), ())),
                      preferred_element_type=jnp.float32)
  d8 = d8_ref[...]
  blk = d8.shape[0]
  d8r = jnp.broadcast_to(d8.reshape(blk, 8, 1), (blk, 8, _CL)).reshape(
      blk, 8 * _CL)
  enct = jnp.concatenate([enc_ref[...]] * 8, axis=1)
  corr = d8r * enct
  v = lax.dot_general(_bf(corr), wb, (((1,), (0,)), ((), ())),
                      preferred_element_type=jnp.float32)
  uv_ref[...] = jnp.concatenate([u, v], axis=1)


def _prep(enc_row, d8, latcat, wstack):
  nb = 16
  blk = _G // nb
  return pl.pallas_call(
      _prep_body,
      grid=(nb,),
      in_specs=[
          pl.BlockSpec((1, _CL), lambda i: (0, 0)),
          pl.BlockSpec((blk, 8), lambda i: (i, 0)),
          pl.BlockSpec((blk, 8 * _CL), lambda i: (i, 0)),
          pl.BlockSpec((8 * _CL, _CL), lambda i: (0, 0)),
      ],
      out_specs=pl.BlockSpec((blk, 2 * _CL), lambda i: (i, 0)),
      out_shape=jax.ShapeDtypeStruct((_G, 2 * _CL), jnp.float32),
      interpret=_INTERPRET,
  )(enc_row, d8, latcat, wstack)


def _sc_gather(uv, sx, sy, sz):
  info = plsc.get_sparse_core_info()
  nc, ns = info.num_cores, info.num_subcores
  nw = nc * ns
  bpw = _N // nw

  mesh = plsc.VectorSubcoreMesh(core_axis_name="c", subcore_axis_name="s")

  @functools.partial(
      pl.kernel,
      mesh=mesh,
      out_type=jax.ShapeDtypeStruct((_N, 2 * _CL), jnp.float32),
      scratch_types=[
          pltpu.VMEM((bpw,), jnp.float32),
          pltpu.VMEM((bpw,), jnp.float32),
          pltpu.VMEM((bpw,), jnp.float32),
          pltpu.VMEM((bpw,), jnp.int32),
          pltpu.VMEM((bpw, 2 * _CL), jnp.float32),
          pltpu.SemaphoreType.DMA,
      ],
  )
  def k(uv_hbm, sx_hbm, sy_hbm, sz_hbm, out_hbm, xv, yv, zv, idxv, rows, sem):
    wid = lax.axis_index("s") * nc + lax.axis_index("c")
    base = wid * bpw
    pltpu.sync_copy(sx_hbm.at[pl.ds(base, bpw)], xv)
    pltpu.sync_copy(sy_hbm.at[pl.ds(base, bpw)], yv)
    pltpu.sync_copy(sz_hbm.at[pl.ds(base, bpw)], zv)
    for kk in range(bpw // 16):
      s = pl.ds(kk * 16, 16)
      ix = xv[s].astype(jnp.int32)
      iy = yv[s].astype(jnp.int32)
      iz = zv[s].astype(jnp.int32)
      idxv[s] = (ix * 1024 + iy * 32) + iz
    pltpu.async_copy(uv_hbm.at[idxv], rows, sem).wait()
    pltpu.sync_copy(rows, out_hbm.at[pl.ds(base, bpw)])

  return k(uv, sx, sy, sz)


def _asm_body(repr_ref, uvg_ref, pos_ref, box_ref, s96_ref, ang_ref, wpe_ref,
              a_ref):
  pos = pos_ref[...]
  box = box_ref[...]
  uni = pos / box
  s31 = 31.0 * uni
  idx3 = jnp.floor(s31)
  lenr = box / 31.0
  pl3 = pos / lenr
  d3 = idx3 - pl3

  def widen(m):
    cols = [m[:, 0:1]] * 4 + [m[:, 1:2]] * 4 + [m[:, 2:3]] * 4
    m12 = jnp.concatenate(cols, axis=1)
    return jnp.concatenate([m12] * 8, axis=1)

  d96 = widen(d3) + s96_ref[...]
  shifted = (d96 + 1.0) * 0.5
  m = shifted * ang_ref[...]
  pe = lax.dot_general(_bf(jnp.cos(m)), _bf(wpe_ref[...]),
                       (((1,), (0,)), ((), ())),
                       preferred_element_type=jnp.float32)
  uvg = uvg_ref[...]
  alpha = uvg[:, :_CL] + pe
  calpha = uvg[:, _CL:] + pe
  a_ref[...] = jnp.concatenate(
      [repr_ref[...], alpha, calpha, calpha - alpha], axis=1)


def _asm(arep, uvg, pos, box_row, s96, ang, wpe):
  return pl.pallas_call(
      _asm_body,
      out_shape=jax.ShapeDtypeStruct((_N, _D), jnp.float32),
      interpret=_INTERPRET,
  )(arep, uvg, pos, box_row, s96, ang, wpe)


def _sel_body(pb_ref, pt_ref, idx_ref, d2_ref):
  pt = pt_ref[...]
  pb = pb_ref[...]
  dx = pb[:, 0:1] - pt[0:1, :]
  dy = pb[:, 1:2] - pt[1:2, :]
  dz = pb[:, 2:3] - pt[2:3, :]
  d2 = (dx * dx + dy * dy) + dz * dz
  dist = jnp.sqrt(d2 + 1e-16)
  hi = jnp.float32(_HI)
  d2m = jnp.where(dist < _R, d2, hi)
  iota = lax.broadcasted_iota(jnp.int32, (_RB, _N), 1)
  big_i = jnp.int32(_N)
  for k in range(_K):
    m = jnp.min(d2m, axis=1, keepdims=True)
    colc = jnp.where(d2m == m, iota, big_i)
    col = jnp.min(colc, axis=1, keepdims=True)
    d2m = jnp.where(iota == col, hi, d2m)
    idx_ref[:, k:k + 1] = jnp.minimum(col, _N - 1)
    d2_ref[:, k:k + 1] = m


def _sel(pos, pos_t):
  nb = _N // _RB
  return pl.pallas_call(
      _sel_body,
      grid=(nb,),
      in_specs=[
          pl.BlockSpec((_RB, 3), lambda i: (i, 0)),
          pl.BlockSpec((3, _N), lambda i: (0, 0)),
      ],
      out_specs=[
          pl.BlockSpec((_RB, _K), lambda i: (i, 0)),
          pl.BlockSpec((_RB, _K), lambda i: (i, 0)),
      ],
      out_shape=[
          jax.ShapeDtypeStruct((_N, _K), jnp.int32),
          jax.ShapeDtypeStruct((_N, _K), jnp.float32),
      ],
      interpret=_INTERPRET,
  )(pos, pos_t)


def _sc_gather_rows(a4, idx4):
  info = plsc.get_sparse_core_info()
  nc, ns = info.num_cores, info.num_subcores
  nw = nc * ns
  total = _N * _K * 4
  bpw = total // nw
  chunk = 128
  nch = bpw // chunk
  idx3 = idx4.reshape(nw, nch, chunk)

  mesh = plsc.VectorSubcoreMesh(core_axis_name="c", subcore_axis_name="s")

  @functools.partial(
      pl.kernel,
      mesh=mesh,
      out_type=jax.ShapeDtypeStruct((total, 128), jnp.float32),
      scratch_types=[
          pltpu.VMEM((nch, chunk), jnp.int32),
          pltpu.VMEM((chunk, 128), jnp.float32),
          pltpu.VMEM((chunk, 128), jnp.float32),
          pltpu.SemaphoreType.DMA,
          pltpu.SemaphoreType.DMA,
          pltpu.SemaphoreType.DMA,
          pltpu.SemaphoreType.DMA,
      ],
  )
  def k(a4_hbm, idx_hbm, out_hbm, idxv, r0, r1, g0, g1, w0, w1):
    a_hbm = a4_hbm
    wid = lax.axis_index("s") * nc + lax.axis_index("c")
    base = wid * bpw
    pltpu.sync_copy(idx_hbm.at[wid], idxv)
    bufs = ((r0, g0, w0), (r1, g1, w1))

    pltpu.async_copy(a_hbm.at[idxv.at[0]], r0, g0)
    pltpu.async_copy(a_hbm.at[idxv.at[1]], r1, g1)

    def body(g, carry):
      for b in range(2):
        rows, gs, ws = bufs[b]
        c = 2 * g + b
        pltpu.make_async_copy(a_hbm.at[idxv.at[0]], rows, gs).wait()
        pltpu.async_copy(rows, out_hbm.at[pl.ds(base + c * chunk, chunk)], ws)
      for b in range(2):
        rows, gs, ws = bufs[b]
        c = 2 * g + b

        @pl.when(c + 2 < nch)
        def _():
          pltpu.make_async_copy(
              rows, out_hbm.at[pl.ds(base, chunk)], ws).wait()
          pltpu.async_copy(a_hbm.at[idxv.at[c + 2]], rows, gs)

      return carry

    lax.fori_loop(0, nch // 2, body, 0)
    for b in range(2):
      rows, gs, ws = bufs[b]
      pltpu.make_async_copy(rows, out_hbm.at[pl.ds(base, chunk)], ws).wait()

  return k(a4, idx3)


def _attn_body(ab_ref, ag_ref, d2v_ref, o_ref):
  d2v = d2v_ref[...]
  dist = jnp.sqrt(d2v + 1e-16)
  valid = d2v < 1e29
  mask = (dist < _R).astype(jnp.float32)
  distp = dist + (dist < 1e-6).astype(jnp.float32) * 1e9
  inv = 1.0 / (distp * distp)
  ab16 = _bf(ab_ref[...]).astype(jnp.float32)
  lcols = []
  for k in range(_K):
    mem_k = ag_ref[k] * inv[:, k:k + 1]
    prod = ab16 * _bf(mem_k).astype(jnp.float32)
    lcols.append(jnp.sum(prod, axis=1, keepdims=True))
  logits = jnp.concatenate(lcols, axis=1) / jnp.sqrt(jnp.float32(448.0))
  logits = logits + 1e9 * (mask - 1.0)
  logits = jnp.where(valid, logits, jnp.float32(-_HI))
  mx = jnp.max(logits, axis=1, keepdims=True)
  e = jnp.exp(logits - mx)
  attn = e / jnp.sum(e, axis=1, keepdims=True)
  acc = jnp.zeros((_AB, _DP), jnp.float32)
  for k in range(_K):
    mem_k = ag_ref[k] * inv[:, k:k + 1]
    acc = acc + attn[:, k:k + 1] * mem_k
  o_ref[...] = acc


def _attn(a, ag3, d2v):
  nb = _N // _AB
  return pl.pallas_call(
      _attn_body,
      grid=(nb,),
      in_specs=[
          pl.BlockSpec((_AB, _DP), lambda i: (i, 0)),
          pl.BlockSpec((_K, _AB, _DP), lambda i: (0, i, 0)),
          pl.BlockSpec((_AB, _K), lambda i: (i, 0)),
      ],
      out_specs=pl.BlockSpec((_AB, _DP), lambda i: (i, 0)),
      out_shape=jax.ShapeDtypeStruct((_N, _DP), jnp.float32),
      interpret=_INTERPRET,
  )(a, ag3, d2v)


def kernel(enc_params, atom_representation, latent_encoding, atom_positions,
           box_size, proj_weights):
  pos = atom_positions
  hist = _hist(pos)
  hpad = jnp.pad(hist, (0, _PAD))
  d8 = jnp.stack([hpad[o:o + _G] for o in _OFFS], axis=1)
  latpad = jnp.pad(latent_encoding.reshape(_G, _CL), ((0, _PAD), (0, 0)))
  latcat = jnp.concatenate([latpad[o:o + _G] for o in _OFFS], axis=1)
  wstack = jnp.concatenate(
      [proj_weights[76 * c:76 * c + 64] for c in range(8)], axis=0)
  uv = _prep(enc_params.reshape(1, _CL), d8, latcat, wstack)

  s31 = (pos / box_size[None, :]) * 31.0
  uvg = _sc_gather(uv, s31[:, 0], s31[:, 1], s31[:, 2])

  wpe = jnp.concatenate(
      [proj_weights[76 * c + 64:76 * c + 76] for c in range(8)], axis=0)
  s96, ang = _posenc_sel()
  a = _asm(atom_representation, uvg, pos, box_size.reshape(1, 3), s96, ang,
           wpe)

  idx, d2v = _sel(pos, pos.T)
  a_pad = jnp.pad(a, ((0, 0), (0, _DP - _D)))
  idx_kmaj = idx.T.reshape(-1)
  idx_sub = (idx_kmaj[:, None] * 4
             + jnp.arange(4, dtype=jnp.int32)[None, :]).reshape(-1)
  ag = _sc_gather_rows(a_pad.reshape(_N * 4, 128), idx_sub)
  ag3 = ag.reshape(_K, _N, _DP)
  return _attn(a_pad, ag3, d2v)[:, :_D]

# --- scband reference (transcript-rebuilt; emitter-appended) ---
"""Pipeline reference for scband-local-point-attention-42202348650559 (READ-ONLY COPY).

The authoritative reference and input builder live on the scoring server;
editing this copy changes nothing except your own understanding.
"""

import jax, jax.numpy as jnp
import numpy as np

N_ATOMS = 4096
K = 32
C_A = 256
L = 32
C_L = 64
P_ENC = 4
ATOM_LAT = 64
RADIUS = 0.1


def _meshgrid3(x):
    g = jnp.meshgrid(x, x, x, indexing='ij')
    return jnp.stack(g, axis=-1)


def compute_neighbour_indices(atom_positions):
    # Faithful stand-in for the voxel spatial-hash neighbour search: for each atom,
    # the K nearest atoms (incl. self), later masked by the same radius test.
    d2 = jnp.sum((atom_positions[:, None, :] - atom_positions[None, :, :]) ** 2, axis=-1)
    _, nbr_idx = jax.lax.top_k(-d2, K)
    return nbr_idx


def interpolate_and_pos_enc(latent_encoding, atom_positions, box_size, proj_weights):
    lat_xyz = jnp.array(latent_encoding.shape[:-1], dtype=jnp.float32)
    len_xyz = box_size / (lat_xyz - 1.0)
    unitised = atom_positions / box_size[None, :]
    index_sized = (lat_xyz - 1.0)[None, :] * unitised
    index = jnp.floor(index_sized).astype(jnp.int32)
    shifts = _meshgrid3(jnp.arange(2)).reshape(-1, 3)
    indices = index[:, None, :] + shifts[None, :, :]
    num_atoms = atom_positions.shape[0]
    diff = indices.astype(jnp.float32) - atom_positions[:, None, :] / len_xyz[None, None, :]
    shifted_diff = (diff + 1.0) * 0.5
    angle = jnp.arange(1, P_ENC + 1, dtype=jnp.float32)
    pos_enc = jnp.cos(shifted_diff[..., None] * angle[None, None, None, :])
    pos_enc = pos_enc.reshape(num_atoms, 8, -1)
    gathered = latent_encoding[indices[..., 0], indices[..., 1], indices[..., 2]]
    per_atom = jnp.concatenate([gathered, pos_enc], axis=-1).reshape(num_atoms, -1)
    return per_atom @ proj_weights


def encode(enc_params, key, atom_positions, atom_mask):
    # Simple density-voxelization encoder standing in for the injected encode_fn.
    idx = jnp.clip(jnp.floor(atom_positions * L).astype(jnp.int32), 0, L - 1)
    flat = (idx[:, 0] * L + idx[:, 1]) * L + idx[:, 2]
    density = jnp.zeros((L * L * L,), dtype=jnp.float32).at[flat].add(atom_mask)
    return density.reshape(L, L, L)[..., None] * enc_params[None, None, None, :]


def setup_inputs(seed: int = 0):
    key = jax.random.key(seed)
    ks = jax.random.split(key, 6)
    atom_representation = jax.random.normal(ks[0], (N_ATOMS, C_A), dtype=jnp.float32)
    latent_encoding = jax.random.normal(ks[1], (L, L, L, C_L), dtype=jnp.float32)
    atom_positions = jax.random.uniform(ks[2], (N_ATOMS, 3), dtype=jnp.float32)
    box_size = jnp.ones((3,), dtype=jnp.float32)
    enc_params = jax.random.normal(ks[3], (C_L,), dtype=jnp.float32) * 0.1
    pin = 8 * (C_L + 3 * P_ENC)
    proj_weights = jax.random.normal(ks[4], (pin, ATOM_LAT), dtype=jnp.float32) * (1.0 / np.sqrt(pin))
    return {
        'enc_params': enc_params,
        'atom_representation': atom_representation,
        'latent_encoding': latent_encoding,
        'atom_positions': atom_positions,
        'box_size': box_size,
        'proj_weights': proj_weights,
    }


def reference(enc_params, atom_representation, latent_encoding, atom_positions, box_size, proj_weights):
    nbr_idx = compute_neighbour_indices(atom_positions)
    nbr_disp = atom_positions[:, None, :] - atom_positions[nbr_idx]
    nbr_dists = jnp.sqrt(jnp.sum(nbr_disp ** 2, axis=-1) + 1e-16)
    nbr_mask = (nbr_dists < RADIUS).astype(jnp.float32)
    nbr_dists = nbr_dists + (nbr_dists < 1e-6).astype(jnp.float32) * 1e9
    nbr_sq_inv_dists = nbr_dists ** (-2)
    alpha = interpolate_and_pos_enc(latent_encoding, atom_positions, box_size, proj_weights)
    atom_mask = jnp.ones((atom_positions.shape[0],), dtype=jnp.float32)
    corr_latent = jax.lax.stop_gradient(encode(enc_params, None, atom_positions, atom_mask))
    corr_alpha = interpolate_and_pos_enc(corr_latent, atom_positions, box_size, proj_weights)
    d_alpha = corr_alpha - alpha
    a = jnp.concatenate([atom_representation, alpha, corr_alpha, d_alpha], axis=-1)
    memory = a[nbr_idx] * nbr_sq_inv_dists[:, :, None]
    bias = 1e9 * (nbr_mask - 1.0)
    logits = jnp.einsum('nd,nkd->nk', a, memory) / jnp.sqrt(jnp.float32(a.shape[-1])) + bias
    attn = jax.nn.softmax(logits, axis=-1)
    out = jnp.einsum('nk,nkd->nd', attn, memory)
    return out

if __name__ == "__main__":
    import jax
    _d = setup_inputs()
    print(jax.jit(kernel)(*tuple(_d.values())))

</pallas_src>

<mosaic_0001>
#map = affine_map<(d0, d1) -> (0, 0)>
#map1 = affine_map<(d0, d1) -> (0, 0, 0)>
module attributes {stable_mosaic.version = 14 : i64} {
  func.func @k(%arg0: i32, %arg1: i32, %arg2: memref<16384x128xf32, #tpu.memory_space<hbm>>, %arg3: memref<32x128x128xi32, #tpu.memory_space<hbm>>, %arg4: memref<524288x128xf32, #tpu.memory_space<hbm>>, %arg5: memref<128x128xi32, #tpu.memory_space<vmem>>, %arg6: memref<128x128xf32, #tpu.memory_space<vmem>>, %arg7: memref<128x128xf32, #tpu.memory_space<vmem>>, %arg8: memref<!tpu.dma_semaphore, #tpu.memory_space<semaphore_mem>>, %arg9: memref<!tpu.dma_semaphore, #tpu.memory_space<semaphore_mem>>, %arg10: memref<!tpu.dma_semaphore, #tpu.memory_space<semaphore_mem>>, %arg11: memref<!tpu.dma_semaphore, #tpu.memory_space<semaphore_mem>>) attributes {dimension_semantics = [#tpu.dimension_semantics<core_parallel>, #tpu.dimension_semantics<subcore_parallel>], iteration_bounds = array<i64: 2, 16>, scalar_prefetch = 0 : i64, scratch_operands = 7 : i64, tpu.core_type = #tpu.core_type<sc_vector_subcore>, window_params = [{transform_indices = #map}, {transform_indices = #map1}, {transform_indices = #map}]} {
    %mul3A = arith.constant 2 : i32
    %mul3A_0 = arith.muli %arg1, %mul3A : i32
    %add3A = arith.addi %mul3A_0, %arg0 : i32
    %mul3A_1 = arith.constant 16384 : i32
    %mul3A_2 = arith.muli %add3A, %mul3A_1 : i32
    "tpu.region"() ({
      %run_scoped3A = tpu.sem_alloc : memref<!tpu.dma_semaphore, #tpu.memory_space<semaphore_mem>>
      %dma_start3A_28 = arith.constant 0 : i32
      %dma_start3A_29 = arith.constant 0 : i32
      %dma_start3A_30 = tpu.memref_slice %arg3[%add3A, %dma_start3A_28, %dma_start3A_29] : memref<32x128x128xi32, #tpu.memory_space<hbm>> -> memref<1x128x128xi32, #tpu.memory_space<hbm>>
      %dma_start3A_31 = tpu.memref_squeeze %dma_start3A_30 : memref<1x128x128xi32, #tpu.memory_space<hbm>> -> memref<128x128xi32, #tpu.memory_space<hbm>>
      %dma_start3A_32 = arith.constant 0 : i32
      %dma_start3A_33 = arith.constant 0 : i32
      %dma_start3A_34 = tpu.memref_slice %arg3[%add3A, %dma_start3A_32, %dma_start3A_33] : memref<32x128x128xi32, #tpu.memory_space<hbm>> -> memref<1x128x128xi32, #tpu.memory_space<hbm>>
      %dma_start3A_35 = tpu.memref_squeeze %dma_start3A_34 : memref<1x128x128xi32, #tpu.memory_space<hbm>> -> memref<128x128xi32, #tpu.memory_space<hbm>>
      tpu.enqueue_dma source(%dma_start3A_35 : memref<128x128xi32, #tpu.memory_space<hbm>>) target(%arg5 : memref<128x128xi32, #tpu.memory_space<vmem>>) target_semaphore(%run_scoped3A : memref<!tpu.dma_semaphore, #tpu.memory_space<semaphore_mem>>)
      %dma_wait3A_36 = arith.constant 0 : i32
      %dma_wait3A_37 = arith.constant 0 : i32
      %dma_wait3A_38 = tpu.memref_slice %arg3[%add3A, %dma_wait3A_36, %dma_wait3A_37] : memref<32x128x128xi32, #tpu.memory_space<hbm>> -> memref<1x128x128xi32, #tpu.memory_space<hbm>>
      %dma_wait3A_39 = tpu.memref_squeeze %dma_wait3A_38 : memref<1x128x128xi32, #tpu.memory_space<hbm>> -> memref<128x128xi32, #tpu.memory_space<hbm>>
      %dma_wait3A_40 = arith.constant 0 : i32
      %dma_wait3A_41 = arith.constant 0 : i32
      %dma_wait3A_42 = tpu.memref_slice %arg3[%add3A, %dma_wait3A_40, %dma_wait3A_41] : memref<32x128x128xi32, #tpu.memory_space<hbm>> -> memref<1x128x128xi32, #tpu.memory_space<hbm>>
      %dma_wait3A_43 = tpu.memref_squeeze %dma_wait3A_42 : memref<1x128x128xi32, #tpu.memory_space<hbm>> -> memref<128x128xi32, #tpu.memory_space<hbm>>
      tpu.wait_dma2 semaphore(%run_scoped3A : memref<!tpu.dma_semaphore, #tpu.memory_space<semaphore_mem>>) src(%dma_wait3A_43 : memref<128x128xi32, #tpu.memory_space<hbm>>) dst(%arg5 : memref<128x128xi32, #tpu.memory_space<vmem>>)
      tpu.yield
    }) : () -> ()
    %dma_start3A = arith.constant 0 : i32
    %dma_start3A_3 = arith.constant 0 : i32
    %dma_start3A_4 = tpu.memref_slice %arg5[%dma_start3A, %dma_start3A_3] : memref<128x128xi32, #tpu.memory_space<vmem>> -> memref<1x128xi32, #tpu.memory_space<vmem>>
    %dma_start3A_5 = tpu.memref_squeeze %dma_start3A_4 : memref<1x128xi32, #tpu.memory_space<vmem>> -> memref<128xi32, #tpu.memory_space<vmem>>
    %dma_start3A_6 = arith.constant 0 : i32
    %dma_start3A_7 = arith.constant 0 : i32
    %dma_start3A_8 = tpu.memref_slice %arg2[%dma_start3A_6, %dma_start3A_7] : memref<16384x128xf32, #tpu.memory_space<hbm>> -> memref<16384x128xf32, #tpu.memory_space<hbm>>
    tpu.enqueue_indirect_dma source(%dma_start3A_8 : memref<16384x128xf32, #tpu.memory_space<hbm>>) target(%arg6 : memref<128x128xf32, #tpu.memory_space<vmem>>) offsets(%dma_start3A_5 : memref<128xi32, #tpu.memory_space<vmem>>) semaphore(%arg8 : memref<!tpu.dma_semaphore, #tpu.memory_space<semaphore_mem>>)
    %dma_start3A_9 = arith.constant 1 : i32
    %dma_start3A_10 = arith.constant 0 : i32
    %dma_start3A_11 = tpu.memref_slice %arg5[%dma_start3A_9, %dma_start3A_10] : memref<128x128xi32, #tpu.memory_space<vmem>> -> memref<1x128xi32, #tpu.memory_space<vmem>>
    %dma_start3A_12 = tpu.memref_squeeze %dma_start3A_11 : memref<1x128xi32, #tpu.memory_space<vmem>> -> memref<128xi32, #tpu.memory_space<vmem>>
    %dma_start3A_13 = arith.constant 0 : i32
    %dma_start3A_14 = arith.constant 0 : i32
    %dma_start3A_15 = tpu.memref_slice %arg2[%dma_start3A_13, %dma_start3A_14] : memref<16384x128xf32, #tpu.memory_space<hbm>> -> memref<16384x128xf32, #tpu.memory_space<hbm>>
    tpu.enqueue_indirect_dma source(%dma_start3A_15 : memref<16384x128xf32, #tpu.memory_space<hbm>>) target(%arg7 : memref<128x128xf32, #tpu.memory_space<vmem>>) offsets(%dma_start3A_12 : memref<128xi32, #tpu.memory_space<vmem>>) semaphore(%arg9 : memref<!tpu.dma_semaphore, #tpu.memory_space<semaphore_mem>>)
    %scan3A = arith.constant 0 : i32
    %scan3A_16 = arith.constant 0 : i32
    %scan3A_17 = arith.constant 64 : i32
    %scan3A_18 = arith.addi %scan3A_16, %scan3A_17 : i32
    %scan3A_19 = arith.constant 1 : i32
    scf.for %scan3A_28 = %scan3A_16 to %scan3A_18 step %scan3A_19  : i32 {
      %mul3A_29 = arith.constant 2 : i32
      %mul3A_30 = arith.muli %mul3A_29, %scan3A_28 : i32
      %add3A_31 = arith.constant 0 : i32
      %add3A_32 = arith.addi %mul3A_30, %add3A_31 : i32
      %dma_wait3A_33 = arith.constant 0 : i32
      %dma_wait3A_34 = arith.constant 0 : i32
      %dma_wait3A_35 = tpu.memref_slice %arg5[%dma_wait3A_33, %dma_wait3A_34] : memref<128x128xi32, #tpu.memory_space<vmem>> -> memref<1x128xi32, #tpu.memory_space<vmem>>
      %dma_wait3A_36 = tpu.memref_squeeze %dma_wait3A_35 : memref<1x128xi32, #tpu.memory_space<vmem>> -> memref<128xi32, #tpu.memory_space<vmem>>
      %dma_wait3A_37 = arith.constant 0 : i32
      %dma_wait3A_38 = arith.constant 0 : i32
      %dma_wait3A_39 = tpu.memref_slice %arg2[%dma_wait3A_37, %dma_wait3A_38] : memref<16384x128xf32, #tpu.memory_space<hbm>> -> memref<16384x128xf32, #tpu.memory_space<hbm>>
      tpu.wait_indirect_dma semaphore(%arg8 : memref<!tpu.dma_semaphore, #tpu.memory_space<semaphore_mem>>) src(%dma_wait3A_39 : memref<16384x128xf32, #tpu.memory_space<hbm>>) dst(%arg6 : memref<128x128xf32, #tpu.memory_space<vmem>>)
      %mul3A_40 = arith.constant 128 : i32
      %mul3A_41 = arith.muli %add3A_32, %mul3A_40 : i32
      %add3A_42 = arith.addi %mul3A_2, %mul3A_41 : i32
      %dma_start3A_43 = arith.constant 0 : i32
      %dma_start3A_44 = tpu.memref_slice %arg4[%add3A_42, %dma_start3A_43] : memref<524288x128xf32, #tpu.memory_space<hbm>> -> memref<128x128xf32, #tpu.memory_space<hbm>>
      %dma_start3A_45 = arith.constant 0 : i32
      %dma_start3A_46 = tpu.memref_slice %arg4[%add3A_42, %dma_start3A_45] : memref<524288x128xf32, #tpu.memory_space<hbm>> -> memref<128x128xf32, #tpu.memory_space<hbm>>
      tpu.enqueue_dma source(%arg6 : memref<128x128xf32, #tpu.memory_space<vmem>>) target(%dma_start3A_46 : memref<128x128xf32, #tpu.memory_space<hbm>>) target_semaphore(%arg10 : memref<!tpu.dma_semaphore, #tpu.memory_space<semaphore_mem>>)
      %mul3A_47 = arith.constant 2 : i32
      %mul3A_48 = arith.muli %mul3A_47, %scan3A_28 : i32
      %add3A_49 = arith.constant 1 : i32
      %add3A_50 = arith.addi %mul3A_48, %add3A_49 : i32
      %dma_wait3A_51 = arith.constant 0 : i32
      %dma_wait3A_52 = arith.constant 0 : i32
      %dma_wait3A_53 = tpu.memref_slice %arg5[%dma_wait3A_51, %dma_wait3A_52] : memref<128x128xi32, #tpu.memory_space<vmem>> -> memref<1x128xi32, #tpu.memory_space<vmem>>
      %dma_wait3A_54 = tpu.memref_squeeze %dma_wait3A_53 : memref<1x128xi32, #tpu.memory_space<vmem>> -> memref<128xi32, #tpu.memory_space<vmem>>
      %dma_wait3A_55 = arith.constant 0 : i32
      %dma_wait3A_56 = arith.constant 0 : i32
      %dma_wait3A_57 = tpu.memref_slice %arg2[%dma_wait3A_55, %dma_wait3A_56] : memref<16384x128xf32, #tpu.memory_space<hbm>> -> memref<16384x128xf32, #tpu.memory_space<hbm>>
      tpu.wait_indirect_dma semaphore(%arg9 : memref<!tpu.dma_semaphore, #tpu.memory_space<semaphore_mem>>) src(%dma_wait3A_57 : memref<16384x128xf32, #tpu.memory_space<hbm>>) dst(%arg7 : memref<128x128xf32, #tpu.memory_space<vmem>>)
      %mul3A_58 = arith.constant 128 : i32
      %mul3A_59 = arith.muli %add3A_50, %mul3A_58 : i32
      %add3A_60 = arith.addi %mul3A_2, %mul3A_59 : i32
      %dma_start3A_61 = arith.constant 0 : i32
      %dma_start3A_62 = tpu.memref_slice %arg4[%add3A_60, %dma_start3A_61] : memref<524288x128xf32, #tpu.memory_space<hbm>> -> memref<128x128xf32, #tpu.memory_space<hbm>>
      %dma_start3A_63 = arith.constant 0 : i32
      %dma_start3A_64 = tpu.memref_slice %arg4[%add3A_60, %dma_start3A_63] : memref<524288x128xf32, #tpu.memory_space<hbm>> -> memref<128x128xf32, #tpu.memory_space<hbm>>
      tpu.enqueue_dma source(%arg7 : memref<128x128xf32, #tpu.memory_space<vmem>>) target(%dma_start3A_64 : memref<128x128xf32, #tpu.memory_space<hbm>>) target_semaphore(%arg11 : memref<!tpu.dma_semaphore, #tpu.memory_space<semaphore_mem>>)
      %mul3A_65 = arith.constant 2 : i32
      %mul3A_66 = arith.muli %mul3A_65, %scan3A_28 : i32
      %add3A_67 = arith.constant 0 : i32
      %add3A_68 = arith.addi %mul3A_66, %add3A_67 : i32
      %add3A_69 = arith.constant 2 : i32
      %add3A_70 = arith.addi %add3A_68, %add3A_69 : i32
      %lt3A = arith.constant 128 : i32
      %lt3A_71 = arith.cmpi slt, %add3A_70, %lt3A : i32
      %convert_element_type3A = arith.extui %lt3A_71 : i1 to i32
      %cond3A = arith.constant 0 : i32
      %cond3A_72 = arith.cmpi ne, %convert_element_type3A, %cond3A : i32
      scf.if %cond3A_72 {
        %dma_wait3A_84 = arith.constant 0 : i32
        %dma_wait3A_85 = tpu.memref_slice %arg4[%mul3A_2, %dma_wait3A_84] : memref<524288x128xf32, #tpu.memory_space<hbm>> -> memref<128x128xf32, #tpu.memory_space<hbm>>
        %dma_wait3A_86 = arith.constant 0 : i32
        %dma_wait3A_87 = tpu.memref_slice %arg4[%mul3A_2, %dma_wait3A_86] : memref<524288x128xf32, #tpu.memory_space<hbm>> -> memref<128x128xf32, #tpu.memory_space<hbm>>
        tpu.wait_dma2 semaphore(%arg10 : memref<!tpu.dma_semaphore, #tpu.memory_space<semaphore_mem>>) src(%arg6 : memref<128x128xf32, #tpu.memory_space<vmem>>) dst(%dma_wait3A_87 : memref<128x128xf32, #tpu.memory_space<hbm>>)
        %add3A_88 = arith.constant 2 : i32
        %add3A_89 = arith.addi %add3A_68, %add3A_88 : i32
        %dma_start3A_90 = arith.constant 0 : i32
        %dma_start3A_91 = tpu.memref_slice %arg5[%add3A_89, %dma_start3A_90] : memref<128x128xi32, #tpu.memory_space<vmem>> -> memref<1x128xi32, #tpu.memory_space<vmem>>
        %dma_start3A_92 = tpu.memref_squeeze %dma_start3A_91 : memref<1x128xi32, #tpu.memory_space<vmem>> -> memref<128xi32, #tpu.memory_space<vmem>>
        %dma_start3A_93 = arith.constant 0 : i32
        %dma_start3A_94 = arith.constant 0 : i32
        %dma_start3A_95 = tpu.memref_slice %arg2[%dma_start3A_93, %dma_start3A_94] : memref<16384x128xf32, #tpu.memory_space<hbm>> -> memref<16384x128xf32, #tpu.memory_space<hbm>>
        tpu.enqueue_indirect_dma source(%dma_start3A_95 : memref<16384x128xf32, #tpu.memory_space<hbm>>) target(%arg6 : memref<128x128xf32, #tpu.memory_space<vmem>>) offsets(%dma_start3A_92 : memref<128xi32, #tpu.memory_space<vmem>>) semaphore(%arg8 : memref<!tpu.dma_semaphore, #tpu.memory_space<semaphore_mem>>)
      } else {
      }
      %mul3A_73 = arith.constant 2 : i32
      %mul3A_74 = arith.muli %mul3A_73, %scan3A_28 : i32
      %add3A_75 = arith.constant 1 : i32
      %add3A_76 = arith.addi %mul3A_74, %add3A_75 : i32
      %add3A_77 = arith.constant 2 : i32
      %add3A_78 = arith.addi %add3A_76, %add3A_77 : i32
      %lt3A_79 = arith.constant 128 : i32
      %lt3A_80 = arith.cmpi slt, %add3A_78, %lt3A_79 : i32
      %convert_element_type3A_81 = arith.extui %lt3A_80 : i1 to i32
      %cond3A_82 = arith.constant 0 : i32
      %cond3A_83 = arith.cmpi ne, %convert_element_type3A_81, %cond3A_82 : i32
      scf.if %cond3A_83 {
        %dma_wait3A_84 = arith.constant 0 : i32
        %dma_wait3A_85 = tpu.memref_slice %arg4[%mul3A_2, %dma_wait3A_84] : memref<524288x128xf32, #tpu.memory_space<hbm>> -> memref<128x128xf32, #tpu.memory_space<hbm>>
        %dma_wait3A_86 = arith.constant 0 : i32
        %dma_wait3A_87 = tpu.memref_slice %arg4[%mul3A_2, %dma_wait3A_86] : memref<524288x128xf32, #tpu.memory_space<hbm>> -> memref<128x128xf32, #tpu.memory_space<hbm>>
        tpu.wait_dma2 semaphore(%arg11 : memref<!tpu.dma_semaphore, #tpu.memory_space<semaphore_mem>>) src(%arg7 : memref<128x128xf32, #tpu.memory_space<vmem>>) dst(%dma_wait3A_87 : memref<128x128xf32, #tpu.memory_space<hbm>>)
        %add3A_88 = arith.constant 2 : i32
        %add3A_89 = arith.addi %add3A_76, %add3A_88 : i32
        %dma_start3A_90 = arith.constant 0 : i32
        %dma_start3A_91 = tpu.memref_slice %arg5[%add3A_89, %dma_start3A_90] : memref<128x128xi32, #tpu.memory_space<vmem>> -> memref<1x128xi32, #tpu.memory_space<vmem>>
        %dma_start3A_92 = tpu.memref_squeeze %dma_start3A_91 : memref<1x128xi32, #tpu.memory_space<vmem>> -> memref<128xi32, #tpu.memory_space<vmem>>
        %dma_start3A_93 = arith.constant 0 : i32
        %dma_start3A_94 = arith.constant 0 : i32
        %dma_start3A_95 = tpu.memref_slice %arg2[%dma_start3A_93, %dma_start3A_94] : memref<16384x128xf32, #tpu.memory_space<hbm>> -> memref<16384x128xf32, #tpu.memory_space<hbm>>
        tpu.enqueue_indirect_dma source(%dma_start3A_95 : memref<16384x128xf32, #tpu.memory_space<hbm>>) target(%arg7 : memref<128x128xf32, #tpu.memory_space<vmem>>) offsets(%dma_start3A_92 : memref<128xi32, #tpu.memory_space<vmem>>) semaphore(%arg9 : memref<!tpu.dma_semaphore, #tpu.memory_space<semaphore_mem>>)
      } else {
      }
    }
    %scan3A_20 = arith.constant 64 : i32
    %dma_wait3A = arith.constant 0 : i32
    %dma_wait3A_21 = tpu.memref_slice %arg4[%mul3A_2, %dma_wait3A] : memref<524288x128xf32, #tpu.memory_space<hbm>> -> memref<128x128xf32, #tpu.memory_space<hbm>>
    %dma_wait3A_22 = arith.constant 0 : i32
    %dma_wait3A_23 = tpu.memref_slice %arg4[%mul3A_2, %dma_wait3A_22] : memref<524288x128xf32, #tpu.memory_space<hbm>> -> memref<128x128xf32, #tpu.memory_space<hbm>>
    tpu.wait_dma2 semaphore(%arg10 : memref<!tpu.dma_semaphore, #tpu.memory_space<semaphore_mem>>) src(%arg6 : memref<128x128xf32, #tpu.memory_space<vmem>>) dst(%dma_wait3A_23 : memref<128x128xf32, #tpu.memory_space<hbm>>)
    %dma_wait3A_24 = arith.constant 0 : i32
    %dma_wait3A_25 = tpu.memref_slice %arg4[%mul3A_2, %dma_wait3A_24] : memref<524288x128xf32, #tpu.memory_space<hbm>> -> memref<128x128xf32, #tpu.memory_space<hbm>>
    %dma_wait3A_26 = arith.constant 0 : i32
    %dma_wait3A_27 = tpu.memref_slice %arg4[%mul3A_2, %dma_wait3A_26] : memref<524288x128xf32, #tpu.memory_space<hbm>> -> memref<128x128xf32, #tpu.memory_space<hbm>>
    tpu.wait_dma2 semaphore(%arg11 : memref<!tpu.dma_semaphore, #tpu.memory_space<semaphore_mem>>) src(%arg7 : memref<128x128xf32, #tpu.memory_space<vmem>>) dst(%dma_wait3A_27 : memref<128x128xf32, #tpu.memory_space<hbm>>)
    return
  }
}

#map = affine_map<(d0, d1) -> (0, 0)>
#map1 = affine_map<(d0, d1) -> (0)>
module attributes {stable_mosaic.version = 14 : i64} {
  func.func @k(%arg0: i32, %arg1: i32, %arg2: memref<32768x128xf32, #tpu.memory_space<hbm>>, %arg3: memref<4096xf32, #tpu.memory_space<hbm>>, %arg4: memref<4096xf32, #tpu.memory_space<hbm>>, %arg5: memref<4096xf32, #tpu.memory_space<hbm>>, %arg6: memref<4096x128xf32, #tpu.memory_space<hbm>>, %arg7: memref<128xf32, #tpu.memory_space<vmem>>, %arg8: memref<128xf32, #tpu.memory_space<vmem>>, %arg9: memref<128xf32, #tpu.memory_space<vmem>>, %arg10: memref<128xi32, #tpu.memory_space<vmem>>, %arg11: memref<128x128xf32, #tpu.memory_space<vmem>>, %arg12: memref<!tpu.dma_semaphore, #tpu.memory_space<semaphore_mem>>) attributes {dimension_semantics = [#tpu.dimension_semantics<core_parallel>, #tpu.dimension_semantics<subcore_parallel>], iteration_bounds = array<i64: 2, 16>, scalar_prefetch = 0 : i64, scratch_operands = 6 : i64, tpu.core_type = #tpu.core_type<sc_vector_subcore>, window_params = [{transform_indices = #map}, {transform_indices = #map1}, {transform_indices = #map1}, {transform_indices = #map1}, {transform_indices = #map}]} {
    %mul3A = arith.constant 2 : i32
    %mul3A_0 = arith.muli %arg1, %mul3A : i32
    %add3A = arith.addi %mul3A_0, %arg0 : i32
    %mul3A_1 = arith.constant 128 : i32
    %mul3A_2 = arith.muli %add3A, %mul3A_1 : i32
    "tpu.region"() ({
      %run_scoped3A = tpu.sem_alloc : memref<!tpu.dma_semaphore, #tpu.memory_space<semaphore_mem>>
      %dma_start3A_196 = tpu.memref_slice %arg3[%mul3A_2] : memref<4096xf32, #tpu.memory_space<hbm>> -> memref<128xf32, #tpu.memory_space<hbm>>
      %dma_start3A_197 = tpu.memref_slice %arg3[%mul3A_2] : memref<4096xf32, #tpu.memory_space<hbm>> -> memref<128xf32, #tpu.memory_space<hbm>>
      tpu.enqueue_dma source(%dma_start3A_197 : memref<128xf32, #tpu.memory_space<hbm>>) target(%arg7 : memref<128xf32, #tpu.memory_space<vmem>>) target_semaphore(%run_scoped3A : memref<!tpu.dma_semaphore, #tpu.memory_space<semaphore_mem>>)
      %dma_wait3A_198 = tpu.memref_slice %arg3[%mul3A_2] : memref<4096xf32, #tpu.memory_space<hbm>> -> memref<128xf32, #tpu.memory_space<hbm>>
      %dma_wait3A_199 = tpu.memref_slice %arg3[%mul3A_2] : memref<4096xf32, #tpu.memory_space<hbm>> -> memref<128xf32, #tpu.memory_space<hbm>>
      tpu.wait_dma2 semaphore(%run_scoped3A : memref<!tpu.dma_semaphore, #tpu.memory_space<semaphore_mem>>) src(%dma_wait3A_199 : memref<128xf32, #tpu.memory_space<hbm>>) dst(%arg7 : memref<128xf32, #tpu.memory_space<vmem>>)
      tpu.yield
    }) : () -> ()
    "tpu.region"() ({
      %run_scoped3A = tpu.sem_alloc : memref<!tpu.dma_semaphore, #tpu.memory_space<semaphore_mem>>
      %dma_start3A_196 = tpu.memref_slice %arg4[%mul3A_2] : memref<4096xf32, #tpu.memory_space<hbm>> -> memref<128xf32, #tpu.memory_space<hbm>>
      %dma_start3A_197 = tpu.memref_slice %arg4[%mul3A_2] : memref<4096xf32, #tpu.memory_space<hbm>> -> memref<128xf32, #tpu.memory_space<hbm>>
      tpu.enqueue_dma source(%dma_start3A_197 : memref<128xf32, #tpu.memory_space<hbm>>) target(%arg8 : memref<128xf32, #tpu.memory_space<vmem>>) target_semaphore(%run_scoped3A : memref<!tpu.dma_semaphore, #tpu.memory_space<semaphore_mem>>)
      %dma_wait3A_198 = tpu.memref_slice %arg4[%mul3A_2] : memref<4096xf32, #tpu.memory_space<hbm>> -> memref<128xf32, #tpu.memory_space<hbm>>
      %dma_wait3A_199 = tpu.memref_slice %arg4[%mul3A_2] : memref<4096xf32, #tpu.memory_space<hbm>> -> memref<128xf32, #tpu.memory_space<hbm>>
      tpu.wait_dma2 semaphore(%run_scoped3A : memref<!tpu.dma_semaphore, #tpu.memory_space<semaphore_mem>>) src(%dma_wait3A_199 : memref<128xf32, #tpu.memory_space<hbm>>) dst(%arg8 : memref<128xf32, #tpu.memory_space<vmem>>)
      tpu.yield
    }) : () -> ()
    "tpu.region"() ({
      %run_scoped3A = tpu.sem_alloc : memref<!tpu.dma_semaphore, #tpu.memory_space<semaphore_mem>>
      %dma_start3A_196 = tpu.memref_slice %arg5[%mul3A_2] : memref<4096xf32, #tpu.memory_space<hbm>> -> memref<128xf32, #tpu.memory_space<hbm>>
      %dma_start3A_197 = tpu.memref_slice %arg5[%mul3A_2] : memref<4096xf32, #tpu.memory_space<hbm>> -> memref<128xf32, #tpu.memory_space<hbm>>
      tpu.enqueue_dma source(%dma_start3A_197 : memref<128xf32, #tpu.memory_space<hbm>>) target(%arg9 : memref<128xf32, #tpu.memory_space<vmem>>) target_semaphore(%run_scoped3A : memref<!tpu.dma_semaphore, #tpu.memory_space<semaphore_mem>>)
      %dma_wait3A_198 = tpu.memref_slice %arg5[%mul3A_2] : memref<4096xf32, #tpu.memory_space<hbm>> -> memref<128xf32, #tpu.memory_space<hbm>>
      %dma_wait3A_199 = tpu.memref_slice %arg5[%mul3A_2] : memref<4096xf32, #tpu.memory_space<hbm>> -> memref<128xf32, #tpu.memory_space<hbm>>
      tpu.wait_dma2 semaphore(%run_scoped3A : memref<!tpu.dma_semaphore, #tpu.memory_space<semaphore_mem>>) src(%dma_wait3A_199 : memref<128xf32, #tpu.memory_space<hbm>>) dst(%arg9 : memref<128xf32, #tpu.memory_space<vmem>>)
      tpu.yield
    }) : () -> ()
    %get3A = arith.constant 0 : index
    %get3A_3 = tpu.vector_load %arg7[%get3A] {strides = array<i32>} : memref<128xf32, #tpu.memory_space<vmem>>, vector<16xf32>,
    %get3A_4 = vector.shape_cast %get3A_3 : vector<16xf32> to vector<16xf32>
    %convert_element_type3A = arith.fptosi %get3A_4 : vector<16xf32> to vector<16xi32>
    %get3A_5 = arith.constant 0 : index
    %get3A_6 = tpu.vector_load %arg8[%get3A_5] {strides = array<i32>} : memref<128xf32, #tpu.memory_space<vmem>>, vector<16xf32>,
    %get3A_7 = vector.shape_cast %get3A_6 : vector<16xf32> to vector<16xf32>
    %convert_element_type3A_8 = arith.fptosi %get3A_7 : vector<16xf32> to vector<16xi32>
    %get3A_9 = arith.constant 0 : index
    %get3A_10 = tpu.vector_load %arg9[%get3A_9] {strides = array<i32>} : memref<128xf32, #tpu.memory_space<vmem>>, vector<16xf32>,
    %get3A_11 = vector.shape_cast %get3A_10 : vector<16xf32> to vector<16xf32>
    %convert_element_type3A_12 = arith.fptosi %get3A_11 : vector<16xf32> to vector<16xi32>
    %mul3A_13 = arith.constant 1024 : i32
    %mul3A_14 = vector.broadcast %mul3A_13 : i32 to vector<16xi32>
    %mul3A_15 = arith.muli %convert_element_type3A, %mul3A_14 : vector<16xi32>
    %mul3A_16 = arith.constant 32 : i32
    %mul3A_17 = vector.broadcast %mul3A_16 : i32 to vector<16xi32>
    %mul3A_18 = arith.muli %convert_element_type3A_8, %mul3A_17 : vector<16xi32>
    %add3A_19 = arith.addi %mul3A_15, %mul3A_18 : vector<16xi32>
    %add3A_20 = arith.addi %add3A_19, %convert_element_type3A_12 : vector<16xi32>
    %swap3A = arith.constant 0 : index
    %swap3A_21 = tpu.vector_load %arg10[%swap3A] {strides = array<i32>} : memref<128xi32, #tpu.memory_space<vmem>>, vector<16xi32>,
    %swap3A_22 = vector.shape_cast %swap3A_21 : vector<16xi32> to vector<16xi32>
    %swap3A_23 = vector.shape_cast %add3A_20 : vector<16xi32> to vector<16xi32>
    tpu.vector_store %arg10[%swap3A], %swap3A_23 {strides = array<i32>} : memref<128xi32, #tpu.memory_space<vmem>>, vector<16xi32>,
    %get3A_24 = arith.constant 16 : index
    %get3A_25 = tpu.vector_load %arg7[%get3A_24] {strides = array<i32>} : memref<128xf32, #tpu.memory_space<vmem>>, vector<16xf32>,
    %get3A_26 = vector.shape_cast %get3A_25 : vector<16xf32> to vector<16xf32>
    %convert_element_type3A_27 = arith.fptosi %get3A_26 : vector<16xf32> to vector<16xi32>
    %get3A_28 = arith.constant 16 : index
    %get3A_29 = tpu.vector_load %arg8[%get3A_28] {strides = array<i32>} : memref<128xf32, #tpu.memory_space<vmem>>, vector<16xf32>,
    %get3A_30 = vector.shape_cast %get3A_29 : vector<16xf32> to vector<16xf32>
    %convert_element_type3A_31 = arith.fptosi %get3A_30 : vector<16xf32> to vector<16xi32>
    %get3A_32 = arith.constant 16 : index
    %get3A_33 = tpu.vector_load %arg9[%get3A_32] {strides = array<i32>} : memref<128xf32, #tpu.memory_space<vmem>>, vector<16xf32>,
    %get3A_34 = vector.shape_cast %get3A_33 : vector<16xf32> to vector<16xf32>
    %convert_element_type3A_35 = arith.fptosi %get3A_34 : vector<16xf32> to vector<16xi32>
    %mul3A_36 = arith.constant 1024 : i32
    %mul3A_37 = vector.broadcast %mul3A_36 : i32 to vector<16xi32>
    %mul3A_38 = arith.muli %convert_element_type3A_27, %mul3A_37 : vector<16xi32>
    %mul3A_39 = arith.constant 32 : i32
    %mul3A_40 = vector.broadcast %mul3A_39 : i32 to vector<16xi32>
    %mul3A_41 = arith.muli %convert_element_type3A_31, %mul3A_40 : vector<16xi32>
    %add3A_42 = arith.addi %mul3A_38, %mul3A_41 : vector<16xi32>
    %add3A_43 = arith.addi %add3A_42, %convert_element_type3A_35 : vector<16xi32>
    %swap3A_44 = arith.constant 16 : index
    %swap3A_45 = tpu.vector_load %arg10[%swap3A_44] {strides = array<i32>} : memref<128xi32, #tpu.memory_space<vmem>>, vector<16xi32>,
    %swap3A_46 = vector.shape_cast %swap3A_45 : vector<16xi32> to vector<16xi32>
    %swap3A_47 = vector.shape_cast %add3A_43 : vector<16xi32> to vector<16xi32>
    tpu.vector_store %arg10[%swap3A_44], %swap3A_47 {strides = array<i32>} : memref<128xi32, #tpu.memory_space<vmem>>, vector<16xi32>,
    %get3A_48 = arith.constant 32 : index
    %get3A_49 = tpu.vector_load %arg7[%get3A_48] {strides = array<i32>} : memref<128xf32, #tpu.memory_space<vmem>>, vector<16xf32>,
    %get3A_50 = vector.shape_cast %get3A_49 : vector<16xf32> to vector<16xf32>
    %convert_element_type3A_51 = arith.fptosi %get3A_50 : vector<16xf32> to vector<16xi32>
    %get3A_52 = arith.constant 32 : index
    %get3A_53 = tpu.vector_load %arg8[%get3A_52] {strides = array<i32>} : memref<128xf32, #tpu.memory_space<vmem>>, vector<16xf32>,
    %get3A_54 = vector.shape_cast %get3A_53 : vector<16xf32> to vector<16xf32>
    %convert_element_type3A_55 = arith.fptosi %get3A_54 : vector<16xf32> to vector<16xi32>
    %get3A_56 = arith.constant 32 : index
    %get3A_57 = tpu.vector_load %arg9[%get3A_56] {strides = array<i32>} : memref<128xf32, #tpu.memory_space<vmem>>, vector<16xf32>,
    %get3A_58 = vector.shape_cast %get3A_57 : vector<16xf32> to vector<16xf32>
    %convert_element_type3A_59 = arith.fptosi %get3A_58 : vector<16xf32> to vector<16xi32>
    %mul3A_60 = arith.constant 1024 : i32
    %mul3A_61 = vector.broadcast %mul3A_60 : i32 to vector<16xi32>
    %mul3A_62 = arith.muli %convert_element_type3A_51, %mul3A_61 : vector<16xi32>
    %mul3A_63 = arith.constant 32 : i32
    %mul3A_64 = vector.broadcast %mul3A_63 : i32 to vector<16xi32>
    %mul3A_65 = arith.muli %convert_element_type3A_55, %mul3A_64 : vector<16xi32>
    %add3A_66 = arith.addi %mul3A_62, %mul3A_65 : vector<16xi32>
    %add3A_67 = arith.addi %add3A_66, %convert_element_type3A_59 : vector<16xi32>
    %swap3A_68 = arith.constant 32 : index
    %swap3A_69 = tpu.vector_load %arg10[%swap3A_68] {strides = array<i32>} : memref<128xi32, #tpu.memory_space<vmem>>, vector<16xi32>,
    %swap3A_70 = vector.shape_cast %swap3A_69 : vector<16xi32> to vector<16xi32>
    %swap3A_71 = vector.shape_cast %add3A_67 : vector<16xi32> to vector<16xi32>
    tpu.vector_store %arg10[%swap3A_68], %swap3A_71 {strides = array<i32>} : memref<128xi32, #tpu.memory_space<vmem>>, vector<16xi32>,
    %get3A_72 = arith.constant 48 : index
    %get3A_73 = tpu.vector_load %arg7[%get3A_72] {strides = array<i32>} : memref<128xf32, #tpu.memory_space<vmem>>, vector<16xf32>,
    %get3A_74 = vector.shape_cast %get3A_73 : vector<16xf32> to vector<16xf32>
    %convert_element_type3A_75 = arith.fptosi %get3A_74 : vector<16xf32> to vector<16xi32>
    %get3A_76 = arith.constant 48 : index
    %get3A_77 = tpu.vector_load %arg8[%get3A_76] {strides = array<i32>} : memref<128xf32, #tpu.memory_space<vmem>>, vector<16xf32>,
    %get3A_78 = vector.shape_cast %get3A_77 : vector<16xf32> to vector<16xf32>
    %convert_element_type3A_79 = arith.fptosi %get3A_78 : vector<16xf32> to vector<16xi32>
    %get3A_80 = arith.constant 48 : index
    %get3A_81 = tpu.vector_load %arg9[%get3A_80] {strides = array<i32>} : memref<128xf32, #tpu.memory_space<vmem>>, vector<16xf32>,
    %get3A_82 = vector.shape_cast %get3A_81 : vector<16xf32> to vector<16xf32>
    %convert_element_type3A_83 = arith.fptosi %get3A_82 : vector<16xf32> to vector<16xi32>
    %mul3A_84 = arith.constant 1024 : i32
    %mul3A_85 = vector.broadcast %mul3A_84 : i32 to vector<16xi32>
    %mul3A_86 = arith.muli %convert_element_type3A_75, %mul3A_85 : vector<16xi32>
    %mul3A_87 = arith.constant 32 : i32
    %mul3A_88 = vector.broadcast %mul3A_87 : i32 to vector<16xi32>
    %mul3A_89 = arith.muli %convert_element_type3A_79, %mul3A_88 : vector<16xi32>
    %add3A_90 = arith.addi %mul3A_86, %mul3A_89 : vector<16xi32>
    %add3A_91 = arith.addi %add3A_90, %convert_element_type3A_83 : vector<16xi32>
    %swap3A_92 = arith.constant 48 : index
    %swap3A_93 = tpu.vector_load %arg10[%swap3A_92] {strides = array<i32>} : memref<128xi32, #tpu.memory_space<vmem>>, vector<16xi32>,
    %swap3A_94 = vector.shape_cast %swap3A_93 : vector<16xi32> to vector<16xi32>
    %swap3A_95 = vector.shape_cast %add3A_91 : vector<16xi32> to vector<16xi32>
    tpu.vector_store %arg10[%swap3A_92], %swap3A_95 {strides = array<i32>} : memref<128xi32, #tpu.memory_space<vmem>>, vector<16xi32>,
    %get3A_96 = arith.constant 64 : index
    %get3A_97 = tpu.vector_load %arg7[%get3A_96] {strides = array<i32>} : memref<128xf32, #tpu.memory_space<vmem>>, vector<16xf32>,
    %get3A_98 = vector.shape_cast %get3A_97 : vector<16xf32> to vector<16xf32>
    %convert_element_type3A_99 = arith.fptosi %get3A_98 : vector<16xf32> to vector<16xi32>
    %get3A_100 = arith.constant 64 : index
    %get3A_101 = tpu.vector_load %arg8[%get3A_100] {strides = array<i32>} : memref<128xf32, #tpu.memory_space<vmem>>, vector<16xf32>,
    %get3A_102 = vector.shape_cast %get3A_101 : vector<16xf32> to vector<16xf32>
    %convert_element_type3A_103 = arith.fptosi %get3A_102 : vector<16xf32> to vector<16xi32>
    %get3A_104 = arith.constant 64 : index
    %get3A_105 = tpu.vector_load %arg9[%get3A_104] {strides = array<i32>} : memref<128xf32, #tpu.memory_space<vmem>>, vector<16xf32>,
    %get3A_106 = vector.shape_cast %get3A_105 : vector<16xf32> to vector<16xf32>
    %convert_element_type3A_107 = arith.fptosi %get3A_106 : vector<16xf32> to vector<16xi32>
    %mul3A_108 = arith.constant 1024 : i32
    %mul3A_109 = vector.broadcast %mul3A_108 : i32 to vector<16xi32>
    %mul3A_110 = arith.muli %convert_element_type3A_99, %mul3A_109 : vector<16xi32>
    %mul3A_111 = arith.constant 32 : i32
    %mul3A_112 = vector.broadcast %mul3A_111 : i32 to vector<16xi32>
    %mul3A_113 = arith.muli %convert_element_type3A_103, %mul3A_112 : vector<16xi32>
    %add3A_114 = arith.addi %mul3A_110, %mul3A_113 : vector<16xi32>
    %add3A_115 = arith.addi %add3A_114, %convert_element_type3A_107 : vector<16xi32>
    %swap3A_116 = arith.constant 64 : index
    %swap3A_117 = tpu.vector_load %arg10[%swap3A_116] {strides = array<i32>} : memref<128xi32, #tpu.memory_space<vmem>>, vector<16xi32>,
    %swap3A_118 = vector.shape_cast %swap3A_117 : vector<16xi32> to vector<16xi32>
    %swap3A_119 = vector.shape_cast %add3A_115 : vector<16xi32> to vector<16xi32>
    tpu.vector_store %arg10[%swap3A_116], %swap3A_119 {strides = array<i32>} : memref<128xi32, #tpu.memory_space<vmem>>, vector<16xi32>,
    %get3A_120 = arith.constant 80 : index
    %get3A_121 = tpu.vector_load %arg7[%get3A_120] {strides = array<i32>} : memref<128xf32, #tpu.memory_space<vmem>>, vector<16xf32>,
    %get3A_122 = vector.shape_cast %get3A_121 : vector<16xf32> to vector<16xf32>
    %convert_element_type3A_123 = arith.fptosi %get3A_122 : vector<16xf32> to vector<16xi32>
    %get3A_124 = arith.constant 80 : index
    %get3A_125 = tpu.vector_load %arg8[%get3A_124] {strides = array<i32>} : memref<128xf32, #tpu.memory_space<vmem>>, vector<16xf32>,
    %get3A_126 = vector.shape_cast %get3A_125 : vector<16xf32> to vector<16xf32>
    %convert_element_type3A_127 = arith.fptosi %get3A_126 : vector<16xf32> to vector<16xi32>
    %get3A_128 = arith.constant 80 : index
    %get3A_129 = tpu.vector_load %arg9[%get3A_128] {strides = array<i32>} : memref<128xf32, #tpu.memory_space<vmem>>, vector<16xf32>,
    %get3A_130 = vector.shape_cast %get3A_129 : vector<16xf32> to vector<16xf32>
    %convert_element_type3A_131 = arith.fptosi %get3A_130 : vector<16xf32> to vector<16xi32>
    %mul3A_132 = arith.constant 1024 : i32
    %mul3A_133 = vector.broadcast %mul3A_132 : i32 to vector<16xi32>
    %mul3A_134 = arith.muli %convert_element_type3A_123, %mul3A_133 : vector<16xi32>
    %mul3A_135 = arith.constant 32 : i32
    %mul3A_136 = vector.broadcast %mul3A_135 : i32 to vector<16xi32>
    %mul3A_137 = arith.muli %convert_element_type3A_127, %mul3A_136 : vector<16xi32>
    %add3A_138 = arith.addi %mul3A_134, %mul3A_137 : vector<16xi32>
    %add3A_139 = arith.addi %add3A_138, %convert_element_type3A_131 : vector<16xi32>
    %swap3A_140 = arith.constant 80 : index
    %swap3A_141 = tpu.vector_load %arg10[%swap3A_140] {strides = array<i32>} : memref<128xi32, #tpu.memory_space<vmem>>, vector<16xi32>,
    %swap3A_142 = vector.shape_cast %swap3A_141 : vector<16xi32> to vector<16xi32>
    %swap3A_143 = vector.shape_cast %add3A_139 : vector<16xi32> to vector<16xi32>
    tpu.vector_store %arg10[%swap3A_140], %swap3A_143 {strides = array<i32>} : memref<128xi32, #tpu.memory_space<vmem>>, vector<16xi32>,
    %get3A_144 = arith.constant 96 : index
    %get3A_145 = tpu.vector_load %arg7[%get3A_144] {strides = array<i32>} : memref<128xf32, #tpu.memory_space<vmem>>, vector<16xf32>,
    %get3A_146 = vector.shape_cast %get3A_145 : vector<16xf32> to vector<16xf32>
    %convert_element_type3A_147 = arith.fptosi %get3A_146 : vector<16xf32> to vector<16xi32>
    %get3A_148 = arith.constant 96 : index
    %get3A_149 = tpu.vector_load %arg8[%get3A_148] {strides = array<i32>} : memref<128xf32, #tpu.memory_space<vmem>>, vector<16xf32>,
    %get3A_150 = vector.shape_cast %get3A_149 : vector<16xf32> to vector<16xf32>
    %convert_element_type3A_151 = arith.fptosi %get3A_150 : vector<16xf32> to vector<16xi32>
    %get3A_152 = arith.constant 96 : index
    %get3A_153 = tpu.vector_load %arg9[%get3A_152] {strides = array<i32>} : memref<128xf32, #tpu.memory_space<vmem>>, vector<16xf32>,
    %get3A_154 = vector.shape_cast %get3A_153 : vector<16xf32> to vector<16xf32>
    %convert_element_type3A_155 = arith.fptosi %get3A_154 : vector<16xf32> to vector<16xi32>
    %mul3A_156 = arith.constant 1024 : i32
    %mul3A_157 = vector.broadcast %mul3A_156 : i32 to vector<16xi32>
    %mul3A_158 = arith.muli %convert_element_type3A_147, %mul3A_157 : vector<16xi32>
    %mul3A_159 = arith.constant 32 : i32
    %mul3A_160 = vector.broadcast %mul3A_159 : i32 to vector<16xi32>
    %mul3A_161 = arith.muli %convert_element_type3A_151, %mul3A_160 : vector<16xi32>
    %add3A_162 = arith.addi %mul3A_158, %mul3A_161 : vector<16xi32>
    %add3A_163 = arith.addi %add3A_162, %convert_element_type3A_155 : vector<16xi32>
    %swap3A_164 = arith.constant 96 : index
    %swap3A_165 = tpu.vector_load %arg10[%swap3A_164] {strides = array<i32>} : memref<128xi32, #tpu.memory_space<vmem>>, vector<16xi32>,
    %swap3A_166 = vector.shape_cast %swap3A_165 : vector<16xi32> to vector<16xi32>
    %swap3A_167 = vector.shape_cast %add3A_163 : vector<16xi32> to vector<16xi32>
    tpu.vector_store %arg10[%swap3A_164], %swap3A_167 {strides = array<i32>} : memref<128xi32, #tpu.memory_space<vmem>>, vector<16xi32>,
    %get3A_168 = arith.constant 112 : index
    %get3A_169 = tpu.vector_load %arg7[%get3A_168] {strides = array<i32>} : memref<128xf32, #tpu.memory_space<vmem>>, vector<16xf32>,
    %get3A_170 = vector.shape_cast %get3A_169 : vector<16xf32> to vector<16xf32>
    %convert_element_type3A_171 = arith.fptosi %get3A_170 : vector<16xf32> to vector<16xi32>
    %get3A_172 = arith.constant 112 : index
    %get3A_173 = tpu.vector_load %arg8[%get3A_172] {strides = array<i32>} : memref<128xf32, #tpu.memory_space<vmem>>, vector<16xf32>,
    %get3A_174 = vector.shape_cast %get3A_173 : vector<16xf32> to vector<16xf32>
    %convert_element_type3A_175 = arith.fptosi %get3A_174 : vector<16xf32> to vector<16xi32>
    %get3A_176 = arith.constant 112 : index
    %get3A_177 = tpu.vector_load %arg9[%get3A_176] {strides = array<i32>} : memref<128xf32, #tpu.memory_space<vmem>>, vector<16xf32>,
    %get3A_178 = vector.shape_cast %get3A_177 : vector<16xf32> to vector<16xf32>
    %convert_element_type3A_179 = arith.fptosi %get3A_178 : vector<16xf32> to vector<16xi32>
    %mul3A_180 = arith.constant 1024 : i32
    %mul3A_181 = vector.broadcast %mul3A_180 : i32 to vector<16xi32>
    %mul3A_182 = arith.muli %convert_element_type3A_171, %mul3A_181 : vector<16xi32>
    %mul3A_183 = arith.constant 32 : i32
    %mul3A_184 = vector.broadcast %mul3A_183 : i32 to vector<16xi32>
    %mul3A_185 = arith.muli %convert_element_type3A_175, %mul3A_184 : vector<16xi32>
    %add3A_186 = arith.addi %mul3A_182, %mul3A_185 : vector<16xi32>
    %add3A_187 = arith.addi %add3A_186, %convert_element_type3A_179 : vector<16xi32>
    %swap3A_188 = arith.constant 112 : index
    %swap3A_189 = tpu.vector_load %arg10[%swap3A_188] {strides = array<i32>} : memref<128xi32, #tpu.memory_space<vmem>>, vector<16xi32>,
    %swap3A_190 = vector.shape_cast %swap3A_189 : vector<16xi32> to vector<16xi32>
    %swap3A_191 = vector.shape_cast %add3A_187 : vector<16xi32> to vector<16xi32>
    tpu.vector_store %arg10[%swap3A_188], %swap3A_191 {strides = array<i32>} : memref<128xi32, #tpu.memory_space<vmem>>, vector<16xi32>,
    %dma_start3A = arith.constant 0 : i32
    %dma_start3A_192 = arith.constant 0 : i32
    %dma_start3A_193 = tpu.memref_slice %arg2[%dma_start3A, %dma_start3A_192] : memref<32768x128xf32, #tpu.memory_space<hbm>> -> memref<32768x128xf32, #tpu.memory_space<hbm>>
    tpu.enqueue_indirect_dma source(%dma_start3A_193 : memref<32768x128xf32, #tpu.memory_space<hbm>>) target(%arg11 : memref<128x128xf32, #tpu.memory_space<vmem>>) offsets(%arg10 : memref<128xi32, #tpu.memory_space<vmem>>) semaphore(%arg12 : memref<!tpu.dma_semaphore, #tpu.memory_space<semaphore_mem>>)
    %dma_wait3A = arith.constant 0 : i32
    %dma_wait3A_194 = arith.constant 0 : i32
    %dma_wait3A_195 = tpu.memref_slice %arg2[%dma_wait3A, %dma_wait3A_194] : memref<32768x128xf32, #tpu.memory_space<hbm>> -> memref<32768x128xf32, #tpu.memory_space<hbm>>
    tpu.wait_indirect_dma semaphore(%arg12 : memref<!tpu.dma_semaphore, #tpu.memory_space<semaphore_mem>>) src(%dma_wait3A_195 : memref<32768x128xf32, #tpu.memory_space<hbm>>) dst(%arg11 : memref<128x128xf32, #tpu.memory_space<vmem>>)
    "tpu.region"() ({
      %run_scoped3A = tpu.sem_alloc : memref<!tpu.dma_semaphore, #tpu.memory_space<semaphore_mem>>
      %dma_start3A_196 = arith.constant 0 : i32
      %dma_start3A_197 = tpu.memref_slice %arg6[%mul3A_2, %dma_start3A_196] : memref<4096x128xf32, #tpu.memory_space<hbm>> -> memref<128x128xf32, #tpu.memory_space<hbm>>
      %dma_start3A_198 = arith.constant 0 : i32
      %dma_start3A_199 = tpu.memref_slice %arg6[%mul3A_2, %dma_start3A_198] : memref<4096x128xf32, #tpu.memory_space<hbm>> -> memref<128x128xf32, #tpu.memory_space<hbm>>
      tpu.enqueue_dma source(%arg11 : memref<128x128xf32, #tpu.memory_space<vmem>>) target(%dma_start3A_199 : memref<128x128xf32, #tpu.memory_space<hbm>>) target_semaphore(%run_scoped3A : memref<!tpu.dma_semaphore, #tpu.memory_space<semaphore_mem>>)
      %dma_wait3A_200 = arith.constant 0 : i32
      %dma_wait3A_201 = tpu.memref_slice %arg6[%mul3A_2, %dma_wait3A_200] : memref<4096x128xf32, #tpu.memory_space<hbm>> -> memref<128x128xf32, #tpu.memory_space<hbm>>
      %dma_wait3A_202 = arith.constant 0 : i32
      %dma_wait3A_203 = tpu.memref_slice %arg6[%mul3A_2, %dma_wait3A_202] : memref<4096x128xf32, #tpu.memory_space<hbm>> -> memref<128x128xf32, #tpu.memory_space<hbm>>
      tpu.wait_dma2 semaphore(%run_scoped3A : memref<!tpu.dma_semaphore, #tpu.memory_space<semaphore_mem>>) src(%arg11 : memref<128x128xf32, #tpu.memory_space<vmem>>) dst(%dma_wait3A_203 : memref<128x128xf32, #tpu.memory_space<hbm>>)
      tpu.yield
    }) : () -> ()
    return
  }
}

module attributes {stable_mosaic.version = 14 : i64} {
  func.func @_hist_body(%arg0: i32, %arg1: memref<4096x3xf32, #tpu.memory_space<vmem>>, %arg2: memref<1x1x512xf32, #tpu.memory_space<vmem>>) attributes {dimension_semantics = [#tpu.dimension_semantics<arbitrary>], iteration_bounds = array<i64: 64>, scalar_prefetch = 0 : i64, scratch_operands = 0 : i64, tpu.core_type = #tpu.core_type<tc>, window_params = [{pipeline_mode = #tpu.pipeline_mode<synchronous>, transform_indices = @transform_0, window_bounds = array<i64: 4096, 3>}, {transform_indices = @transform_1, window_bounds = array<i64: 1, 1, 512>}]} {
    %get3A = arith.constant 0 : index
    %get3A_0 = arith.constant 0 : index
    %get3A_1 = vector.load %arg1[%get3A, %get3A_0] : memref<4096x3xf32, #tpu.memory_space<vmem>>, vector<4096x3xf32>
    %slice3A = vector.extract_strided_slice %get3A_1 {offsets = [0, 0], sizes = [4096, 1], strides = [1, 1]} : vector<4096x3xf32> to vector<4096x1xf32>
    %mul3A = arith.constant 3.200000e+01 : f32
    %mul3A_2 = vector.broadcast %mul3A : f32 to vector<4096x1xf32>
    %mul3A_3 = arith.mulf %slice3A, %mul3A_2 : vector<4096x1xf32>
    %floor3A = math.floor %mul3A_3 : vector<4096x1xf32>
    %jit3A = arith.constant 0.000000e+00 : f32
    %jit3A_4 = arith.constant 3.100000e+01 : f32
    %max3A = vector.broadcast %jit3A : f32 to vector<4096x1xf32>
    %max3A_5 = arith.maximumf %max3A, %floor3A : vector<4096x1xf32>
    %min3A = vector.broadcast %jit3A_4 : f32 to vector<4096x1xf32>
    %min3A_6 = arith.minimumf %min3A, %max3A_5 : vector<4096x1xf32>
    %slice3A_7 = vector.extract_strided_slice %get3A_1 {offsets = [0, 1], sizes = [4096, 1], strides = [1, 1]} : vector<4096x3xf32> to vector<4096x1xf32>
    %mul3A_8 = arith.constant 3.200000e+01 : f32
    %mul3A_9 = vector.broadcast %mul3A_8 : f32 to vector<4096x1xf32>
    %mul3A_10 = arith.mulf %slice3A_7, %mul3A_9 : vector<4096x1xf32>
    %floor3A_11 = math.floor %mul3A_10 : vector<4096x1xf32>
    %jit3A_12 = arith.constant 0.000000e+00 : f32
    %jit3A_13 = arith.constant 3.100000e+01 : f32
    %max3A_14 = vector.broadcast %jit3A_12 : f32 to vector<4096x1xf32>
    %max3A_15 = arith.maximumf %max3A_14, %floor3A_11 : vector<4096x1xf32>
    %min3A_16 = vector.broadcast %jit3A_13 : f32 to vector<4096x1xf32>
    %min3A_17 = arith.minimumf %min3A_16, %max3A_15 : vector<4096x1xf32>
    %slice3A_18 = vector.extract_strided_slice %get3A_1 {offsets = [0, 2], sizes = [4096, 1], strides = [1, 1]} : vector<4096x3xf32> to vector<4096x1xf32>
    %mul3A_19 = arith.constant 3.200000e+01 : f32
    %mul3A_20 = vector.broadcast %mul3A_19 : f32 to vector<4096x1xf32>
    %mul3A_21 = arith.mulf %slice3A_18, %mul3A_20 : vector<4096x1xf32>
    %floor3A_22 = math.floor %mul3A_21 : vector<4096x1xf32>
    %jit3A_23 = arith.constant 0.000000e+00 : f32
    %jit3A_24 = arith.constant 3.100000e+01 : f32
    %max3A_25 = vector.broadcast %jit3A_23 : f32 to vector<4096x1xf32>
    %max3A_26 = arith.maximumf %max3A_25, %floor3A_22 : vector<4096x1xf32>
    %min3A_27 = vector.broadcast %jit3A_24 : f32 to vector<4096x1xf32>
    %min3A_28 = arith.minimumf %min3A_27, %max3A_26 : vector<4096x1xf32>
    %mul3A_29 = arith.constant 3.200000e+01 : f32
    %mul3A_30 = vector.broadcast %mul3A_29 : f32 to vector<4096x1xf32>
    %mul3A_31 = arith.mulf %min3A_6, %mul3A_30 : vector<4096x1xf32>
    %add3A = arith.addf %mul3A_31, %min3A_17 : vector<4096x1xf32>
    %mul3A_32 = arith.constant 3.200000e+01 : f32
    %mul3A_33 = vector.broadcast %mul3A_32 : f32 to vector<4096x1xf32>
    %mul3A_34 = arith.mulf %add3A, %mul3A_33 : vector<4096x1xf32>
    %add3A_35 = arith.addf %mul3A_34, %min3A_28 : vector<4096x1xf32>
    %iota3A = tpu.iota {dimensions = array<i32: 1>} : vector<4096x512xi32>
    %mul3A_36 = arith.constant 512 : i32
    %mul3A_37 = arith.muli %arg0, %mul3A_36 : i32
    %add3A_38 = vector.broadcast %mul3A_37 : i32 to vector<4096x512xi32>
    %add3A_39 = arith.addi %iota3A, %add3A_38 : vector<4096x512xi32>
    %convert_element_type3A = arith.sitofp %add3A_39 : vector<4096x512xi32> to vector<4096x512xf32>
    %eq3A = vector.broadcast %add3A_35 : vector<4096x1xf32> to vector<4096x512xf32>
    %eq3A_40 = arith.cmpf oeq, %eq3A, %convert_element_type3A : vector<4096x512xf32>
    %convert_element_type3A_41 = arith.extui %eq3A_40 : vector<4096x512xi1> to vector<4096x512xi32>
    %convert_element_type3A_42 = arith.sitofp %convert_element_type3A_41 : vector<4096x512xi32> to vector<4096x512xf32>
    %reduce_sum3A = arith.constant dense<0.000000e+00> : vector<512xf32>
    %reduce_sum3A_43 = vector.multi_reduction <add>, %convert_element_type3A_42, %reduce_sum3A [0] : vector<4096x512xf32> to vector<512xf32>
    %reshape3A = vector.shape_cast %reduce_sum3A_43 : vector<512xf32> to vector<1x1x512xf32>
    %swap3A = arith.constant 0 : index
    %swap3A_44 = arith.constant 0 : index
    %swap3A_45 = arith.constant 0 : index
    %swap3A_46 = vector.load %arg2[%swap3A, %swap3A_44, %swap3A_45] : memref<1x1x512xf32, #tpu.memory_space<vmem>>, vector<1x1x512xf32>
    tpu.vector_store %arg2[%swap3A, %swap3A_44, %swap3A_45], %reshape3A {strides = array<i32>} : memref<1x1x512xf32, #tpu.memory_space<vmem>>, vector<1x1x512xf32>,
    return
  }
  func.func @transform_0(%arg0: i32) -> (i32, i32) {
    %c0_i32 = arith.constant 0 : i32
    %c0_i32_0 = arith.constant 0 : i32
    %c0_i32_1 = arith.constant 0 : i32
    return %c0_i32, %c0_i32_0 : i32, i32
  }
  func.func @transform_1(%arg0: i32) -> (i32, i32, i32) {
    %c0_i32 = arith.constant 0 : i32
    %c0_i32_0 = arith.constant 0 : i32
    %c0_i32_1 = arith.constant 0 : i32
    return %arg0, %c0_i32, %c0_i32_0 : i32, i32, i32
  }
}

module attributes {stable_mosaic.version = 14 : i64} {
  func.func @_prep_body(%arg0: i32, %arg1: memref<1x64xf32, #tpu.memory_space<vmem>>, %arg2: memref<2048x8xf32, #tpu.memory_space<vmem>>, %arg3: memref<2048x512xf32, #tpu.memory_space<vmem>>, %arg4: memref<512x64xf32, #tpu.memory_space<vmem>>, %arg5: memref<2048x128xf32, #tpu.memory_space<vmem>>) attributes {dimension_semantics = [#tpu.dimension_semantics<arbitrary>], iteration_bounds = array<i64: 16>, scalar_prefetch = 0 : i64, scratch_operands = 0 : i64, tpu.core_type = #tpu.core_type<tc>, window_params = [{pipeline_mode = #tpu.pipeline_mode<synchronous>, transform_indices = @transform_0, window_bounds = array<i64: 1, 64>}, {transform_indices = @transform_1, window_bounds = array<i64: 2048, 8>}, {transform_indices = @transform_2, window_bounds = array<i64: 2048, 512>}, {pipeline_mode = #tpu.pipeline_mode<synchronous>, transform_indices = @transform_3, window_bounds = array<i64: 512, 64>}, {transform_indices = @transform_4, window_bounds = array<i64: 2048, 128>}]} {
    %get3A = arith.constant 0 : index
    %get3A_0 = arith.constant 0 : index
    %get3A_1 = vector.load %arg4[%get3A, %get3A_0] : memref<512x64xf32, #tpu.memory_space<vmem>>, vector<512x64xf32>
    %convert_element_type3A = arith.truncf %get3A_1 : vector<512x64xf32> to vector<512x64xbf16>
    %get3A_2 = arith.constant 0 : index
    %get3A_3 = arith.constant 0 : index
    %get3A_4 = vector.load %arg3[%get3A_2, %get3A_3] : memref<2048x512xf32, #tpu.memory_space<vmem>>, vector<2048x512xf32>
    %convert_element_type3A_5 = arith.truncf %get3A_4 : vector<2048x512xf32> to vector<2048x512xbf16>
    %dot_general3A = arith.constant dense<0.000000e+00> : vector<2048x64xf32>
    %dot_general3A_6 = tpu.matmul %convert_element_type3A_5, %convert_element_type3A, %dot_general3A {dimension_numbers = #tpu.dot_dimension_numbers<[1], [0], [0], [1], [0, 0, 1, 1], [], []>, transpose_lhs_hint = false} : vector<2048x512xbf16>, vector<512x64xbf16>, vector<2048x64xf32> -> vector<2048x64xf32>
    %get3A_7 = arith.constant 0 : index
    %get3A_8 = arith.constant 0 : index
    %get3A_9 = vector.load %arg2[%get3A_7, %get3A_8] : memref<2048x8xf32, #tpu.memory_space<vmem>>, vector<2048x8xf32>
    %reshape3A = vector.shape_cast %get3A_9 : vector<2048x8xf32> to vector<2048x8x1xf32>
    %broadcast_in_dim3A = vector.shape_cast %reshape3A : vector<2048x8x1xf32> to vector<2048x8x1xf32>
    %broadcast_in_dim3A_10 = vector.broadcast %broadcast_in_dim3A : vector<2048x8x1xf32> to vector<2048x8x64xf32>
    %reshape3A_11 = vector.shape_cast %broadcast_in_dim3A_10 : vector<2048x8x64xf32> to vector<2048x512xf32>
    %get3A_12 = arith.constant 0 : index
    %get3A_13 = arith.constant 0 : index
    %get3A_14 = vector.load %arg1[%get3A_12, %get3A_13] : memref<1x64xf32, #tpu.memory_space<vmem>>, vector<1x64xf32>
    %concatenate3A = tpu.concatenate %get3A_14, %get3A_14, %get3A_14, %get3A_14, %get3A_14, %get3A_14, %get3A_14, %get3A_14 in 1 : vector<1x64xf32>, vector<1x64xf32>, vector<1x64xf32>, vector<1x64xf32>, vector<1x64xf32>, vector<1x64xf32>, vector<1x64xf32>, vector<1x64xf32> -> vector<1x512xf32>
    %mul3A = vector.broadcast %concatenate3A : vector<1x512xf32> to vector<2048x512xf32>
    %mul3A_15 = arith.mulf %reshape3A_11, %mul3A : vector<2048x512xf32>
    %convert_element_type3A_16 = arith.truncf %mul3A_15 : vector<2048x512xf32> to vector<2048x512xbf16>
    %dot_general3A_17 = arith.constant dense<0.000000e+00> : vector<2048x64xf32>
    %dot_general3A_18 = tpu.matmul %convert_element_type3A_16, %convert_element_type3A, %dot_general3A_17 {dimension_numbers = #tpu.dot_dimension_numbers<[1], [0], [0], [1], [0, 0, 1, 1], [], []>, transpose_lhs_hint = false} : vector<2048x512xbf16>, vector<512x64xbf16>, vector<2048x64xf32> -> vector<2048x64xf32>
    %concatenate3A_19 = tpu.concatenate %dot_general3A_6, %dot_general3A_18 in 1 : vector<2048x64xf32>, vector<2048x64xf32> -> vector<2048x128xf32>
    %swap3A = arith.constant 0 : index
    %swap3A_20 = arith.constant 0 : index
    %swap3A_21 = vector.load %arg5[%swap3A, %swap3A_20] : memref<2048x128xf32, #tpu.memory_space<vmem>>, vector<2048x128xf32>
    tpu.vector_store %arg5[%swap3A, %swap3A_20], %concatenate3A_19 {strides = array<i32>} : memref<2048x128xf32, #tpu.memory_space<vmem>>, vector<2048x128xf32>,
    return
  }
  func.func @transform_0(%arg0: i32) -> (i32, i32) {
    %c0_i32 = arith.constant 0 : i32
    %c0_i32_0 = arith.constant 0 : i32
    %c0_i32_1 = arith.constant 0 : i32
    return %c0_i32, %c0_i32_0 : i32, i32
  }
  func.func @transform_1(%arg0: i32) -> (i32, i32) {
    %c0_i32 = arith.constant 0 : i32
    %c0_i32_0 = arith.constant 0 : i32
    return %arg0, %c0_i32 : i32, i32
  }
  func.func @transform_2(%arg0: i32) -> (i32, i32) {
    %c0_i32 = arith.constant 0 : i32
    %c0_i32_0 = arith.constant 0 : i32
    return %arg0, %c0_i32 : i32, i32
  }
  func.func @transform_3(%arg0: i32) -> (i32, i32) {
    %c0_i32 = arith.constant 0 : i32
    %c0_i32_0 = arith.constant 0 : i32
    %c0_i32_1 = arith.constant 0 : i32
    return %c0_i32, %c0_i32_0 : i32, i32
  }
  func.func @transform_4(%arg0: i32) -> (i32, i32) {
    %c0_i32 = arith.constant 0 : i32
    %c0_i32_0 = arith.constant 0 : i32
    return %arg0, %c0_i32 : i32, i32
  }
}

module attributes {stable_mosaic.version = 14 : i64} {
  func.func @_sel_body(%arg0: i32, %arg1: memref<256x3xf32, #tpu.memory_space<vmem>>, %arg2: memref<3x4096xf32, #tpu.memory_space<vmem>>, %arg3: memref<256x32xi32, #tpu.memory_space<vmem>>, %arg4: memref<256x32xf32, #tpu.memory_space<vmem>>) attributes {dimension_semantics = [#tpu.dimension_semantics<arbitrary>], iteration_bounds = array<i64: 16>, scalar_prefetch = 0 : i64, scratch_operands = 0 : i64, tpu.core_type = #tpu.core_type<tc>, window_params = [{transform_indices = @transform_0, window_bounds = array<i64: 256, 3>}, {pipeline_mode = #tpu.pipeline_mode<synchronous>, transform_indices = @transform_1, window_bounds = array<i64: 3, 4096>}, {transform_indices = @transform_2, window_bounds = array<i64: 256, 32>}, {transform_indices = @transform_3, window_bounds = array<i64: 256, 32>}]} {
    %get3A = arith.constant 0 : index
    %get3A_0 = arith.constant 0 : index
    %get3A_1 = vector.load %arg2[%get3A, %get3A_0] : memref<3x4096xf32, #tpu.memory_space<vmem>>, vector<3x4096xf32>
    %get3A_2 = arith.constant 0 : index
    %get3A_3 = arith.constant 0 : index
    %get3A_4 = vector.load %arg1[%get3A_2, %get3A_3] : memref<256x3xf32, #tpu.memory_space<vmem>>, vector<256x3xf32>
    %slice3A = vector.extract_strided_slice %get3A_4 {offsets = [0, 0], sizes = [256, 1], strides = [1, 1]} : vector<256x3xf32> to vector<256x1xf32>
    %slice3A_5 = vector.extract_strided_slice %get3A_1 {offsets = [0, 0], sizes = [1, 4096], strides = [1, 1]} : vector<3x4096xf32> to vector<1x4096xf32>
    %sub3A = vector.broadcast %slice3A : vector<256x1xf32> to vector<256x4096xf32>
    %sub3A_6 = vector.broadcast %slice3A_5 : vector<1x4096xf32> to vector<256x4096xf32>
    %sub3A_7 = arith.subf %sub3A, %sub3A_6 : vector<256x4096xf32>
    %slice3A_8 = vector.extract_strided_slice %get3A_4 {offsets = [0, 1], sizes = [256, 1], strides = [1, 1]} : vector<256x3xf32> to vector<256x1xf32>
    %slice3A_9 = vector.extract_strided_slice %get3A_1 {offsets = [1, 0], sizes = [1, 4096], strides = [1, 1]} : vector<3x4096xf32> to vector<1x4096xf32>
    %sub3A_10 = vector.broadcast %slice3A_8 : vector<256x1xf32> to vector<256x4096xf32>
    %sub3A_11 = vector.broadcast %slice3A_9 : vector<1x4096xf32> to vector<256x4096xf32>
    %sub3A_12 = arith.subf %sub3A_10, %sub3A_11 : vector<256x4096xf32>
    %slice3A_13 = vector.extract_strided_slice %get3A_4 {offsets = [0, 2], sizes = [256, 1], strides = [1, 1]} : vector<256x3xf32> to vector<256x1xf32>
    %slice3A_14 = vector.extract_strided_slice %get3A_1 {offsets = [2, 0], sizes = [1, 4096], strides = [1, 1]} : vector<3x4096xf32> to vector<1x4096xf32>
    %sub3A_15 = vector.broadcast %slice3A_13 : vector<256x1xf32> to vector<256x4096xf32>
    %sub3A_16 = vector.broadcast %slice3A_14 : vector<1x4096xf32> to vector<256x4096xf32>
    %sub3A_17 = arith.subf %sub3A_15, %sub3A_16 : vector<256x4096xf32>
    %mul3A = arith.mulf %sub3A_7, %sub3A_7 : vector<256x4096xf32>
    %mul3A_18 = arith.mulf %sub3A_12, %sub3A_12 : vector<256x4096xf32>
    %add3A = arith.addf %mul3A, %mul3A_18 : vector<256x4096xf32>
    %mul3A_19 = arith.mulf %sub3A_17, %sub3A_17 : vector<256x4096xf32>
    %add3A_20 = arith.addf %add3A, %mul3A_19 : vector<256x4096xf32>
    %add3A_21 = arith.constant 1.000000e-16 : f32
    %add3A_22 = vector.broadcast %add3A_21 : f32 to vector<256x4096xf32>
    %add3A_23 = arith.addf %add3A_20, %add3A_22 : vector<256x4096xf32>
    %sqrt3A = math.sqrt %add3A_23 : vector<256x4096xf32>
    %lt3A = arith.constant 1.000000e-01 : f32
    %lt3A_24 = vector.broadcast %lt3A : f32 to vector<256x4096xf32>
    %lt3A_25 = arith.cmpf olt, %sqrt3A, %lt3A_24 : vector<256x4096xf32>
    %jit3A = arith.constant 1.000000e+30 : f32
    %broadcast_in_dim3A = vector.broadcast %jit3A : f32 to vector<256x4096xf32>
    %select_n3A = arith.select %lt3A_25, %add3A_20, %broadcast_in_dim3A : vector<256x4096xi1>, vector<256x4096xf32>
    %iota3A = tpu.iota {dimensions = array<i32: 1>} : vector<256x4096xi32>
    %reduce_min3A = arith.constant dense<0x7F800000> : vector<256xf32>
    %reduce_min3A_26 = vector.multi_reduction <minimumf>, %select_n3A, %reduce_min3A [1] : vector<256x4096xf32> to vector<256xf32>
    %broadcast_in_dim3A_27 = vector.shape_cast %reduce_min3A_26 : vector<256xf32> to vector<256x1xf32>
    %eq3A = vector.broadcast %broadcast_in_dim3A_27 : vector<256x1xf32> to vector<256x4096xf32>
    %eq3A_28 = arith.cmpf oeq, %select_n3A, %eq3A : vector<256x4096xf32>
    %jit3A_29 = arith.constant 4096 : i32
    %broadcast_in_dim3A_30 = vector.broadcast %jit3A_29 : i32 to vector<256x4096xi32>
    %select_n3A_31 = arith.select %eq3A_28, %iota3A, %broadcast_in_dim3A_30 : vector<256x4096xi1>, vector<256x4096xi32>
    %reduce_min3A_32 = arith.constant dense<2147483647> : vector<256xi32>
    %reduce_min3A_33 = vector.multi_reduction <minsi>, %select_n3A_31, %reduce_min3A_32 [1] : vector<256x4096xi32> to vector<256xi32>
    %broadcast_in_dim3A_34 = vector.shape_cast %reduce_min3A_33 : vector<256xi32> to vector<256x1xi32>
    %eq3A_35 = vector.broadcast %broadcast_in_dim3A_34 : vector<256x1xi32> to vector<256x4096xi32>
    %eq3A_36 = arith.cmpi eq, %iota3A, %eq3A_35 : vector<256x4096xi32>
    %jit3A_37 = arith.constant 1.000000e+30 : f32
    %broadcast_in_dim3A_38 = vector.broadcast %jit3A_37 : f32 to vector<256x4096xf32>
    %select_n3A_39 = arith.select %eq3A_36, %broadcast_in_dim3A_38, %select_n3A : vector<256x4096xi1>, vector<256x4096xf32>
    %min3A = arith.constant 4095 : i32
    %min3A_40 = vector.broadcast %min3A : i32 to vector<256x1xi32>
    %min3A_41 = arith.minsi %broadcast_in_dim3A_34, %min3A_40 : vector<256x1xi32>
    %swap3A = arith.constant 0 : index
    %swap3A_42 = arith.constant 0 : index
    %swap3A_43 = vector.load %arg3[%swap3A, %swap3A_42] : memref<256x32xi32, #tpu.memory_space<vmem>>, vector<256x1xi32>
    tpu.vector_store %arg3[%swap3A, %swap3A_42], %min3A_41 {strides = array<i32>} : memref<256x32xi32, #tpu.memory_space<vmem>>, vector<256x1xi32>,
    %swap3A_44 = arith.constant 0 : index
    %swap3A_45 = arith.constant 0 : index
    %swap3A_46 = vector.load %arg4[%swap3A_44, %swap3A_45] : memref<256x32xf32, #tpu.memory_space<vmem>>, vector<256x1xf32>
    tpu.vector_store %arg4[%swap3A_44, %swap3A_45], %broadcast_in_dim3A_27 {strides = array<i32>} : memref<256x32xf32, #tpu.memory_space<vmem>>, vector<256x1xf32>,
    %reduce_min3A_47 = arith.constant dense<0x7F800000> : vector<256xf32>
    %reduce_min3A_48 = vector.multi_reduction <minimumf>, %select_n3A_39, %reduce_min3A_47 [1] : vector<256x4096xf32> to vector<256xf32>
    %broadcast_in_dim3A_49 = vector.shape_cast %reduce_min3A_48 : vector<256xf32> to vector<256x1xf32>
    %eq3A_50 = vector.broadcast %broadcast_in_dim3A_49 : vector<256x1xf32> to vector<256x4096xf32>
    %eq3A_51 = arith.cmpf oeq, %select_n3A_39, %eq3A_50 : vector<256x4096xf32>
    %jit3A_52 = arith.constant 4096 : i32
    %broadcast_in_dim3A_53 = vector.broadcast %jit3A_52 : i32 to vector<256x4096xi32>
    %select_n3A_54 = arith.select %eq3A_51, %iota3A, %broadcast_in_dim3A_53 : vector<256x4096xi1>, vector<256x4096xi32>
    %reduce_min3A_55 = arith.constant dense<2147483647> : vector<256xi32>
    %reduce_min3A_56 = vector.multi_reduction <minsi>, %select_n3A_54, %reduce_min3A_55 [1] : vector<256x4096xi32> to vector<256xi32>
    %broadcast_in_dim3A_57 = vector.shape_cast %reduce_min3A_56 : vector<256xi32> to vector<256x1xi32>
    %eq3A_58 = vector.broadcast %broadcast_in_dim3A_57 : vector<256x1xi32> to vector<256x4096xi32>
    %eq3A_59 = arith.cmpi eq, %iota3A, %eq3A_58 : vector<256x4096xi32>
    %jit3A_60 = arith.constant 1.000000e+30 : f32
    %broadcast_in_dim3A_61 = vector.broadcast %jit3A_60 : f32 to vector<256x4096xf32>
    %select_n3A_62 = arith.select %eq3A_59, %broadcast_in_dim3A_61, %select_n3A_39 : vector<256x4096xi1>, vector<256x4096xf32>
    %min3A_63 = arith.constant 4095 : i32
    %min3A_64 = vector.broadcast %min3A_63 : i32 to vector<256x1xi32>
    %min3A_65 = arith.minsi %broadcast_in_dim3A_57, %min3A_64 : vector<256x1xi32>
    %swap3A_66 = arith.constant 0 : index
    %swap3A_67 = arith.constant 1 : index
    %swap3A_68 = vector.load %arg3[%swap3A_66, %swap3A_67] : memref<256x32xi32, #tpu.memory_space<vmem>>, vector<256x1xi32>
    tpu.vector_store %arg3[%swap3A_66, %swap3A_67], %min3A_65 {strides = array<i32>} : memref<256x32xi32, #tpu.memory_space<vmem>>, vector<256x1xi32>,
    %swap3A_69 = arith.constant 0 : index
    %swap3A_70 = arith.constant 1 : index
    %swap3A_71 = vector.load %arg4[%swap3A_69, %swap3A_70] : memref<256x32xf32, #tpu.memory_space<vmem>>, vector<256x1xf32>
    tpu.vector_store %arg4[%swap3A_69, %swap3A_70], %broadcast_in_dim3A_49 {strides = array<i32>} : memref<256x32xf32, #tpu.memory_space<vmem>>, vector<256x1xf32>,
    %reduce_min3A_72 = arith.constant dense<0x7F800000> : vector<256xf32>
    %reduce_min3A_73 = vector.multi_reduction <minimumf>, %select_n3A_62, %reduce_min3A_72 [1] : vector<256x4096xf32> to vector<256xf32>
    %broadcast_in_dim3A_74 = vector.shape_cast %reduce_min3A_73 : vector<256xf32> to vector<256x1xf32>
    %eq3A_75 = vector.broadcast %broadcast_in_dim3A_74 : vector<256x1xf32> to vector<256x4096xf32>
    %eq3A_76 = arith.cmpf oeq, %select_n3A_62, %eq3A_75 : vector<256x4096xf32>
    %jit3A_77 = arith.constant 4096 : i32
    %broadcast_in_dim3A_78 = vector.broadcast %jit3A_77 : i32 to vector<256x4096xi32>
    %select_n3A_79 = arith.select %eq3A_76, %iota3A, %broadcast_in_dim3A_78 : vector<256x4096xi1>, vector<256x4096xi32>
    %reduce_min3A_80 = arith.constant dense<2147483647> : vector<256xi32>
    %reduce_min3A_81 = vector.multi_reduction <minsi>, %select_n3A_79, %reduce_min3A_80 [1] : vector<256x4096xi32> to vector<256xi32>
    %broadcast_in_dim3A_82 = vector.shape_cast %reduce_min3A_81 : vector<256xi32> to vector<256x1xi32>
    %eq3A_83 = vector.broadcast %broadcast_in_dim3A_82 : vector<256x1xi32> to vector<256x4096xi32>
    %eq3A_84 = arith.cmpi eq, %iota3A, %eq3A_83 : vector<256x4096xi32>
    %jit3A_85 = arith.constant 1.000000e+30 : f32
    %broadcast_in_dim3A_86 = vector.broadcast %jit3A_85 : f32 to vector<256x4096xf32>
    %select_n3A_87 = arith.select %eq3A_84, %broadcast_in_dim3A_86, %select_n3A_62 : vector<256x4096xi1>, vector<256x4096xf32>
    %min3A_88 = arith.constant 4095 : i32
    %min3A_89 = vector.broadcast %min3A_88 : i32 to vector<256x1xi32>
    %min3A_90 = arith.minsi %broadcast_in_dim3A_82, %min3A_89 : vector<256x1xi32>
    %swap3A_91 = arith.constant 0 : index
    %swap3A_92 = arith.constant 2 : index
    %swap3A_93 = vector.load %arg3[%swap3A_91, %swap3A_92] : memref<256x32xi32, #tpu.memory_space<vmem>>, vector<256x1xi32>
    tpu.vector_store %arg3[%swap3A_91, %swap3A_92], %min3A_90 {strides = array<i32>} : memref<256x32xi32, #tpu.memory_space<vmem>>, vector<256x1xi32>,
    %swap3A_94 = arith.constant 0 : index
    %swap3A_95 = arith.constant 2 : index
    %swap3A_96 = vector.load %arg4[%swap3A_94, %swap3A_95] : memref<256x32xf32, #tpu.memory_space<vmem>>, vector<256x1xf32>
    tpu.vector_store %arg4[%swap3A_94, %swap3A_95], %broadcast_in_dim3A_74 {strides = array<i32>} : memref<256x32xf32, #tpu.memory_space<vmem>>, vector<256x1xf32>,
    %reduce_min3A_97 = arith.constant dense<0x7F800000> : vector<256xf32>
    %reduce_min3A_98 = vector.multi_reduction <minimumf>, %select_n3A_87, %reduce_min3A_97 [1] : vector<256x4096xf32> to vector<256xf32>
    %broadcast_in_dim3A_99 = vector.shape_cast %reduce_min3A_98 : vector<256xf32> to vector<256x1xf32>
    %eq3A_100 = vector.broadcast %broadcast_in_dim3A_99 : vector<256x1xf32> to vector<256x4096xf32>
    %eq3A_101 = arith.cmpf oeq, %select_n3A_87, %eq3A_100 : vector<256x4096xf32>
    %jit3A_102 = arith.constant 4096 : i32
    %broadcast_in_dim3A_103 = vector.broadcast %jit3A_102 : i32 to vector<256x4096xi32>
    %select_n3A_104 = arith.select %eq3A_101, %iota3A, %broadcast_in_dim3A_103 : vector<256x4096xi1>, vector<256x4096xi32>
    %reduce_min3A_105 = arith.constant dense<2147483647> : vector<256xi32>
    %reduce_min3A_106 = vector.multi_reduction <minsi>, %select_n3A_104, %reduce_min3A_105 [1] : vector<256x4096xi32> to vector<256xi32>
    %broadcast_in_dim3A_107 = vector.shape_cast %reduce_min3A_106 : vector<256xi32> to vector<256x1xi32>
    %eq3A_108 = vector.broadcast %broadcast_in_dim3A_107 : vector<256x1xi32> to vector<256x4096xi32>
    %eq3A_109 = arith.cmpi eq, %iota3A, %eq3A_108 : vector<256x4096xi32>
    %jit3A_110 = arith.constant 1.000000e+30 : f32
    %broadcast_in_dim3A_111 = vector.broadcast %jit3A_110 : f32 to vector<256x4096xf32>
    %select_n3A_112 = arith.select %eq3A_109, %broadcast_in_dim3A_111, %select_n3A_87 : vector<256x4096xi1>, vector<256x4096xf32>
    %min3A_113 = arith.constant 4095 : i32
    %min3A_114 = vector.broadcast %min3A_113 : i32 to vector<256x1xi32>
    %min3A_115 = arith.minsi %broadcast_in_dim3A_107, %min3A_114 : vector<256x1xi32>
    %swap3A_116 = arith.constant 0 : index
    %swap3A_117 = arith.constant 3 : index
    %swap3A_118 = vector.load %arg3[%swap3A_116, %swap3A_117] : memref<256x32xi32, #tpu.memory_space<vmem>>, vector<256x1xi32>
    tpu.vector_store %arg3[%swap3A_116, %swap3A_117], %min3A_115 {strides = array<i32>} : memref<256x32xi32, #tpu.memory_space<vmem>>, vector<256x1xi32>,
    %swap3A_119 = arith.constant 0 : index
    %swap3A_120 = arith.constant 3 : index
    %swap3A_121 = vector.load %arg4[%swap3A_119, %swap3A_120] : memref<256x32xf32, #tpu.memory_space<vmem>>, vector<256x1xf32>
    tpu.vector_store %arg4[%swap3A_119, %swap3A_120], %broadcast_in_dim3A_99 {strides = array<i32>} : memref<256x32xf32, #tpu.memory_space<vmem>>, vector<256x1xf32>,
    %reduce_min3A_122 = arith.constant dense<0x7F800000> : vector<256xf32>
    %reduce_min3A_123 = vector.multi_reduction <minimumf>, %select_n3A_112, %reduce_min3A_122 [1] : vector<256x4096xf32> to vector<256xf32>
    %broadcast_in_dim3A_124 = vector.shape_cast %reduce_min3A_123 : vector<256xf32> to vector<256x1xf32>
    %eq3A_125 = vector.broadcast %broadcast_in_dim3A_124 : vector<256x1xf32> to vector<256x4096xf32>
    %eq3A_126 = arith.cmpf oeq, %select_n3A_112, %eq3A_125 : vector<256x4096xf32>
    %jit3A_127 = arith.constant 4096 : i32
    %broadcast_in_dim3A_128 = vector.broadcast %jit3A_127 : i32 to vector<256x4096xi32>
    %select_n3A_129 = arith.select %eq3A_126, %iota3A, %broadcast_in_dim3A_128 : vector<256x4096xi1>, vector<256x4096xi32>
    %reduce_min3A_130 = arith.constant dense<2147483647> : vector<256xi32>
    %reduce_min3A_131 = vector.multi_reduction <minsi>, %select_n3A_129, %reduce_min3A_130 [1] : vector<256x4096xi32> to vector<256xi32>
    %broadcast_in_dim3A_132 = vector.shape_cast %reduce_min3A_131 : vector<256xi32> to vector<256x1xi32>
    %eq3A_133 = vector.broadcast %broadcast_in_dim3A_132 : vector<256x1xi32> to vector<256x4096xi32>
    %eq3A_134 = arith.cmpi eq, %iota3A, %eq3A_133 : vector<256x4096xi32>
    %jit3A_135 = arith.constant 1.000000e+30 : f32
    %broadcast_in_dim3A_136 = vector.broadcast %jit3A_135 : f32 to vector<256x4096xf32>
    %select_n3A_137 = arith.select %eq3A_134, %broadcast_in_dim3A_136, %select_n3A_112 : vector<256x4096xi1>, vector<256x4096xf32>
    %min3A_138 = arith.constant 4095 : i32
    %min3A_139 = vector.broadcast %min3A_138 : i32 to vector<256x1xi32>
    %min3A_140 = arith.minsi %broadcast_in_dim3A_132, %min3A_139 : vector<256x1xi32>
    %swap3A_141 = arith.constant 0 : index
    %swap3A_142 = arith.constant 4 : index
    %swap3A_143 = vector.load %arg3[%swap3A_141, %swap3A_142] : memref<256x32xi32, #tpu.memory_space<vmem>>, vector<256x1xi32>
    tpu.vector_store %arg3[%swap3A_141, %swap3A_142], %min3A_140 {strides = array<i32>} : memref<256x32xi32, #tpu.memory_space<vmem>>, vector<256x1xi32>,
    %swap3A_144 = arith.constant 0 : index
    %swap3A_145 = arith.constant 4 : index
    %swap3A_146 = vector.load %arg4[%swap3A_144, %swap3A_145] : memref<256x32xf32, #tpu.memory_space<vmem>>, vector<256x1xf32>
    tpu.vector_store %arg4[%swap3A_144, %swap3A_145], %broadcast_in_dim3A_124 {strides = array<i32>} : memref<256x32xf32, #tpu.memory_space<vmem>>, vector<256x1xf32>,
    %reduce_min3A_147 = arith.constant dense<0x7F800000> : vector<256xf32>
    %reduce_min3A_148 = vector.multi_reduction <minimumf>, %select_n3A_137, %reduce_min3A_147 [1] : vector<256x4096xf32> to vector<256xf32>
    %broadcast_in_dim3A_149 = vector.shape_cast %reduce_min3A_148 : vector<256xf32> to vector<256x1xf32>
    %eq3A_150 = vector.broadcast %broadcast_in_dim3A_149 : vector<256x1xf32> to vector<256x4096xf32>
    %eq3A_151 = arith.cmpf oeq, %select_n3A_137, %eq3A_150 : vector<256x4096xf32>
    %jit3A_152 = arith.constant 4096 : i32
    %broadcast_in_dim3A_153 = vector.broadcast %jit3A_152 : i32 to vector<256x4096xi32>
    %select_n3A_154 = arith.select %eq3A_151, %iota3A, %broadcast_in_dim3A_153 : vector<256x4096xi1>, vector<256x4096xi32>
    %reduce_min3A_155 = arith.constant dense<2147483647> : vector<256xi32>
    %reduce_min3A_156 = vector.multi_reduction <minsi>, %select_n3A_154, %reduce_min3A_155 [1] : vector<256x4096xi32> to vector<256xi32>
    %broadcast_in_dim3A_157 = vector.shape_cast %reduce_min3A_156 : vector<256xi32> to vector<256x1xi32>
    %eq3A_158 = vector.broadcast %broadcast_in_dim3A_157 : vector<256x1xi32> to vector<256x4096xi32>
    %eq3A_159 = arith.cmpi eq, %iota3A, %eq3A_158 : vector<256x4096xi32>
    %jit3A_160 = arith.constant 1.000000e+30 : f32
    %broadcast_in_dim3A_161 = vector.broadcast %jit3A_160 : f32 to vector<256x4096xf32>
    %select_n3A_162 = arith.select %eq3A_159, %broadcast_in_dim3A_161, %select_n3A_137 : vector<256x4096xi1>, vector<256x4096xf32>
    %min3A_163 = arith.constant 4095 : i32
    %min3A_164 = vector.broadcast %min3A_163 : i32 to vector<256x1xi32>
    %min3A_165 = arith.minsi %broadcast_in_dim3A_157, %min3A_164 : vector<256x1xi32>
    %swap3A_166 = arith.constant 0 : index
    %swap3A_167 = arith.constant 5 : index
    %swap3A_168 = vector.load %arg3[%swap3A_166, %swap3A_167] : memref<256x32xi32, #tpu.memory_space<vmem>>, vector<256x1xi32>
    tpu.vector_store %arg3[%swap3A_166, %swap3A_167], %min3A_165 {strides = array<i32>} : memref<256x32xi32, #tpu.memory_space<vmem>>, vector<256x1xi32>,
    %swap3A_169 = arith.constant 0 : index
    %swap3A_170 = arith.constant 5 : index
    %swap3A_171 = vector.load %arg4[%swap3A_169, %swap3A_170] : memref<256x32xf32, #tpu.memory_space<vmem>>, vector<256x1xf32>
    tpu.vector_store %arg4[%swap3A_169, %swap3A_170], %broadcast_in_dim3A_149 {strides = array<i32>} : memref<256x32xf32, #tpu.memory_space<vmem>>, vector<256x1xf32>,
    %reduce_min3A_172 = arith.constant dense<0x7F800000> : vector<256xf32>
    %reduce_min3A_173 = vector.multi_reduction <minimumf>, %select_n3A_162, %reduce_min3A_172 [1] : vector<256x4096xf32> to vector<256xf32>
    %broadcast_in_dim3A_174 = vector.shape_cast %reduce_min3A_173 : vector<256xf32> to vector<256x1xf32>
    %eq3A_175 = vector.broadcast %broadcast_in_dim3A_174 : vector<256x1xf32> to vector<256x4096xf32>
    %eq3A_176 = arith.cmpf oeq, %select_n3A_162, %eq3A_175 : vector<256x4096xf32>
    %jit3A_177 = arith.constant 4096 : i32
    %broadcast_in_dim3A_178 = vector.broadcast %jit3A_177 : i32 to vector<256x4096xi32>
    %select_n3A_179 = arith.select %eq3A_176, %iota3A, %broadcast_in_dim3A_178 : vector<256x4096xi1>, vector<256x4096xi32>
    %reduce_min3A_180 = arith.constant dense<2147483647> : vector<256xi32>
    %reduce_min3A_181 = vector.multi_reduction <minsi>, %select_n3A_179, %reduce_min3A_180 [1] : vector<256x4096xi32> to vector<256xi32>
    %broadcast_in_dim3A_182 = vector.shape_cast %reduce_min3A_181 : vector<256xi32> to vector<256x1xi32>
    %eq3A_183 = vector.broadcast %broadcast_in_dim3A_182 : vector<256x1xi32> to vector<256x4096xi32>
    %eq3A_184 = arith.cmpi eq, %iota3A, %eq3A_183 : vector<256x4096xi32>
    %jit3A_185 = arith.constant 1.000000e+30 : f32
    %broadcast_in_dim3A_186 = vector.broadcast %jit3A_185 : f32 to vector<256x4096xf32>
    %select_n3A_187 = arith.select %eq3A_184, %broadcast_in_dim3A_186, %select_n3A_162 : vector<256x4096xi1>, vector<256x4096xf32>
    %min3A_188 = arith.constant 4095 : i32
    %min3A_189 = vector.broadcast %min3A_188 : i32 to vector<256x1xi32>
    %min3A_190 = arith.minsi %broadcast_in_dim3A_182, %min3A_189 : vector<256x1xi32>
    %swap3A_191 = arith.constant 0 : index
    %swap3A_192 = arith.constant 6 : index
    %swap3A_193 = vector.load %arg3[%swap3A_191, %swap3A_192] : memref<256x32xi32, #tpu.memory_space<vmem>>, vector<256x1xi32>
    tpu.vector_store %arg3[%swap3A_191, %swap3A_192], %min3A_190 {strides = array<i32>} : memref<256x32xi32, #tpu.memory_space<vmem>>, vector<256x1xi32>,
    %swap3A_194 = arith.constant 0 : index
    %swap3A_195 = arith.constant 6 : index
    %swap3A_196 = vector.load %arg4[%swap3A_194, %swap3A_195] : memref<256x32xf32, #tpu.memory_space<vmem>>, vector<256x1xf32>
    tpu.vector_store %arg4[%swap3A_194, %swap3A_195], %broadcast_in_dim3A_174 {strides = array<i32>} : memref<256x32xf32, #tpu.memory_space<vmem>>, vector<256x1xf32>,
    %reduce_min3A_197 = arith.constant dense<0x7F800000> : vector<256xf32>
    %reduce_min3A_198 = vector.multi_reduction <minimumf>, %select_n3A_187, %reduce_min3A_197 [1] : vector<256x4096xf32> to vector<256xf32>
    %broadcast_in_dim3A_199 = vector.shape_cast %reduce_min3A_198 : vector<256xf32> to vector<256x1xf32>
    %eq3A_200 = vector.broadcast %broadcast_in_dim3A_199 : vector<256x1xf32> to vector<256x4096xf32>
    %eq3A_201 = arith.cmpf oeq, %select_n3A_187, %eq3A_200 : vector<256x4096xf32>
    %jit3A_202 = arith.constant 4096 : i32
    %broadcast_in_dim3A_203 = vector.broadcast %jit3A_202 : i32 to vector<256x4096xi32>
    %select_n3A_204 = arith.select %eq3A_201, %iota3A, %broadcast_in_dim3A_203 : vector<256x4096xi1>, vector<256x4096xi32>
    %reduce_min3A_205 = arith.constant dense<2147483647> : vector<256xi32>
    %reduce_min3A_206 = vector.multi_reduction <minsi>, %select_n3A_204, %reduce_min3A_205 [1] : vector<256x4096xi32> to vector<256xi32>
    %broadcast_in_dim3A_207 = vector.shape_cast %reduce_min3A_206 : vector<256xi32> to vector<256x1xi32>
    %eq3A_208 = vector.broadcast %broadcast_in_dim3A_207 : vector<256x1xi32> to vector<256x4096xi32>
    %eq3A_209 = arith.cmpi eq, %iota3A, %eq3A_208 : vector<256x4096xi32>
    %jit3A_210 = arith.constant 1.000000e+30 : f32
    %broadcast_in_dim3A_211 = vector.broadcast %jit3A_210 : f32 to vector<256x4096xf32>
    %select_n3A_212 = arith.select %eq3A_209, %broadcast_in_dim3A_211, %select_n3A_187 : vector<256x4096xi1>, vector<256x4096xf32>
    %min3A_213 = arith.constant 4095 : i32
    %min3A_214 = vector.broadcast %min3A_213 : i32 to vector<256x1xi32>
    %min3A_215 = arith.minsi %broadcast_in_dim3A_207, %min3A_214 : vector<256x1xi32>
    %swap3A_216 = arith.constant 0 : index
    %swap3A_217 = arith.constant 7 : index
    %swap3A_218 = vector.load %arg3[%swap3A_216, %swap3A_217] : memref<256x32xi32, #tpu.memory_space<vmem>>, vector<256x1xi32>
    tpu.vector_store %arg3[%swap3A_216, %swap3A_217], %min3A_215 {strides = array<i32>} : memref<256x32xi32, #tpu.memory_space<vmem>>, vector<256x1xi32>,
    %swap3A_219 = arith.constant 0 : index
    %swap3A_220 = arith.constant 7 : index
    %swap3A_221 = vector.load %arg4[%swap3A_219, %swap3A_220] : memref<256x32xf32, #tpu.memory_space<vmem>>, vector<256x1xf32>
    tpu.vector_store %arg4[%swap3A_219, %swap3A_220], %broadcast_in_dim3A_199 {strides = array<i32>} : memref<256x32xf32, #tpu.memory_space<vmem>>, vector<256x1xf32>,
    %reduce_min3A_222 = arith.constant dense<0x7F800000> : vector<256xf32>
    %reduce_min3A_223 = vector.multi_reduction <minimumf>, %select_n3A_212, %reduce_min3A_222 [1] : vector<256x4096xf32> to vector<256xf32>
    %broadcast_in_dim3A_224 = vector.shape_cast %reduce_min3A_223 : vector<256xf32> to vector<256x1xf32>
    %eq3A_225 = vector.broadcast %broadcast_in_dim3A_224 : vector<256x1xf32> to vector<256x4096xf32>
    %eq3A_226 = arith.cmpf oeq, %select_n3A_212, %eq3A_225 : vector<256x4096xf32>
    %jit3A_227 = arith.constant 4096 : i32
    %broadcast_in_dim3A_228 = vector.broadcast %jit3A_227 : i32 to vector<256x4096xi32>
    %select_n3A_229 = arith.select %eq3A_226, %iota3A, %broadcast_in_dim3A_228 : vector<256x4096xi1>, vector<256x4096xi32>
    %reduce_min3A_230 = arith.constant dense<2147483647> : vector<256xi32>
    %reduce_min3A_231 = vector.multi_reduction <minsi>, %select_n3A_229, %reduce_min3A_230 [1] : vector<256x4096xi32> to vector<256xi32>
    %broadcast_in_dim3A_232 = vector.shape_cast %reduce_min3A_231 : vector<256xi32> to vector<256x1xi32>
    %eq3A_233 = vector.broadcast %broadcast_in_dim3A_232 : vector<256x1xi32> to vector<256x4096xi32>
    %eq3A_234 = arith.cmpi eq, %iota3A, %eq3A_233 : vector<256x4096xi32>
    %jit3A_235 = arith.constant 1.000000e+30 : f32
    %broadcast_in_dim3A_236 = vector.broadcast %jit3A_235 : f32 to vector<256x4096xf32>
    %select_n3A_237 = arith.select %eq3A_234, %broadcast_in_dim3A_236, %select_n3A_212 : vector<256x4096xi1>, vector<256x4096xf32>
    %min3A_238 = arith.constant 4095 : i32
    %min3A_239 = vector.broadcast %min3A_238 : i32 to vector<256x1xi32>
    %min3A_240 = arith.minsi %broadcast_in_dim3A_232, %min3A_239 : vector<256x1xi32>
    %swap3A_241 = arith.constant 0 : index
    %swap3A_242 = arith.constant 8 : index
    %swap3A_243 = vector.load %arg3[%swap3A_241, %swap3A_242] : memref<256x32xi32, #tpu.memory_space<vmem>>, vector<256x1xi32>
    tpu.vector_store %arg3[%swap3A_241, %swap3A_242], %min3A_240 {strides = array<i32>} : memref<256x32xi32, #tpu.memory_space<vmem>>, vector<256x1xi32>,
    %swap3A_244 = arith.constant 0 : index
    %swap3A_245 = arith.constant 8 : index
    %swap3A_246 = vector.load %arg4[%swap3A_244, %swap3A_245] : memref<256x32xf32, #tpu.memory_space<vmem>>, vector<256x1xf32>
    tpu.vector_store %arg4[%swap3A_244, %swap3A_245], %broadcast_in_dim3A_224 {strides = array<i32>} : memref<256x32xf32, #tpu.memory_space<vmem>>, vector<256x1xf32>,
    %reduce_min3A_247 = arith.constant dense<0x7F800000> : vector<256xf32>
    %reduce_min3A_248 = vector.multi_reduction <minimumf>, %select_n3A_237, %reduce_min3A_247 [1] : vector<256x4096xf32> to vector<256xf32>
    %broadcast_in_dim3A_249 = vector.shape_cast %reduce_min3A_248 : vector<256xf32> to vector<256x1xf32>
    %eq3A_250 = vector.broadcast %broadcast_in_dim3A_249 : vector<256x1xf32> to vector<256x4096xf32>
    %eq3A_251 = arith.cmpf oeq, %select_n3A_237, %eq3A_250 : vector<256x4096xf32>
    %jit3A_252 = arith.constant 4096 : i32
    %broadcast_in_dim3A_253 = vector.broadcast %jit3A_252 : i32 to vector<256x4096xi32>
    %select_n3A_254 = arith.select %eq3A_251, %iota3A, %broadcast_in_dim3A_253 : vector<256x4096xi1>, vector<256x4096xi32>
    %reduce_min3A_255 = arith.constant dense<2147483647> : vector<256xi32>
    %reduce_min3A_256 = vector.multi_reduction <minsi>, %select_n3A_254, %reduce_min3A_255 [1] : vector<256x4096xi32> to vector<256xi32>
    %broadcast_in_dim3A_257 = vector.shape_cast %reduce_min3A_256 : vector<256xi32> to vector<256x1xi32>
    %eq3A_258 = vector.broadcast %broadcast_in_dim3A_257 : vector<256x1xi32> to vector<256x4096xi32>
    %eq3A_259 = arith.cmpi eq, %iota3A, %eq3A_258 : vector<256x4096xi32>
    %jit3A_260 = arith.constant 1.000000e+30 : f32
    %broadcast_in_dim3A_261 = vector.broadcast %jit3A_260 : f32 to vector<256x4096xf32>
    %select_n3A_262 = arith.select %eq3A_259, %broadcast_in_dim3A_261, %select_n3A_237 : vector<256x4096xi1>, vector<256x4096xf32>
    %min3A_263 = arith.constant 4095 : i32
    %min3A_264 = vector.broadcast %min3A_263 : i32 to vector<256x1xi32>
    %min3A_265 = arith.minsi %broadcast_in_dim3A_257, %min3A_264 : vector<256x1xi32>
    %swap3A_266 = arith.constant 0 : index
    %swap3A_267 = arith.constant 9 : index
    %swap3A_268 = vector.load %arg3[%swap3A_266, %swap3A_267] : memref<256x32xi32, #tpu.memory_space<vmem>>, vector<256x1xi32>
    tpu.vector_store %arg3[%swap3A_266, %swap3A_267], %min3A_265 {strides = array<i32>} : memref<256x32xi32, #tpu.memory_space<vmem>>, vector<256x1xi32>,
    %swap3A_269 = arith.constant 0 : index
    %swap3A_270 = arith.constant 9 : index
    %swap3A_271 = vector.load %arg4[%swap3A_269, %swap3A_270] : memref<256x32xf32, #tpu.memory_space<vmem>>, vector<256x1xf32>
    tpu.vector_store %arg4[%swap3A_269, %swap3A_270], %broadcast_in_dim3A_249 {strides = array<i32>} : memref<256x32xf32, #tpu.memory_space<vmem>>, vector<256x1xf32>,
    %reduce_min3A_272 = arith.constant dense<0x7F800000> : vector<256xf32>
    %reduce_min3A_273 = vector.multi_reduction <minimumf>, %select_n3A_262, %reduce_min3A_272 [1] : vector<256x4096xf32> to vector<256xf32>
    %broadcast_in_dim3A_274 = vector.shape_cast %reduce_min3A_273 : vector<256xf32> to vector<256x1xf32>
    %eq3A_275 = vector.broadcast %broadcast_in_dim3A_274 : vector<256x1xf32> to vector<256x4096xf32>
    %eq3A_276 = arith.cmpf oeq, %select_n3A_262, %eq3A_275 : vector<256x4096xf32>
    %jit3A_277 = arith.constant 4096 : i32
    %broadcast_in_dim3A_278 = vector.broadcast %jit3A_277 : i32 to vector<256x4096xi32>
    %select_n3A_279 = arith.select %eq3A_276, %iota3A, %broadcast_in_dim3A_278 : vector<256x4096xi1>, vector<256x4096xi32>
    %reduce_min3A_280 = arith.constant dense<2147483647> : vector<256xi32>
    %reduce_min3A_281 = vector.multi_reduction <minsi>, %select_n3A_279, %reduce_min3A_280 [1] : vector<256x4096xi32> to vector<256xi32>
    %broadcast_in_dim3A_282 = vector.shape_cast %reduce_min3A_281 : vector<256xi32> to vector<256x1xi32>
    %eq3A_283 = vector.broadcast %broadcast_in_dim3A_282 : vector<256x1xi32> to vector<256x4096xi32>
    %eq3A_284 = arith.cmpi eq, %iota3A, %eq3A_283 : vector<256x4096xi32>
    %jit3A_285 = arith.constant 1.000000e+30 : f32
    %broadcast_in_dim3A_286 = vector.broadcast %jit3A_285 : f32 to vector<256x4096xf32>
    %select_n3A_287 = arith.select %eq3A_284, %broadcast_in_dim3A_286, %select_n3A_262 : vector<256x4096xi1>, vector<256x4096xf32>
    %min3A_288 = arith.constant 4095 : i32
    %min3A_289 = vector.broadcast %min3A_288 : i32 to vector<256x1xi32>
    %min3A_290 = arith.minsi %broadcast_in_dim3A_282, %min3A_289 : vector<256x1xi32>
    %swap3A_291 = arith.constant 0 : index
    %swap3A_292 = arith.constant 10 : index
    %swap3A_293 = vector.load %arg3[%swap3A_291, %swap3A_292] : memref<256x32xi32, #tpu.memory_space<vmem>>, vector<256x1xi32>
    tpu.vector_store %arg3[%swap3A_291, %swap3A_292], %min3A_290 {strides = array<i32>} : memref<256x32xi32, #tpu.memory_space<vmem>>, vector<256x1xi32>,
    %swap3A_294 = arith.constant 0 : index
    %swap3A_295 = arith.constant 10 : index
    %swap3A_296 = vector.load %arg4[%swap3A_294, %swap3A_295] : memref<256x32xf32, #tpu.memory_space<vmem>>, vector<256x1xf32>
    tpu.vector_store %arg4[%swap3A_294, %swap3A_295], %broadcast_in_dim3A_274 {strides = array<i32>} : memref<256x32xf32, #tpu.memory_space<vmem>>, vector<256x1xf32>,
    %reduce_min3A_297 = arith.constant dense<0x7F800000> : vector<256xf32>
    %reduce_min3A_298 = vector.multi_reduction <minimumf>, %select_n3A_287, %reduce_min3A_297 [1] : vector<256x4096xf32> to vector<256xf32>
    %broadcast_in_dim3A_299 = vector.shape_cast %reduce_min3A_298 : vector<256xf32> to vector<256x1xf32>
    %eq3A_300 = vector.broadcast %broadcast_in_dim3A_299 : vector<256x1xf32> to vector<256x4096xf32>
    %eq3A_301 = arith.cmpf oeq, %select_n3A_287, %eq3A_300 : vector<256x4096xf32>
    %jit3A_302 = arith.constant 4096 : i32
    %broadcast_in_dim3A_303 = vector.broadcast %jit3A_302 : i32 to vector<256x4096xi32>
    %select_n3A_304 = arith.select %eq3A_301, %iota3A, %broadcast_in_dim3A_303 : vector<256x4096xi1>, vector<256x4096xi32>
    %reduce_min3A_305 = arith.constant dense<2147483647> : vector<256xi32>
    %reduce_min3A_306 = vector.multi_reduction <minsi>, %select_n3A_304, %reduce_min3A_305 [1] : vector<256x4096xi32> to vector<256xi32>
    %broadcast_in_dim3A_307 = vector.shape_cast %reduce_min3A_306 : vector<256xi32> to vector<256x1xi32>
    %eq3A_308 = vector.broadcast %broadcast_in_dim3A_307 : vector<256x1xi32> to vector<256x4096xi32>
    %eq3A_309 = arith.cmpi eq, %iota3A, %eq3A_308 : vector<256x4096xi32>
    %jit3A_310 = arith.constant 1.000000e+30 : f32
    %broadcast_in_dim3A_311 = vector.broadcast %jit3A_310 : f32 to vector<256x4096xf32>
    %select_n3A_312 = arith.select %eq3A_309, %broadcast_in_dim3A_311, %select_n3A_287 : vector<256x4096xi1>, vector<256x4096xf32>
    %min3A_313 = arith.constant 4095 : i32
    %min3A_314 = vector.broadcast %min3A_313 : i32 to vector<256x1xi32>
    %min3A_315 = arith.minsi %broadcast_in_dim3A_307, %min3A_314 : vector<256x1xi32>
    %swap3A_316 = arith.constant 0 : index
    %swap3A_317 = arith.constant 11 : index
    %swap3A_318 = vector.load %arg3[%swap3A_316, %swap3A_317] : memref<256x32xi32, #tpu.memory_space<vmem>>, vector<256x1xi32>
    tpu.vector_store %arg3[%swap3A_316, %swap3A_317], %min3A_315 {strides = array<i32>} : memref<256x32xi32, #tpu.memory_space<vmem>>, vector<256x1xi32>,
    %swap3A_319 = arith.constant 0 : index
    %swap3A_320 = arith.constant 11 : index
    %swap3A_321 = vector.load %arg4[%swap3A_319, %swap3A_320] : memref<256x32xf32, #tpu.memory_space<vmem>>, vector<256x1xf32>
    tpu.vector_store %arg4[%swap3A_319, %swap3A_320], %broadcast_in_dim3A_299 {strides = array<i32>} : memref<256x32xf32, #tpu.memory_space<vmem>>, vector<256x1xf32>,
    %reduce_min3A_322 = arith.constant dense<0x7F800000> : vector<256xf32>
    %reduce_min3A_323 = vector.multi_reduction <minimumf>, %select_n3A_312, %reduce_min3A_322 [1] : vector<256x4096xf32> to vector<256xf32>
    %broadcast_in_dim3A_324 = vector.shape_cast %reduce_min3A_323 : vector<256xf32> to vector<256x1xf32>
    %eq3A_325 = vector.broadcast %broadcast_in_dim3A_324 : vector<256x1xf32> to vector<256x4096xf32>
    %eq3A_326 = arith.cmpf oeq, %select_n3A_312, %eq3A_325 : vector<256x4096xf32>
    %jit3A_327 = arith.constant 4096 : i32
    %broadcast_in_dim3A_328 = vector.broadcast %jit3A_327 : i32 to vector<256x4096xi32>
    %select_n3A_329 = arith.select %eq3A_326, %iota3A, %broadcast_in_dim3A_328 : vector<256x4096xi1>, vector<256x4096xi32>
    %reduce_min3A_330 = arith.constant dense<2147483647> : vector<256xi32>
    %reduce_min3A_331 = vector.multi_reduction <minsi>, %select_n3A_329, %reduce_min3A_330 [1] : vector<256x4096xi32> to vector<256xi32>
    %broadcast_in_dim3A_332 = vector.shape_cast %reduce_min3A_331 : vector<256xi32> to vector<256x1xi32>
    %eq3A_333 = vector.broadcast %broadcast_in_dim3A_332 : vector<256x1xi32> to vector<256x4096xi32>
    %eq3A_334 = arith.cmpi eq, %iota3A, %eq3A_333 : vector<256x4096xi32>
    %jit3A_335 = arith.constant 1.000000e+30 : f32
    %broadcast_in_dim3A_336 = vector.broadcast %jit3A_335 : f32 to vector<256x4096xf32>
    %select_n3A_337 = arith.select %eq3A_334, %broadcast_in_dim3A_336, %select_n3A_312 : vector<256x4096xi1>, vector<256x4096xf32>
    %min3A_338 = arith.constant 4095 : i32
    %min3A_339 = vector.broadcast %min3A_338 : i32 to vector<256x1xi32>
    %min3A_340 = arith.minsi %broadcast_in_dim3A_332, %min3A_339 : vector<256x1xi32>
    %swap3A_341 = arith.constant 0 : index
    %swap3A_342 = arith.constant 12 : index
    %swap3A_343 = vector.load %arg3[%swap3A_341, %swap3A_342] : memref<256x32xi32, #tpu.memory_space<vmem>>, vector<256x1xi32>
    tpu.vector_store %arg3[%swap3A_341, %swap3A_342], %min3A_340 {strides = array<i32>} : memref<256x32xi32, #tpu.memory_space<vmem>>, vector<256x1xi32>,
    %swap3A_344 = arith.constant 0 : index
    %swap3A_345 = arith.constant 12 : index
    %swap3A_346 = vector.load %arg4[%swap3A_344, %swap3A_345] : memref<256x32xf32, #tpu.memory_space<vmem>>, vector<256x1xf32>
    tpu.vector_store %arg4[%swap3A_344, %swap3A_345], %broadcast_in_dim3A_324 {strides = array<i32>} : memref<256x32xf32, #tpu.memory_space<vmem>>, vector<256x1xf32>,
    %reduce_min3A_347 = arith.constant dense<0x7F800000> : vector<256xf32>
    %reduce_min3A_348 = vector.multi_reduction <minimumf>, %select_n3A_337, %reduce_min3A_347 [1] : vector<256x4096xf32> to vector<256xf32>
    %broadcast_in_dim3A_349 = vector.shape_cast %reduce_min3A_348 : vector<256xf32> to vector<256x1xf32>
    %eq3A_350 = vector.broadcast %broadcast_in_dim3A_349 : vector<256x1xf32> to vector<256x4096xf32>
    %eq3A_351 = arith.cmpf oeq, %select_n3A_337, %eq3A_350 : vector<256x4096xf32>
    %jit3A_352 = arith.constant 4096 : i32
    %broadcast_in_dim3A_353 = vector.broadcast %jit3A_352 : i32 to vector<256x4096xi32>
    %select_n3A_354 = arith.select %eq3A_351, %iota3A, %broadcast_in_dim3A_353 : vector<256x4096xi1>, vector<256x4096xi32>
    %reduce_min3A_355 = arith.constant dense<2147483647> : vector<256xi32>
    %reduce_min3A_356 = vector.multi_reduction <minsi>, %select_n3A_354, %reduce_min3A_355 [1] : vector<256x4096xi32> to vector<256xi32>
    %broadcast_in_dim3A_357 = vector.shape_cast %reduce_min3A_356 : vector<256xi32> to vector<256x1xi32>
    %eq3A_358 = vector.broadcast %broadcast_in_dim3A_357 : vector<256x1xi32> to vector<256x4096xi32>
    %eq3A_359 = arith.cmpi eq, %iota3A, %eq3A_358 : vector<256x4096xi32>
    %jit3A_360 = arith.constant 1.000000e+30 : f32
    %broadcast_in_dim3A_361 = vector.broadcast %jit3A_360 : f32 to vector<256x4096xf32>
    %select_n3A_362 = arith.select %eq3A_359, %broadcast_in_dim3A_361, %select_n3A_337 : vector<256x4096xi1>, vector<256x4096xf32>
    %min3A_363 = arith.constant 4095 : i32
    %min3A_364 = vector.broadcast %min3A_363 : i32 to vector<256x1xi32>
    %min3A_365 = arith.minsi %broadcast_in_dim3A_357, %min3A_364 : vector<256x1xi32>
    %swap3A_366 = arith.constant 0 : index
    %swap3A_367 = arith.constant 13 : index
    %swap3A_368 = vector.load %arg3[%swap3A_366, %swap3A_367] : memref<256x32xi32, #tpu.memory_space<vmem>>, vector<256x1xi32>
    tpu.vector_store %arg3[%swap3A_366, %swap3A_367], %min3A_365 {strides = array<i32>} : memref<256x32xi32, #tpu.memory_space<vmem>>, vector<256x1xi32>,
    %swap3A_369 = arith.constant 0 : index
    %swap3A_370 = arith.constant 13 : index
    %swap3A_371 = vector.load %arg4[%swap3A_369, %swap3A_370] : memref<256x32xf32, #tpu.memory_space<vmem>>, vector<256x1xf32>
    tpu.vector_store %arg4[%swap3A_369, %swap3A_370], %broadcast_in_dim3A_349 {strides = array<i32>} : memref<256x32xf32, #tpu.memory_space<vmem>>, vector<256x1xf32>,
    %reduce_min3A_372 = arith.constant dense<0x7F800000> : vector<256xf32>
    %reduce_min3A_373 = vector.multi_reduction <minimumf>, %select_n3A_362, %reduce_min3A_372 [1] : vector<256x4096xf32> to vector<256xf32>
    %broadcast_in_dim3A_374 = vector.shape_cast %reduce_min3A_373 : vector<256xf32> to vector<256x1xf32>
    %eq3A_375 = vector.broadcast %broadcast_in_dim3A_374 : vector<256x1xf32> to vector<256x4096xf32>
    %eq3A_376 = arith.cmpf oeq, %select_n3A_362, %eq3A_375 : vector<256x4096xf32>
    %jit3A_377 = arith.constant 4096 : i32
    %broadcast_in_dim3A_378 = vector.broadcast %jit3A_377 : i32 to vector<256x4096xi32>
    %select_n3A_379 = arith.select %eq3A_376, %iota3A, %broadcast_in_dim3A_378 : vector<256x4096xi1>, vector<256x4096xi32>
    %reduce_min3A_380 = arith.constant dense<2147483647> : vector<256xi32>
    %reduce_min3A_381 = vector.multi_reduction <minsi>, %select_n3A_379, %reduce_min3A_380 [1] : vector<256x4096xi32> to vector<256xi32>
    %broadcast_in_dim3A_382 = vector.shape_cast %reduce_min3A_381 : vector<256xi32> to vector<256x1xi32>
    %eq3A_383 = vector.broadcast %broadcast_in_dim3A_382 : vector<256x1xi32> to vector<256x4096xi32>
    %eq3A_384 = arith.cmpi eq, %iota3A, %eq3A_383 : vector<256x4096xi32>
    %jit3A_385 = arith.constant 1.000000e+30 : f32
    %broadcast_in_dim3A_386 = vector.broadcast %jit3A_385 : f32 to vector<256x4096xf32>
    %select_n3A_387 = arith.select %eq3A_384, %broadcast_in_dim3A_386, %select_n3A_362 : vector<256x4096xi1>, vector<256x4096xf32>
    %min3A_388 = arith.constant 4095 : i32
    %min3A_389 = vector.broadcast %min3A_388 : i32 to vector<256x1xi32>
    %min3A_390 = arith.minsi %broadcast_in_dim3A_382, %min3A_389 : vector<256x1xi32>
    %swap3A_391 = arith.constant 0 : index
    %swap3A_392 = arith.constant 14 : index
    %swap3A_393 = vector.load %arg3[%swap3A_391, %swap3A_392] : memref<256x32xi32, #tpu.memory_space<vmem>>, vector<256x1xi32>
    tpu.vector_store %arg3[%swap3A_391, %swap3A_392], %min3A_390 {strides = array<i32>} : memref<256x32xi32, #tpu.memory_space<vmem>>, vector<256x1xi32>,
    %swap3A_394 = arith.constant 0 : index
    %swap3A_395 = arith.constant 14 : index
    %swap3A_396 = vector.load %arg4[%swap3A_394, %swap3A_395] : memref<256x32xf32, #tpu.memory_space<vmem>>, vector<256x1xf32>
    tpu.vector_store %arg4[%swap3A_394, %swap3A_395], %broadcast_in_dim3A_374 {strides = array<i32>} : memref<256x32xf32, #tpu.memory_space<vmem>>, vector<256x1xf32>,
    %reduce_min3A_397 = arith.constant dense<0x7F800000> : vector<256xf32>
    %reduce_min3A_398 = vector.multi_reduction <minimumf>, %select_n3A_387, %reduce_min3A_397 [1] : vector<256x4096xf32> to vector<256xf32>
    %broadcast_in_dim3A_399 = vector.shape_cast %reduce_min3A_398 : vector<256xf32> to vector<256x1xf32>
    %eq3A_400 = vector.broadcast %broadcast_in_dim3A_399 : vector<256x1xf32> to vector<256x4096xf32>
    %eq3A_401 = arith.cmpf oeq, %select_n3A_387, %eq3A_400 : vector<256x4096xf32>
    %jit3A_402 = arith.constant 4096 : i32
    %broadcast_in_dim3A_403 = vector.broadcast %jit3A_402 : i32 to vector<256x4096xi32>
    %select_n3A_404 = arith.select %eq3A_401, %iota3A, %broadcast_in_dim3A_403 : vector<256x4096xi1>, vector<256x4096xi32>
    %reduce_min3A_405 = arith.constant dense<2147483647> : vector<256xi32>
    %reduce_min3A_406 = vector.multi_reduction <minsi>, %select_n3A_404, %reduce_min3A_405 [1] : vector<256x4096xi32> to vector<256xi32>
    %broadcast_in_dim3A_407 = vector.shape_cast %reduce_min3A_406 : vector<256xi32> to vector<256x1xi32>
    %eq3A_408 = vector.broadcast %broadcast_in_dim3A_407 : vector<256x1xi32> to vector<256x4096xi32>
    %eq3A_409 = arith.cmpi eq, %iota3A, %eq3A_408 : vector<256x4096xi32>
    %jit3A_410 = arith.constant 1.000000e+30 : f32
    %broadcast_in_dim3A_411 = vector.broadcast %jit3A_410 : f32 to vector<256x4096xf32>
    %select_n3A_412 = arith.select %eq3A_409, %broadcast_in_dim3A_411, %select_n3A_387 : vector<256x4096xi1>, vector<256x4096xf32>
    %min3A_413 = arith.constant 4095 : i32
    %min3A_414 = vector.broadcast %min3A_413 : i32 to vector<256x1xi32>
    %min3A_415 = arith.minsi %broadcast_in_dim3A_407, %min3A_414 : vector<256x1xi32>
    %swap3A_416 = arith.constant 0 : index
    %swap3A_417 = arith.constant 15 : index
    %swap3A_418 = vector.load %arg3[%swap3A_416, %swap3A_417] : memref<256x32xi32, #tpu.memory_space<vmem>>, vector<256x1xi32>
    tpu.vector_store %arg3[%swap3A_416, %swap3A_417], %min3A_415 {strides = array<i32>} : memref<256x32xi32, #tpu.memory_space<vmem>>, vector<256x1xi32>,
    %swap3A_419 = arith.constant 0 : index
    %swap3A_420 = arith.constant 15 : index
    %swap3A_421 = vector.load %arg4[%swap3A_419, %swap3A_420] : memref<256x32xf32, #tpu.memory_space<vmem>>, vector<256x1xf32>
    tpu.vector_store %arg4[%swap3A_419, %swap3A_420], %broadcast_in_dim3A_399 {strides = array<i32>} : memref<256x32xf32, #tpu.memory_space<vmem>>, vector<256x1xf32>,
    %reduce_min3A_422 = arith.constant dense<0x7F800000> : vector<256xf32>
    %reduce_min3A_423 = vector.multi_reduction <minimumf>, %select_n3A_412, %reduce_min3A_422 [1] : vector<256x4096xf32> to vector<256xf32>
    %broadcast_in_dim3A_424 = vector.shape_cast %reduce_min3A_423 : vector<256xf32> to vector<256x1xf32>
    %eq3A_425 = vector.broadcast %broadcast_in_dim3A_424 : vector<256x1xf32> to vector<256x4096xf32>
    %eq3A_426 = arith.cmpf oeq, %select_n3A_412, %eq3A_425 : vector<256x4096xf32>
    %jit3A_427 = arith.constant 4096 : i32
    %broadcast_in_dim3A_428 = vector.broadcast %jit3A_427 : i32 to vector<256x4096xi32>
    %select_n3A_429 = arith.select %eq3A_426, %iota3A, %broadcast_in_dim3A_428 : vector<256x4096xi1>, vector<256x4096xi32>
    %reduce_min3A_430 = arith.constant dense<2147483647> : vector<256xi32>
    %reduce_min3A_431 = vector.multi_reduction <minsi>, %select_n3A_429, %reduce_min3A_430 [1] : vector<256x4096xi32> to vector<256xi32>
    %broadcast_in_dim3A_432 = vector.shape_cast %reduce_min3A_431 : vector<256xi32> to vector<256x1xi32>
    %eq3A_433 = vector.broadcast %broadcast_in_dim3A_432 : vector<256x1xi32> to vector<256x4096xi32>
    %eq3A_434 = arith.cmpi eq, %iota3A, %eq3A_433 : vector<256x4096xi32>
    %jit3A_435 = arith.constant 1.000000e+30 : f32
    %broadcast_in_dim3A_436 = vector.broadcast %jit3A_435 : f32 to vector<256x4096xf32>
    %select_n3A_437 = arith.select %eq3A_434, %broadcast_in_dim3A_436, %select_n3A_412 : vector<256x4096xi1>, vector<256x4096xf32>
    %min3A_438 = arith.constant 4095 : i32
    %min3A_439 = vector.broadcast %min3A_438 : i32 to vector<256x1xi32>
    %min3A_440 = arith.minsi %broadcast_in_dim3A_432, %min3A_439 : vector<256x1xi32>
    %swap3A_441 = arith.constant 0 : index
    %swap3A_442 = arith.constant 16 : index
    %swap3A_443 = vector.load %arg3[%swap3A_441, %swap3A_442] : memref<256x32xi32, #tpu.memory_space<vmem>>, vector<256x1xi32>
    tpu.vector_store %arg3[%swap3A_441, %swap3A_442], %min3A_440 {strides = array<i32>} : memref<256x32xi32, #tpu.memory_space<vmem>>, vector<256x1xi32>,
    %swap3A_444 = arith.constant 0 : index
    %swap3A_445 = arith.constant 16 : index
    %swap3A_446 = vector.load %arg4[%swap3A_444, %swap3A_445] : memref<256x32xf32, #tpu.memory_space<vmem>>, vector<256x1xf32>
    tpu.vector_store %arg4[%swap3A_444, %swap3A_445], %broadcast_in_dim3A_424 {strides = array<i32>} : memref<256x32xf32, #tpu.memory_space<vmem>>, vector<256x1xf32>,
    %reduce_min3A_447 = arith.constant dense<0x7F800000> : vector<256xf32>
    %reduce_min3A_448 = vector.multi_reduction <minimumf>, %select_n3A_437, %reduce_min3A_447 [1] : vector<256x4096xf32> to vector<256xf32>
    %broadcast_in_dim3A_449 = vector.shape_cast %reduce_min3A_448 : vector<256xf32> to vector<256x1xf32>
    %eq3A_450 = vector.broadcast %broadcast_in_dim3A_449 : vector<256x1xf32> to vector<256x4096xf32>
    %eq3A_451 = arith.cmpf oeq, %select_n3A_437, %eq3A_450 : vector<256x4096xf32>
    %jit3A_452 = arith.constant 4096 : i32
    %broadcast_in_dim3A_453 = vector.broadcast %jit3A_452 : i32 to vector<256x4096xi32>
    %select_n3A_454 = arith.select %eq3A_451, %iota3A, %broadcast_in_dim3A_453 : vector<256x4096xi1>, vector<256x4096xi32>
    %reduce_min3A_455 = arith.constant dense<2147483647> : vector<256xi32>
    %reduce_min3A_456 = vector.multi_reduction <minsi>, %select_n3A_454, %reduce_min3A_455 [1] : vector<256x4096xi32> to vector<256xi32>
    %broadcast_in_dim3A_457 = vector.shape_cast %reduce_min3A_456 : vector<256xi32> to vector<256x1xi32>
    %eq3A_458 = vector.broadcast %broadcast_in_dim3A_457 : vector<256x1xi32> to vector<256x4096xi32>
    %eq3A_459 = arith.cmpi eq, %iota3A, %eq3A_458 : vector<256x4096xi32>
    %jit3A_460 = arith.constant 1.000000e+30 : f32
    %broadcast_in_dim3A_461 = vector.broadcast %jit3A_460 : f32 to vector<256x4096xf32>
    %select_n3A_462 = arith.select %eq3A_459, %broadcast_in_dim3A_461, %select_n3A_437 : vector<256x4096xi1>, vector<256x4096xf32>
    %min3A_463 = arith.constant 4095 : i32
    %min3A_464 = vector.broadcast %min3A_463 : i32 to vector<256x1xi32>
    %min3A_465 = arith.minsi %broadcast_in_dim3A_457, %min3A_464 : vector<256x1xi32>
    %swap3A_466 = arith.constant 0 : index
    %swap3A_467 = arith.constant 17 : index
    %swap3A_468 = vector.load %arg3[%swap3A_466, %swap3A_467] : memref<256x32xi32, #tpu.memory_space<vmem>>, vector<256x1xi32>
    tpu.vector_store %arg3[%swap3A_466, %swap3A_467], %min3A_465 {strides = array<i32>} : memref<256x32xi32, #tpu.memory_space<vmem>>, vector<256x1xi32>,
    %swap3A_469 = arith.constant 0 : index
    %swap3A_470 = arith.constant 17 : index
    %swap3A_471 = vector.load %arg4[%swap3A_469, %swap3A_470] : memref<256x32xf32, #tpu.memory_space<vmem>>, vector<256x1xf32>
    tpu.vector_store %arg4[%swap3A_469, %swap3A_470], %broadcast_in_dim3A_449 {strides = array<i32>} : memref<256x32xf32, #tpu.memory_space<vmem>>, vector<256x1xf32>,
    %reduce_min3A_472 = arith.constant dense<0x7F800000> : vector<256xf32>
    %reduce_min3A_473 = vector.multi_reduction <minimumf>, %select_n3A_462, %reduce_min3A_472 [1] : vector<256x4096xf32> to vector<256xf32>
    %broadcast_in_dim3A_474 = vector.shape_cast %reduce_min3A_473 : vector<256xf32> to vector<256x1xf32>
    %eq3A_475 = vector.broadcast %broadcast_in_dim3A_474 : vector<256x1xf32> to vector<256x4096xf32>
    %eq3A_476 = arith.cmpf oeq, %select_n3A_462, %eq3A_475 : vector<256x4096xf32>
    %jit3A_477 = arith.constant 4096 : i32
    %broadcast_in_dim3A_478 = vector.broadcast %jit3A_477 : i32 to vector<256x4096xi32>
    %select_n3A_479 = arith.select %eq3A_476, %iota3A, %broadcast_in_dim3A_478 : vector<256x4096xi1>, vector<256x4096xi32>
    %reduce_min3A_480 = arith.constant dense<2147483647> : vector<256xi32>
    %reduce_min3A_481 = vector.multi_reduction <minsi>, %select_n3A_479, %reduce_min3A_480 [1] : vector<256x4096xi32> to vector<256xi32>
    %broadcast_in_dim3A_482 = vector.shape_cast %reduce_min3A_481 : vector<256xi32> to vector<256x1xi32>
    %eq3A_483 = vector.broadcast %broadcast_in_dim3A_482 : vector<256x1xi32> to vector<256x4096xi32>
    %eq3A_484 = arith.cmpi eq, %iota3A, %eq3A_483 : vector<256x4096xi32>
    %jit3A_485 = arith.constant 1.000000e+30 : f32
    %broadcast_in_dim3A_486 = vector.broadcast %jit3A_485 : f32 to vector<256x4096xf32>
    %select_n3A_487 = arith.select %eq3A_484, %broadcast_in_dim3A_486, %select_n3A_462 : vector<256x4096xi1>, vector<256x4096xf32>
    %min3A_488 = arith.constant 4095 : i32
    %min3A_489 = vector.broadcast %min3A_488 : i32 to vector<256x1xi32>
    %min3A_490 = arith.minsi %broadcast_in_dim3A_482, %min3A_489 : vector<256x1xi32>
    %swap3A_491 = arith.constant 0 : index
    %swap3A_492 = arith.constant 18 : index
    %swap3A_493 = vector.load %arg3[%swap3A_491, %swap3A_492] : memref<256x32xi32, #tpu.memory_space<vmem>>, vector<256x1xi32>
    tpu.vector_store %arg3[%swap3A_491, %swap3A_492], %min3A_490 {strides = array<i32>} : memref<256x32xi32, #tpu.memory_space<vmem>>, vector<256x1xi32>,
    %swap3A_494 = arith.constant 0 : index
    %swap3A_495 = arith.constant 18 : index
    %swap3A_496 = vector.load %arg4[%swap3A_494, %swap3A_495] : memref<256x32xf32, #tpu.memory_space<vmem>>, vector<256x1xf32>
    tpu.vector_store %arg4[%swap3A_494, %swap3A_495], %broadcast_in_dim3A_474 {strides = array<i32>} : memref<256x32xf32, #tpu.memory_space<vmem>>, vector<256x1xf32>,
    %reduce_min3A_497 = arith.constant dense<0x7F800000> : vector<256xf32>
    %reduce_min3A_498 = vector.multi_reduction <minimumf>, %select_n3A_487, %reduce_min3A_497 [1] : vector<256x4096xf32> to vector<256xf32>
    %broadcast_in_dim3A_499 = vector.shape_cast %reduce_min3A_498 : vector<256xf32> to vector<256x1xf32>
    %eq3A_500 = vector.broadcast %broadcast_in_dim3A_499 : vector<256x1xf32> to vector<256x4096xf32>
    %eq3A_501 = arith.cmpf oeq, %select_n3A_487, %eq3A_500 : vector<256x4096xf32>
    %jit3A_502 = arith.constant 4096 : i32
    %broadcast_in_dim3A_503 = vector.broadcast %jit3A_502 : i32 to vector<256x4096xi32>
    %select_n3A_504 = arith.select %eq3A_501, %iota3A, %broadcast_in_dim3A_503 : vector<256x4096xi1>, vector<256x4096xi32>
    %reduce_min3A_505 = arith.constant dense<2147483647> : vector<256xi32>
    %reduce_min3A_506 = vector.multi_reduction <minsi>, %select_n3A_504, %reduce_min3A_505 [1] : vector<256x4096xi32> to vector<256xi32>
    %broadcast_in_dim3A_507 = vector.shape_cast %reduce_min3A_506 : vector<256xi32> to vector<256x1xi32>
    %eq3A_508 = vector.broadcast %broadcast_in_dim3A_507 : vector<256x1xi32> to vector<256x4096xi32>
    %eq3A_509 = arith.cmpi eq, %iota3A, %eq3A_508 : vector<256x4096xi32>
    %jit3A_510 = arith.constant 1.000000e+30 : f32
    %broadcast_in_dim3A_511 = vector.broadcast %jit3A_510 : f32 to vector<256x4096xf32>
    %select_n3A_512 = arith.select %eq3A_509, %broadcast_in_dim3A_511, %select_n3A_487 : vector<256x4096xi1>, vector<256x4096xf32>
    %min3A_513 = arith.constant 4095 : i32
    %min3A_514 = vector.broadcast %min3A_513 : i32 to vector<256x1xi32>
    %min3A_515 = arith.minsi %broadcast_in_dim3A_507, %min3A_514 : vector<256x1xi32>
    %swap3A_516 = arith.constant 0 : index
    %swap3A_517 = arith.constant 19 : index
    %swap3A_518 = vector.load %arg3[%swap3A_516, %swap3A_517] : memref<256x32xi32, #tpu.memory_space<vmem>>, vector<256x1xi32>
    tpu.vector_store %arg3[%swap3A_516, %swap3A_517], %min3A_515 {strides = array<i32>} : memref<256x32xi32, #tpu.memory_space<vmem>>, vector<256x1xi32>,
    %swap3A_519 = arith.constant 0 : index
    %swap3A_520 = arith.constant 19 : index
    %swap3A_521 = vector.load %arg4[%swap3A_519, %swap3A_520] : memref<256x32xf32, #tpu.memory_space<vmem>>, vector<256x1xf32>
    tpu.vector_store %arg4[%swap3A_519, %swap3A_520], %broadcast_in_dim3A_499 {strides = array<i32>} : memref<256x32xf32, #tpu.memory_space<vmem>>, vector<256x1xf32>,
    %reduce_min3A_522 = arith.constant dense<0x7F800000> : vector<256xf32>
    %reduce_min3A_523 = vector.multi_reduction <minimumf>, %select_n3A_512, %reduce_min3A_522 [1] : vector<256x4096xf32> to vector<256xf32>
    %broadcast_in_dim3A_524 = vector.shape_cast %reduce_min3A_523 : vector<256xf32> to vector<256x1xf32>
    %eq3A_525 = vector.broadcast %broadcast_in_dim3A_524 : vector<256x1xf32> to vector<256x4096xf32>
    %eq3A_526 = arith.cmpf oeq, %select_n3A_512, %eq3A_525 : vector<256x4096xf32>
    %jit3A_527 = arith.constant 4096 : i32
    %broadcast_in_dim3A_528 = vector.broadcast %jit3A_527 : i32 to vector<256x4096xi32>
    %select_n3A_529 = arith.select %eq3A_526, %iota3A, %broadcast_in_dim3A_528 : vector<256x4096xi1>, vector<256x4096xi32>
    %reduce_min3A_530 = arith.constant dense<2147483647> : vector<256xi32>
    %reduce_min3A_531 = vector.multi_reduction <minsi>, %select_n3A_529, %reduce_min3A_530 [1] : vector<256x4096xi32> to vector<256xi32>
    %broadcast_in_dim3A_532 = vector.shape_cast %reduce_min3A_531 : vector<256xi32> to vector<256x1xi32>
    %eq3A_533 = vector.broadcast %broadcast_in_dim3A_532 : vector<256x1xi32> to vector<256x4096xi32>
    %eq3A_534 = arith.cmpi eq, %iota3A, %eq3A_533 : vector<256x4096xi32>
    %jit3A_535 = arith.constant 1.000000e+30 : f32
    %broadcast_in_dim3A_536 = vector.broadcast %jit3A_535 : f32 to vector<256x4096xf32>
    %select_n3A_537 = arith.select %eq3A_534, %broadcast_in_dim3A_536, %select_n3A_512 : vector<256x4096xi1>, vector<256x4096xf32>
    %min3A_538 = arith.constant 4095 : i32
    %min3A_539 = vector.broadcast %min3A_538 : i32 to vector<256x1xi32>
    %min3A_540 = arith.minsi %broadcast_in_dim3A_532, %min3A_539 : vector<256x1xi32>
    %swap3A_541 = arith.constant 0 : index
    %swap3A_542 = arith.constant 20 : index
    %swap3A_543 = vector.load %arg3[%swap3A_541, %swap3A_542] : memref<256x32xi32, #tpu.memory_space<vmem>>, vector<256x1xi32>
    tpu.vector_store %arg3[%swap3A_541, %swap3A_542], %min3A_540 {strides = array<i32>} : memref<256x32xi32, #tpu.memory_space<vmem>>, vector<256x1xi32>,
    %swap3A_544 = arith.constant 0 : index
    %swap3A_545 = arith.constant 20 : index
    %swap3A_546 = vector.load %arg4[%swap3A_544, %swap3A_545] : memref<256x32xf32, #tpu.memory_space<vmem>>, vector<256x1xf32>
    tpu.vector_store %arg4[%swap3A_544, %swap3A_545], %broadcast_in_dim3A_524 {strides = array<i32>} : memref<256x32xf32, #tpu.memory_space<vmem>>, vector<256x1xf32>,
    %reduce_min3A_547 = arith.constant dense<0x7F800000> : vector<256xf32>
    %reduce_min3A_548 = vector.multi_reduction <minimumf>, %select_n3A_537, %reduce_min3A_547 [1] : vector<256x4096xf32> to vector<256xf32>
    %broadcast_in_dim3A_549 = vector.shape_cast %reduce_min3A_548 : vector<256xf32> to vector<256x1xf32>
    %eq3A_550 = vector.broadcast %broadcast_in_dim3A_549 : vector<256x1xf32> to vector<256x4096xf32>
    %eq3A_551 = arith.cmpf oeq, %select_n3A_537, %eq3A_550 : vector<256x4096xf32>
    %jit3A_552 = arith.constant 4096 : i32
    %broadcast_in_dim3A_553 = vector.broadcast %jit3A_552 : i32 to vector<256x4096xi32>
    %select_n3A_554 = arith.select %eq3A_551, %iota3A, %broadcast_in_dim3A_553 : vector<256x4096xi1>, vector<256x4096xi32>
    %reduce_min3A_555 = arith.constant dense<2147483647> : vector<256xi32>
    %reduce_min3A_556 = vector.multi_reduction <minsi>, %select_n3A_554, %reduce_min3A_555 [1] : vector<256x4096xi32> to vector<256xi32>
    %broadcast_in_dim3A_557 = vector.shape_cast %reduce_min3A_556 : vector<256xi32> to vector<256x1xi32>
    %eq3A_558 = vector.broadcast %broadcast_in_dim3A_557 : vector<256x1xi32> to vector<256x4096xi32>
    %eq3A_559 = arith.cmpi eq, %iota3A, %eq3A_558 : vector<256x4096xi32>
    %jit3A_560 = arith.constant 1.000000e+30 : f32
    %broadcast_in_dim3A_561 = vector.broadcast %jit3A_560 : f32 to vector<256x4096xf32>
    %select_n3A_562 = arith.select %eq3A_559, %broadcast_in_dim3A_561, %select_n3A_537 : vector<256x4096xi1>, vector<256x4096xf32>
    %min3A_563 = arith.constant 4095 : i32
    %min3A_564 = vector.broadcast %min3A_563 : i32 to vector<256x1xi32>
    %min3A_565 = arith.minsi %broadcast_in_dim3A_557, %min3A_564 : vector<256x1xi32>
    %swap3A_566 = arith.constant 0 : index
    %swap3A_567 = arith.constant 21 : index
    %swap3A_568 = vector.load %arg3[%swap3A_566, %swap3A_567] : memref<256x32xi32, #tpu.memory_space<vmem>>, vector<256x1xi32>
    tpu.vector_store %arg3[%swap3A_566, %swap3A_567], %min3A_565 {strides = array<i32>} : memref<256x32xi32, #tpu.memory_space<vmem>>, vector<256x1xi32>,
    %swap3A_569 = arith.constant 0 : index
    %swap3A_570 = arith.constant 21 : index
    %swap3A_571 = vector.load %arg4[%swap3A_569, %swap3A_570] : memref<256x32xf32, #tpu.memory_space<vmem>>, vector<256x1xf32>
    tpu.vector_store %arg4[%swap3A_569, %swap3A_570], %broadcast_in_dim3A_549 {strides = array<i32>} : memref<256x32xf32, #tpu.memory_space<vmem>>, vector<256x1xf32>,
    %reduce_min3A_572 = arith.constant dense<0x7F800000> : vector<256xf32>
    %reduce_min3A_573 = vector.multi_reduction <minimumf>, %select_n3A_562, %reduce_min3A_572 [1] : vector<256x4096xf32> to vector<256xf32>
    %broadcast_in_dim3A_574 = vector.shape_cast %reduce_min3A_573 : vector<256xf32> to vector<256x1xf32>
    %eq3A_575 = vector.broadcast %broadcast_in_dim3A_574 : vector<256x1xf32> to vector<256x4096xf32>
    %eq3A_576 = arith.cmpf oeq, %select_n3A_562, %eq3A_575 : vector<256x4096xf32>
    %jit3A_577 = arith.constant 4096 : i32
    %broadcast_in_dim3A_578 = vector.broadcast %jit3A_577 : i32 to vector<256x4096xi32>
    %select_n3A_579 = arith.select %eq3A_576, %iota3A, %broadcast_in_dim3A_578 : vector<256x4096xi1>, vector<256x4096xi32>
    %reduce_min3A_580 = arith.constant dense<2147483647> : vector<256xi32>
    %reduce_min3A_581 = vector.multi_reduction <minsi>, %select_n3A_579, %reduce_min3A_580 [1] : vector<256x4096xi32> to vector<256xi32>
    %broadcast_in_dim3A_582 = vector.shape_cast %reduce_min3A_581 : vector<256xi32> to vector<256x1xi32>
    %eq3A_583 = vector.broadcast %broadcast_in_dim3A_582 : vector<256x1xi32> to vector<256x4096xi32>
    %eq3A_584 = arith.cmpi eq, %iota3A, %eq3A_583 : vector<256x4096xi32>
    %jit3A_585 = arith.constant 1.000000e+30 : f32
    %broadcast_in_dim3A_586 = vector.broadcast %jit3A_585 : f32 to vector<256x4096xf32>
    %select_n3A_587 = arith.select %eq3A_584, %broadcast_in_dim3A_586, %select_n3A_562 : vector<256x4096xi1>, vector<256x4096xf32>
    %min3A_588 = arith.constant 4095 : i32
    %min3A_589 = vector.broadcast %min3A_588 : i32 to vector<256x1xi32>
    %min3A_590 = arith.minsi %broadcast_in_dim3A_582, %min3A_589 : vector<256x1xi32>
    %swap3A_591 = arith.constant 0 : index
    %swap3A_592 = arith.constant 22 : index
    %swap3A_593 = vector.load %arg3[%swap3A_591, %swap3A_592] : memref<256x32xi32, #tpu.memory_space<vmem>>, vector<256x1xi32>
    tpu.vector_store %arg3[%swap3A_591, %swap3A_592], %min3A_590 {strides = array<i32>} : memref<256x32xi32, #tpu.memory_space<vmem>>, vector<256x1xi32>,
    %swap3A_594 = arith.constant 0 : index
    %swap3A_595 = arith.constant 22 : index
    %swap3A_596 = vector.load %arg4[%swap3A_594, %swap3A_595] : memref<256x32xf32, #tpu.memory_space<vmem>>, vector<256x1xf32>
    tpu.vector_store %arg4[%swap3A_594, %swap3A_595], %broadcast_in_dim3A_574 {strides = array<i32>} : memref<256x32xf32, #tpu.memory_space<vmem>>, vector<256x1xf32>,
    %reduce_min3A_597 = arith.constant dense<0x7F800000> : vector<256xf32>
    %reduce_min3A_598 = vector.multi_reduction <minimumf>, %select_n3A_587, %reduce_min3A_597 [1] : vector<256x4096xf32> to vector<256xf32>
    %broadcast_in_dim3A_599 = vector.shape_cast %reduce_min3A_598 : vector<256xf32> to vector<256x1xf32>
    %eq3A_600 = vector.broadcast %broadcast_in_dim3A_599 : vector<256x1xf32> to vector<256x4096xf32>
    %eq3A_601 = arith.cmpf oeq, %select_n3A_587, %eq3A_600 : vector<256x4096xf32>
    %jit3A_602 = arith.constant 4096 : i32
    %broadcast_in_dim3A_603 = vector.broadcast %jit3A_602 : i32 to vector<256x4096xi32>
    %select_n3A_604 = arith.select %eq3A_601, %iota3A, %broadcast_in_dim3A_603 : vector<256x4096xi1>, vector<256x4096xi32>
    %reduce_min3A_605 = arith.constant dense<2147483647> : vector<256xi32>
    %reduce_min3A_606 = vector.multi_reduction <minsi>, %select_n3A_604, %reduce_min3A_605 [1] : vector<256x4096xi32> to vector<256xi32>
    %broadcast_in_dim3A_607 = vector.shape_cast %reduce_min3A_606 : vector<256xi32> to vector<256x1xi32>
    %eq3A_608 = vector.broadcast %broadcast_in_dim3A_607 : vector<256x1xi32> to vector<256x4096xi32>
    %eq3A_609 = arith.cmpi eq, %iota3A, %eq3A_608 : vector<256x4096xi32>
    %jit3A_610 = arith.constant 1.000000e+30 : f32
    %broadcast_in_dim3A_611 = vector.broadcast %jit3A_610 : f32 to vector<256x4096xf32>
    %select_n3A_612 = arith.select %eq3A_609, %broadcast_in_dim3A_611, %select_n3A_587 : vector<256x4096xi1>, vector<256x4096xf32>
    %min3A_613 = arith.constant 4095 : i32
    %min3A_614 = vector.broadcast %min3A_613 : i32 to vector<256x1xi32>
    %min3A_615 = arith.minsi %broadcast_in_dim3A_607, %min3A_614 : vector<256x1xi32>
    %swap3A_616 = arith.constant 0 : index
    %swap3A_617 = arith.constant 23 : index
    %swap3A_618 = vector.load %arg3[%swap3A_616, %swap3A_617] : memref<256x32xi32, #tpu.memory_space<vmem>>, vector<256x1xi32>
    tpu.vector_store %arg3[%swap3A_616, %swap3A_617], %min3A_615 {strides = array<i32>} : memref<256x32xi32, #tpu.memory_space<vmem>>, vector<256x1xi32>,
    %swap3A_619 = arith.constant 0 : index
    %swap3A_620 = arith.constant 23 : index
    %swap3A_621 = vector.load %arg4[%swap3A_619, %swap3A_620] : memref<256x32xf32, #tpu.memory_space<vmem>>, vector<256x1xf32>
    tpu.vector_store %arg4[%swap3A_619, %swap3A_620], %broadcast_in_dim3A_599 {strides = array<i32>} : memref<256x32xf32, #tpu.memory_space<vmem>>, vector<256x1xf32>,
    %reduce_min3A_622 = arith.constant dense<0x7F800000> : vector<256xf32>
    %reduce_min3A_623 = vector.multi_reduction <minimumf>, %select_n3A_612, %reduce_min3A_622 [1] : vector<256x4096xf32> to vector<256xf32>
    %broadcast_in_dim3A_624 = vector.shape_cast %reduce_min3A_623 : vector<256xf32> to vector<256x1xf32>
    %eq3A_625 = vector.broadcast %broadcast_in_dim3A_624 : vector<256x1xf32> to vector<256x4096xf32>
    %eq3A_626 = arith.cmpf oeq, %select_n3A_612, %eq3A_625 : vector<256x4096xf32>
    %jit3A_627 = arith.constant 4096 : i32
    %broadcast_in_dim3A_628 = vector.broadcast %jit3A_627 : i32 to vector<256x4096xi32>
    %select_n3A_629 = arith.select %eq3A_626, %iota3A, %broadcast_in_dim3A_628 : vector<256x4096xi1>, vector<256x4096xi32>
    %reduce_min3A_630 = arith.constant dense<2147483647> : vector<256xi32>
    %reduce_min3A_631 = vector.multi_reduction <minsi>, %select_n3A_629, %reduce_min3A_630 [1] : vector<256x4096xi32> to vector<256xi32>
    %broadcast_in_dim3A_632 = vector.shape_cast %reduce_min3A_631 : vector<256xi32> to vector<256x1xi32>
    %eq3A_633 = vector.broadcast %broadcast_in_dim3A_632 : vector<256x1xi32> to vector<256x4096xi32>
    %eq3A_634 = arith.cmpi eq, %iota3A, %eq3A_633 : vector<256x4096xi32>
    %jit3A_635 = arith.constant 1.000000e+30 : f32
    %broadcast_in_dim3A_636 = vector.broadcast %jit3A_635 : f32 to vector<256x4096xf32>
    %select_n3A_637 = arith.select %eq3A_634, %broadcast_in_dim3A_636, %select_n3A_612 : vector<256x4096xi1>, vector<256x4096xf32>
    %min3A_638 = arith.constant 4095 : i32
    %min3A_639 = vector.broadcast %min3A_638 : i32 to vector<256x1xi32>
    %min3A_640 = arith.minsi %broadcast_in_dim3A_632, %min3A_639 : vector<256x1xi32>
    %swap3A_641 = arith.constant 0 : index
    %swap3A_642 = arith.constant 24 : index
    %swap3A_643 = vector.load %arg3[%swap3A_641, %swap3A_642] : memref<256x32xi32, #tpu.memory_space<vmem>>, vector<256x1xi32>
    tpu.vector_store %arg3[%swap3A_641, %swap3A_642], %min3A_640 {strides = array<i32>} : memref<256x32xi32, #tpu.memory_space<vmem>>, vector<256x1xi32>,
    %swap3A_644 = arith.constant 0 : index
    %swap3A_645 = arith.constant 24 : index
    %swap3A_646 = vector.load %arg4[%swap3A_644, %swap3A_645] : memref<256x32xf32, #tpu.memory_space<vmem>>, vector<256x1xf32>
    tpu.vector_store %arg4[%swap3A_644, %swap3A_645], %broadcast_in_dim3A_624 {strides = array<i32>} : memref<256x32xf32, #tpu.memory_space<vmem>>, vector<256x1xf32>,
    %reduce_min3A_647 = arith.constant dense<0x7F800000> : vector<256xf32>
    %reduce_min3A_648 = vector.multi_reduction <minimumf>, %select_n3A_637, %reduce_min3A_647 [1] : vector<256x4096xf32> to vector<256xf32>
    %broadcast_in_dim3A_649 = vector.shape_cast %reduce_min3A_648 : vector<256xf32> to vector<256x1xf32>
    %eq3A_650 = vector.broadcast %broadcast_in_dim3A_649 : vector<256x1xf32> to vector<256x4096xf32>
    %eq3A_651 = arith.cmpf oeq, %select_n3A_637, %eq3A_650 : vector<256x4096xf32>
    %jit3A_652 = arith.constant 4096 : i32
    %broadcast_in_dim3A_653 = vector.broadcast %jit3A_652 : i32 to vector<256x4096xi32>
    %select_n3A_654 = arith.select %eq3A_651, %iota3A, %broadcast_in_dim3A_653 : vector<256x4096xi1>, vector<256x4096xi32>
    %reduce_min3A_655 = arith.constant dense<2147483647> : vector<256xi32>
    %reduce_min3A_656 = vector.multi_reduction <minsi>, %select_n3A_654, %reduce_min3A_655 [1] : vector<256x4096xi32> to vector<256xi32>
    %broadcast_in_dim3A_657 = vector.shape_cast %reduce_min3A_656 : vector<256xi32> to vector<256x1xi32>
    %eq3A_658 = vector.broadcast %broadcast_in_dim3A_657 : vector<256x1xi32> to vector<256x4096xi32>
    %eq3A_659 = arith.cmpi eq, %iota3A, %eq3A_658 : vector<256x4096xi32>
    %jit3A_660 = arith.constant 1.000000e+30 : f32
    %broadcast_in_dim3A_661 = vector.broadcast %jit3A_660 : f32 to vector<256x4096xf32>
    %select_n3A_662 = arith.select %eq3A_659, %broadcast_in_dim3A_661, %select_n3A_637 : vector<256x4096xi1>, vector<256x4096xf32>
    %min3A_663 = arith.constant 4095 : i32
    %min3A_664 = vector.broadcast %min3A_663 : i32 to vector<256x1xi32>
    %min3A_665 = arith.minsi %broadcast_in_dim3A_657, %min3A_664 : vector<256x1xi32>
    %swap3A_666 = arith.constant 0 : index
    %swap3A_667 = arith.constant 25 : index
    %swap3A_668 = vector.load %arg3[%swap3A_666, %swap3A_667] : memref<256x32xi32, #tpu.memory_space<vmem>>, vector<256x1xi32>
    tpu.vector_store %arg3[%swap3A_666, %swap3A_667], %min3A_665 {strides = array<i32>} : memref<256x32xi32, #tpu.memory_space<vmem>>, vector<256x1xi32>,
    %swap3A_669 = arith.constant 0 : index
    %swap3A_670 = arith.constant 25 : index
    %swap3A_671 = vector.load %arg4[%swap3A_669, %swap3A_670] : memref<256x32xf32, #tpu.memory_space<vmem>>, vector<256x1xf32>
    tpu.vector_store %arg4[%swap3A_669, %swap3A_670], %broadcast_in_dim3A_649 {strides = array<i32>} : memref<256x32xf32, #tpu.memory_space<vmem>>, vector<256x1xf32>,
    %reduce_min3A_672 = arith.constant dense<0x7F800000> : vector<256xf32>
    %reduce_min3A_673 = vector.multi_reduction <minimumf>, %select_n3A_662, %reduce_min3A_672 [1] : vector<256x4096xf32> to vector<256xf32>
    %broadcast_in_dim3A_674 = vector.shape_cast %reduce_min3A_673 : vector<256xf32> to vector<256x1xf32>
    %eq3A_675 = vector.broadcast %broadcast_in_dim3A_674 : vector<256x1xf32> to vector<256x4096xf32>
    %eq3A_676 = arith.cmpf oeq, %select_n3A_662, %eq3A_675 : vector<256x4096xf32>
    %jit3A_677 = arith.constant 4096 : i32
    %broadcast_in_dim3A_678 = vector.broadcast %jit3A_677 : i32 to vector<256x4096xi32>
    %select_n3A_679 = arith.select %eq3A_676, %iota3A, %broadcast_in_dim3A_678 : vector<256x4096xi1>, vector<256x4096xi32>
    %reduce_min3A_680 = arith.constant dense<2147483647> : vector<256xi32>
    %reduce_min3A_681 = vector.multi_reduction <minsi>, %select_n3A_679, %reduce_min3A_680 [1] : vector<256x4096xi32> to vector<256xi32>
    %broadcast_in_dim3A_682 = vector.shape_cast %reduce_min3A_681 : vector<256xi32> to vector<256x1xi32>
    %eq3A_683 = vector.broadcast %broadcast_in_dim3A_682 : vector<256x1xi32> to vector<256x4096xi32>
    %eq3A_684 = arith.cmpi eq, %iota3A, %eq3A_683 : vector<256x4096xi32>
    %jit3A_685 = arith.constant 1.000000e+30 : f32
    %broadcast_in_dim3A_686 = vector.broadcast %jit3A_685 : f32 to vector<256x4096xf32>
    %select_n3A_687 = arith.select %eq3A_684, %broadcast_in_dim3A_686, %select_n3A_662 : vector<256x4096xi1>, vector<256x4096xf32>
    %min3A_688 = arith.constant 4095 : i32
    %min3A_689 = vector.broadcast %min3A_688 : i32 to vector<256x1xi32>
    %min3A_690 = arith.minsi %broadcast_in_dim3A_682, %min3A_689 : vector<256x1xi32>
    %swap3A_691 = arith.constant 0 : index
    %swap3A_692 = arith.constant 26 : index
    %swap3A_693 = vector.load %arg3[%swap3A_691, %swap3A_692] : memref<256x32xi32, #tpu.memory_space<vmem>>, vector<256x1xi32>
    tpu.vector_store %arg3[%swap3A_691, %swap3A_692], %min3A_690 {strides = array<i32>} : memref<256x32xi32, #tpu.memory_space<vmem>>, vector<256x1xi32>,
    %swap3A_694 = arith.constant 0 : index
    %swap3A_695 = arith.constant 26 : index
    %swap3A_696 = vector.load %arg4[%swap3A_694, %swap3A_695] : memref<256x32xf32, #tpu.memory_space<vmem>>, vector<256x1xf32>
    tpu.vector_store %arg4[%swap3A_694, %swap3A_695], %broadcast_in_dim3A_674 {strides = array<i32>} : memref<256x32xf32, #tpu.memory_space<vmem>>, vector<256x1xf32>,
    %reduce_min3A_697 = arith.constant dense<0x7F800000> : vector<256xf32>
    %reduce_min3A_698 = vector.multi_reduction <minimumf>, %select_n3A_687, %reduce_min3A_697 [1] : vector<256x4096xf32> to vector<256xf32>
    %broadcast_in_dim3A_699 = vector.shape_cast %reduce_min3A_698 : vector<256xf32> to vector<256x1xf32>
    %eq3A_700 = vector.broadcast %broadcast_in_dim3A_699 : vector<256x1xf32> to vector<256x4096xf32>
    %eq3A_701 = arith.cmpf oeq, %select_n3A_687, %eq3A_700 : vector<256x4096xf32>
    %jit3A_702 = arith.constant 4096 : i32
    %broadcast_in_dim3A_703 = vector.broadcast %jit3A_702 : i32 to vector<256x4096xi32>
    %select_n3A_704 = arith.select %eq3A_701, %iota3A, %broadcast_in_dim3A_703 : vector<256x4096xi1>, vector<256x4096xi32>
    %reduce_min3A_705 = arith.constant dense<2147483647> : vector<256xi32>
    %reduce_min3A_706 = vector.multi_reduction <minsi>, %select_n3A_704, %reduce_min3A_705 [1] : vector<256x4096xi32> to vector<256xi32>
    %broadcast_in_dim3A_707 = vector.shape_cast %reduce_min3A_706 : vector<256xi32> to vector<256x1xi32>
    %eq3A_708 = vector.broadcast %broadcast_in_dim3A_707 : vector<256x1xi32> to vector<256x4096xi32>
    %eq3A_709 = arith.cmpi eq, %iota3A, %eq3A_708 : vector<256x4096xi32>
    %jit3A_710 = arith.constant 1.000000e+30 : f32
    %broadcast_in_dim3A_711 = vector.broadcast %jit3A_710 : f32 to vector<256x4096xf32>
    %select_n3A_712 = arith.select %eq3A_709, %broadcast_in_dim3A_711, %select_n3A_687 : vector<256x4096xi1>, vector<256x4096xf32>
    %min3A_713 = arith.constant 4095 : i32
    %min3A_714 = vector.broadcast %min3A_713 : i32 to vector<256x1xi32>
    %min3A_715 = arith.minsi %broadcast_in_dim3A_707, %min3A_714 : vector<256x1xi32>
    %swap3A_716 = arith.constant 0 : index
    %swap3A_717 = arith.constant 27 : index
    %swap3A_718 = vector.load %arg3[%swap3A_716, %swap3A_717] : memref<256x32xi32, #tpu.memory_space<vmem>>, vector<256x1xi32>
    tpu.vector_store %arg3[%swap3A_716, %swap3A_717], %min3A_715 {strides = array<i32>} : memref<256x32xi32, #tpu.memory_space<vmem>>, vector<256x1xi32>,
    %swap3A_719 = arith.constant 0 : index
    %swap3A_720 = arith.constant 27 : index
    %swap3A_721 = vector.load %arg4[%swap3A_719, %swap3A_720] : memref<256x32xf32, #tpu.memory_space<vmem>>, vector<256x1xf32>
    tpu.vector_store %arg4[%swap3A_719, %swap3A_720], %broadcast_in_dim3A_699 {strides = array<i32>} : memref<256x32xf32, #tpu.memory_space<vmem>>, vector<256x1xf32>,
    %reduce_min3A_722 = arith.constant dense<0x7F800000> : vector<256xf32>
    %reduce_min3A_723 = vector.multi_reduction <minimumf>, %select_n3A_712, %reduce_min3A_722 [1] : vector<256x4096xf32> to vector<256xf32>
    %broadcast_in_dim3A_724 = vector.shape_cast %reduce_min3A_723 : vector<256xf32> to vector<256x1xf32>
    %eq3A_725 = vector.broadcast %broadcast_in_dim3A_724 : vector<256x1xf32> to vector<256x4096xf32>
    %eq3A_726 = arith.cmpf oeq, %select_n3A_712, %eq3A_725 : vector<256x4096xf32>
    %jit3A_727 = arith.constant 4096 : i32
    %broadcast_in_dim3A_728 = vector.broadcast %jit3A_727 : i32 to vector<256x4096xi32>
    %select_n3A_729 = arith.select %eq3A_726, %iota3A, %broadcast_in_dim3A_728 : vector<256x4096xi1>, vector<256x4096xi32>
    %reduce_min3A_730 = arith.constant dense<2147483647> : vector<256xi32>
    %reduce_min3A_731 = vector.multi_reduction <minsi>, %select_n3A_729, %reduce_min3A_730 [1] : vector<256x4096xi32> to vector<256xi32>
    %broadcast_in_dim3A_732 = vector.shape_cast %reduce_min3A_731 : vector<256xi32> to vector<256x1xi32>
    %eq3A_733 = vector.broadcast %broadcast_in_dim3A_732 : vector<256x1xi32> to vector<256x4096xi32>
    %eq3A_734 = arith.cmpi eq, %iota3A, %eq3A_733 : vector<256x4096xi32>
    %jit3A_735 = arith.constant 1.000000e+30 : f32
    %broadcast_in_dim3A_736 = vector.broadcast %jit3A_735 : f32 to vector<256x4096xf32>
    %select_n3A_737 = arith.select %eq3A_734, %broadcast_in_dim3A_736, %select_n3A_712 : vector<256x4096xi1>, vector<256x4096xf32>
    %min3A_738 = arith.constant 4095 : i32
    %min3A_739 = vector.broadcast %min3A_738 : i32 to vector<256x1xi32>
    %min3A_740 = arith.minsi %broadcast_in_dim3A_732, %min3A_739 : vector<256x1xi32>
    %swap3A_741 = arith.constant 0 : index
    %swap3A_742 = arith.constant 28 : index
    %swap3A_743 = vector.load %arg3[%swap3A_741, %swap3A_742] : memref<256x32xi32, #tpu.memory_space<vmem>>, vector<256x1xi32>
    tpu.vector_store %arg3[%swap3A_741, %swap3A_742], %min3A_740 {strides = array<i32>} : memref<256x32xi32, #tpu.memory_space<vmem>>, vector<256x1xi32>,
    %swap3A_744 = arith.constant 0 : index
    %swap3A_745 = arith.constant 28 : index
    %swap3A_746 = vector.load %arg4[%swap3A_744, %swap3A_745] : memref<256x32xf32, #tpu.memory_space<vmem>>, vector<256x1xf32>
    tpu.vector_store %arg4[%swap3A_744, %swap3A_745], %broadcast_in_dim3A_724 {strides = array<i32>} : memref<256x32xf32, #tpu.memory_space<vmem>>, vector<256x1xf32>,
    %reduce_min3A_747 = arith.constant dense<0x7F800000> : vector<256xf32>
    %reduce_min3A_748 = vector.multi_reduction <minimumf>, %select_n3A_737, %reduce_min3A_747 [1] : vector<256x4096xf32> to vector<256xf32>
    %broadcast_in_dim3A_749 = vector.shape_cast %reduce_min3A_748 : vector<256xf32> to vector<256x1xf32>
    %eq3A_750 = vector.broadcast %broadcast_in_dim3A_749 : vector<256x1xf32> to vector<256x4096xf32>
    %eq3A_751 = arith.cmpf oeq, %select_n3A_737, %eq3A_750 : vector<256x4096xf32>
    %jit3A_752 = arith.constant 4096 : i32
    %broadcast_in_dim3A_753 = vector.broadcast %jit3A_752 : i32 to vector<256x4096xi32>
    %select_n3A_754 = arith.select %eq3A_751, %iota3A, %broadcast_in_dim3A_753 : vector<256x4096xi1>, vector<256x4096xi32>
    %reduce_min3A_755 = arith.constant dense<2147483647> : vector<256xi32>
    %reduce_min3A_756 = vector.multi_reduction <minsi>, %select_n3A_754, %reduce_min3A_755 [1] : vector<256x4096xi32> to vector<256xi32>
    %broadcast_in_dim3A_757 = vector.shape_cast %reduce_min3A_756 : vector<256xi32> to vector<256x1xi32>
    %eq3A_758 = vector.broadcast %broadcast_in_dim3A_757 : vector<256x1xi32> to vector<256x4096xi32>
    %eq3A_759 = arith.cmpi eq, %iota3A, %eq3A_758 : vector<256x4096xi32>
    %jit3A_760 = arith.constant 1.000000e+30 : f32
    %broadcast_in_dim3A_761 = vector.broadcast %jit3A_760 : f32 to vector<256x4096xf32>
    %select_n3A_762 = arith.select %eq3A_759, %broadcast_in_dim3A_761, %select_n3A_737 : vector<256x4096xi1>, vector<256x4096xf32>
    %min3A_763 = arith.constant 4095 : i32
    %min3A_764 = vector.broadcast %min3A_763 : i32 to vector<256x1xi32>
    %min3A_765 = arith.minsi %broadcast_in_dim3A_757, %min3A_764 : vector<256x1xi32>
    %swap3A_766 = arith.constant 0 : index
    %swap3A_767 = arith.constant 29 : index
    %swap3A_768 = vector.load %arg3[%swap3A_766, %swap3A_767] : memref<256x32xi32, #tpu.memory_space<vmem>>, vector<256x1xi32>
    tpu.vector_store %arg3[%swap3A_766, %swap3A_767], %min3A_765 {strides = array<i32>} : memref<256x32xi32, #tpu.memory_space<vmem>>, vector<256x1xi32>,
    %swap3A_769 = arith.constant 0 : index
    %swap3A_770 = arith.constant 29 : index
    %swap3A_771 = vector.load %arg4[%swap3A_769, %swap3A_770] : memref<256x32xf32, #tpu.memory_space<vmem>>, vector<256x1xf32>
    tpu.vector_store %arg4[%swap3A_769, %swap3A_770], %broadcast_in_dim3A_749 {strides = array<i32>} : memref<256x32xf32, #tpu.memory_space<vmem>>, vector<256x1xf32>,
    %reduce_min3A_772 = arith.constant dense<0x7F800000> : vector<256xf32>
    %reduce_min3A_773 = vector.multi_reduction <minimumf>, %select_n3A_762, %reduce_min3A_772 [1] : vector<256x4096xf32> to vector<256xf32>
    %broadcast_in_dim3A_774 = vector.shape_cast %reduce_min3A_773 : vector<256xf32> to vector<256x1xf32>
    %eq3A_775 = vector.broadcast %broadcast_in_dim3A_774 : vector<256x1xf32> to vector<256x4096xf32>
    %eq3A_776 = arith.cmpf oeq, %select_n3A_762, %eq3A_775 : vector<256x4096xf32>
    %jit3A_777 = arith.constant 4096 : i32
    %broadcast_in_dim3A_778 = vector.broadcast %jit3A_777 : i32 to vector<256x4096xi32>
    %select_n3A_779 = arith.select %eq3A_776, %iota3A, %broadcast_in_dim3A_778 : vector<256x4096xi1>, vector<256x4096xi32>
    %reduce_min3A_780 = arith.constant dense<2147483647> : vector<256xi32>
    %reduce_min3A_781 = vector.multi_reduction <minsi>, %select_n3A_779, %reduce_min3A_780 [1] : vector<256x4096xi32> to vector<256xi32>
    %broadcast_in_dim3A_782 = vector.shape_cast %reduce_min3A_781 : vector<256xi32> to vector<256x1xi32>
    %eq3A_783 = vector.broadcast %broadcast_in_dim3A_782 : vector<256x1xi32> to vector<256x4096xi32>
    %eq3A_784 = arith.cmpi eq, %iota3A, %eq3A_783 : vector<256x4096xi32>
    %jit3A_785 = arith.constant 1.000000e+30 : f32
    %broadcast_in_dim3A_786 = vector.broadcast %jit3A_785 : f32 to vector<256x4096xf32>
    %select_n3A_787 = arith.select %eq3A_784, %broadcast_in_dim3A_786, %select_n3A_762 : vector<256x4096xi1>, vector<256x4096xf32>
    %min3A_788 = arith.constant 4095 : i32
    %min3A_789 = vector.broadcast %min3A_788 : i32 to vector<256x1xi32>
    %min3A_790 = arith.minsi %broadcast_in_dim3A_782, %min3A_789 : vector<256x1xi32>
    %swap3A_791 = arith.constant 0 : index
    %swap3A_792 = arith.constant 30 : index
    %swap3A_793 = vector.load %arg3[%swap3A_791, %swap3A_792] : memref<256x32xi32, #tpu.memory_space<vmem>>, vector<256x1xi32>
    tpu.vector_store %arg3[%swap3A_791, %swap3A_792], %min3A_790 {strides = array<i32>} : memref<256x32xi32, #tpu.memory_space<vmem>>, vector<256x1xi32>,
    %swap3A_794 = arith.constant 0 : index
    %swap3A_795 = arith.constant 30 : index
    %swap3A_796 = vector.load %arg4[%swap3A_794, %swap3A_795] : memref<256x32xf32, #tpu.memory_space<vmem>>, vector<256x1xf32>
    tpu.vector_store %arg4[%swap3A_794, %swap3A_795], %broadcast_in_dim3A_774 {strides = array<i32>} : memref<256x32xf32, #tpu.memory_space<vmem>>, vector<256x1xf32>,
    %reduce_min3A_797 = arith.constant dense<0x7F800000> : vector<256xf32>
    %reduce_min3A_798 = vector.multi_reduction <minimumf>, %select_n3A_787, %reduce_min3A_797 [1] : vector<256x4096xf32> to vector<256xf32>
    %broadcast_in_dim3A_799 = vector.shape_cast %reduce_min3A_798 : vector<256xf32> to vector<256x1xf32>
    %eq3A_800 = vector.broadcast %broadcast_in_dim3A_799 : vector<256x1xf32> to vector<256x4096xf32>
    %eq3A_801 = arith.cmpf oeq, %select_n3A_787, %eq3A_800 : vector<256x4096xf32>
    %jit3A_802 = arith.constant 4096 : i32
    %broadcast_in_dim3A_803 = vector.broadcast %jit3A_802 : i32 to vector<256x4096xi32>
    %select_n3A_804 = arith.select %eq3A_801, %iota3A, %broadcast_in_dim3A_803 : vector<256x4096xi1>, vector<256x4096xi32>
    %reduce_min3A_805 = arith.constant dense<2147483647> : vector<256xi32>
    %reduce_min3A_806 = vector.multi_reduction <minsi>, %select_n3A_804, %reduce_min3A_805 [1] : vector<256x4096xi32> to vector<256xi32>
    %broadcast_in_dim3A_807 = vector.shape_cast %reduce_min3A_806 : vector<256xi32> to vector<256x1xi32>
    %min3A_808 = arith.constant 4095 : i32
    %min3A_809 = vector.broadcast %min3A_808 : i32 to vector<256x1xi32>
    %min3A_810 = arith.minsi %broadcast_in_dim3A_807, %min3A_809 : vector<256x1xi32>
    %swap3A_811 = arith.constant 0 : index
    %swap3A_812 = arith.constant 31 : index
    %swap3A_813 = vector.load %arg3[%swap3A_811, %swap3A_812] : memref<256x32xi32, #tpu.memory_space<vmem>>, vector<256x1xi32>
    tpu.vector_store %arg3[%swap3A_811, %swap3A_812], %min3A_810 {strides = array<i32>} : memref<256x32xi32, #tpu.memory_space<vmem>>, vector<256x1xi32>,
    %swap3A_814 = arith.constant 0 : index
    %swap3A_815 = arith.constant 31 : index
    %swap3A_816 = vector.load %arg4[%swap3A_814, %swap3A_815] : memref<256x32xf32, #tpu.memory_space<vmem>>, vector<256x1xf32>
    tpu.vector_store %arg4[%swap3A_814, %swap3A_815], %broadcast_in_dim3A_799 {strides = array<i32>} : memref<256x32xf32, #tpu.memory_space<vmem>>, vector<256x1xf32>,
    return
  }
  func.func @transform_0(%arg0: i32) -> (i32, i32) {
    %c0_i32 = arith.constant 0 : i32
    %c0_i32_0 = arith.constant 0 : i32
    return %arg0, %c0_i32 : i32, i32
  }
  func.func @transform_1(%arg0: i32) -> (i32, i32) {
    %c0_i32 = arith.constant 0 : i32
    %c0_i32_0 = arith.constant 0 : i32
    %c0_i32_1 = arith.constant 0 : i32
    return %c0_i32, %c0_i32_0 : i32, i32
  }
  func.func @transform_2(%arg0: i32) -> (i32, i32) {
    %c0_i32 = arith.constant 0 : i32
    %c0_i32_0 = arith.constant 0 : i32
    return %arg0, %c0_i32 : i32, i32
  }
  func.func @transform_3(%arg0: i32) -> (i32, i32) {
    %c0_i32 = arith.constant 0 : i32
    %c0_i32_0 = arith.constant 0 : i32
    return %arg0, %c0_i32 : i32, i32
  }
}

module attributes {stable_mosaic.version = 14 : i64} {
  func.func @_asm_body(%arg0: memref<4096x256xf32, #tpu.memory_space<vmem>>, %arg1: memref<4096x128xf32, #tpu.memory_space<vmem>>, %arg2: memref<4096x3xf32, #tpu.memory_space<vmem>>, %arg3: memref<1x3xf32, #tpu.memory_space<vmem>>, %arg4: memref<1x96xf32, #tpu.memory_space<vmem>>, %arg5: memref<1x96xf32, #tpu.memory_space<vmem>>, %arg6: memref<96x64xf32, #tpu.memory_space<vmem>>, %arg7: memref<4096x448xf32, #tpu.memory_space<vmem>>) attributes {dimension_semantics = [], scalar_prefetch = 0 : i64, scratch_operands = 0 : i64, tpu.core_type = #tpu.core_type<tc>} {
    %get3A = arith.constant 0 : index
    %get3A_0 = arith.constant 0 : index
    %get3A_1 = vector.load %arg2[%get3A, %get3A_0] : memref<4096x3xf32, #tpu.memory_space<vmem>>, vector<4096x3xf32>
    %get3A_2 = arith.constant 0 : index
    %get3A_3 = arith.constant 0 : index
    %get3A_4 = vector.load %arg3[%get3A_2, %get3A_3] : memref<1x3xf32, #tpu.memory_space<vmem>>, vector<1x3xf32>
    %div3A = vector.broadcast %get3A_4 : vector<1x3xf32> to vector<4096x3xf32>
    %div3A_5 = arith.divf %get3A_1, %div3A : vector<4096x3xf32>
    %mul3A = arith.constant 3.100000e+01 : f32
    %mul3A_6 = vector.broadcast %mul3A : f32 to vector<4096x3xf32>
    %mul3A_7 = arith.mulf %mul3A_6, %div3A_5 : vector<4096x3xf32>
    %floor3A = math.floor %mul3A_7 : vector<4096x3xf32>
    %div3A_8 = arith.constant 3.100000e+01 : f32
    %div3A_9 = vector.broadcast %div3A_8 : f32 to vector<1x3xf32>
    %div3A_10 = arith.divf %get3A_4, %div3A_9 : vector<1x3xf32>
    %div3A_11 = vector.broadcast %div3A_10 : vector<1x3xf32> to vector<4096x3xf32>
    %div3A_12 = arith.divf %get3A_1, %div3A_11 : vector<4096x3xf32>
    %sub3A = arith.subf %floor3A, %div3A_12 : vector<4096x3xf32>
    %slice3A = vector.extract_strided_slice %sub3A {offsets = [0, 0], sizes = [4096, 1], strides = [1, 1]} : vector<4096x3xf32> to vector<4096x1xf32>
    %slice3A_13 = vector.extract_strided_slice %sub3A {offsets = [0, 1], sizes = [4096, 1], strides = [1, 1]} : vector<4096x3xf32> to vector<4096x1xf32>
    %slice3A_14 = vector.extract_strided_slice %sub3A {offsets = [0, 2], sizes = [4096, 1], strides = [1, 1]} : vector<4096x3xf32> to vector<4096x1xf32>
    %concatenate3A = tpu.concatenate %slice3A, %slice3A, %slice3A, %slice3A, %slice3A_13, %slice3A_13, %slice3A_13, %slice3A_13, %slice3A_14, %slice3A_14, %slice3A_14, %slice3A_14 in 1 : vector<4096x1xf32>, vector<4096x1xf32>, vector<4096x1xf32>, vector<4096x1xf32>, vector<4096x1xf32>, vector<4096x1xf32>, vector<4096x1xf32>, vector<4096x1xf32>, vector<4096x1xf32>, vector<4096x1xf32>, vector<4096x1xf32>, vector<4096x1xf32> -> vector<4096x12xf32>
    %concatenate3A_15 = tpu.concatenate %concatenate3A, %concatenate3A, %concatenate3A, %concatenate3A, %concatenate3A, %concatenate3A, %concatenate3A, %concatenate3A in 1 : vector<4096x12xf32>, vector<4096x12xf32>, vector<4096x12xf32>, vector<4096x12xf32>, vector<4096x12xf32>, vector<4096x12xf32>, vector<4096x12xf32>, vector<4096x12xf32> -> vector<4096x96xf32>
    %get3A_16 = arith.constant 0 : index
    %get3A_17 = arith.constant 0 : index
    %get3A_18 = vector.load %arg4[%get3A_16, %get3A_17] : memref<1x96xf32, #tpu.memory_space<vmem>>, vector<1x96xf32>
    %add3A = vector.broadcast %get3A_18 : vector<1x96xf32> to vector<4096x96xf32>
    %add3A_19 = arith.addf %concatenate3A_15, %add3A : vector<4096x96xf32>
    %add3A_20 = arith.constant 1.000000e+00 : f32
    %add3A_21 = vector.broadcast %add3A_20 : f32 to vector<4096x96xf32>
    %add3A_22 = arith.addf %add3A_19, %add3A_21 : vector<4096x96xf32>
    %mul3A_23 = arith.constant 5.000000e-01 : f32
    %mul3A_24 = vector.broadcast %mul3A_23 : f32 to vector<4096x96xf32>
    %mul3A_25 = arith.mulf %add3A_22, %mul3A_24 : vector<4096x96xf32>
    %get3A_26 = arith.constant 0 : index
    %get3A_27 = arith.constant 0 : index
    %get3A_28 = vector.load %arg5[%get3A_26, %get3A_27] : memref<1x96xf32, #tpu.memory_space<vmem>>, vector<1x96xf32>
    %mul3A_29 = vector.broadcast %get3A_28 : vector<1x96xf32> to vector<4096x96xf32>
    %mul3A_30 = arith.mulf %mul3A_25, %mul3A_29 : vector<4096x96xf32>
    %cos3A = math.cos %mul3A_30 : vector<4096x96xf32>
    %convert_element_type3A = arith.truncf %cos3A : vector<4096x96xf32> to vector<4096x96xbf16>
    %get3A_31 = arith.constant 0 : index
    %get3A_32 = arith.constant 0 : index
    %get3A_33 = vector.load %arg6[%get3A_31, %get3A_32] : memref<96x64xf32, #tpu.memory_space<vmem>>, vector<96x64xf32>
    %convert_element_type3A_34 = arith.truncf %get3A_33 : vector<96x64xf32> to vector<96x64xbf16>
    %dot_general3A = arith.constant dense<0.000000e+00> : vector<4096x64xf32>
    %dot_general3A_35 = tpu.matmul %convert_element_type3A, %convert_element_type3A_34, %dot_general3A {dimension_numbers = #tpu.dot_dimension_numbers<[1], [0], [0], [1], [0, 0, 1, 1], [], []>, transpose_lhs_hint = false} : vector<4096x96xbf16>, vector<96x64xbf16>, vector<4096x64xf32> -> vector<4096x64xf32>
    %get3A_36 = arith.constant 0 : index
    %get3A_37 = arith.constant 0 : index
    %get3A_38 = vector.load %arg1[%get3A_36, %get3A_37] : memref<4096x128xf32, #tpu.memory_space<vmem>>, vector<4096x128xf32>
    %slice3A_39 = vector.extract_strided_slice %get3A_38 {offsets = [0, 0], sizes = [4096, 64], strides = [1, 1]} : vector<4096x128xf32> to vector<4096x64xf32>
    %add3A_40 = arith.addf %slice3A_39, %dot_general3A_35 : vector<4096x64xf32>
    %slice3A_41 = vector.extract_strided_slice %get3A_38 {offsets = [0, 64], sizes = [4096, 64], strides = [1, 1]} : vector<4096x128xf32> to vector<4096x64xf32>
    %add3A_42 = arith.addf %slice3A_41, %dot_general3A_35 : vector<4096x64xf32>
    %get3A_43 = arith.constant 0 : index
    %get3A_44 = arith.constant 0 : index
    %get3A_45 = vector.load %arg0[%get3A_43, %get3A_44] : memref<4096x256xf32, #tpu.memory_space<vmem>>, vector<4096x256xf32>
    %sub3A_46 = arith.subf %add3A_42, %add3A_40 : vector<4096x64xf32>
    %concatenate3A_47 = tpu.concatenate %get3A_45, %add3A_40, %add3A_42, %sub3A_46 in 1 : vector<4096x256xf32>, vector<4096x64xf32>, vector<4096x64xf32>, vector<4096x64xf32> -> vector<4096x448xf32>
    %swap3A = arith.constant 0 : index
    %swap3A_48 = arith.constant 0 : index
    %swap3A_49 = vector.load %arg7[%swap3A, %swap3A_48] : memref<4096x448xf32, #tpu.memory_space<vmem>>, vector<4096x448xf32>
    tpu.vector_store %arg7[%swap3A, %swap3A_48], %concatenate3A_47 {strides = array<i32>} : memref<4096x448xf32, #tpu.memory_space<vmem>>, vector<4096x448xf32>,
    return
  }
}

module attributes {stable_mosaic.version = 14 : i64} {
  func.func @_attn_body(%arg0: i32, %arg1: memref<128x512xf32, #tpu.memory_space<vmem>>, %arg2: memref<32x128x512xf32, #tpu.memory_space<vmem>>, %arg3: memref<128x32xf32, #tpu.memory_space<vmem>>, %arg4: memref<128x512xf32, #tpu.memory_space<vmem>>) attributes {dimension_semantics = [#tpu.dimension_semantics<arbitrary>], iteration_bounds = array<i64: 32>, scalar_prefetch = 0 : i64, scratch_operands = 0 : i64, tpu.core_type = #tpu.core_type<tc>, window_params = [{transform_indices = @transform_0, window_bounds = array<i64: 128, 512>}, {transform_indices = @transform_1, window_bounds = array<i64: 32, 128, 512>}, {transform_indices = @transform_2, window_bounds = array<i64: 128, 32>}, {transform_indices = @transform_3, window_bounds = array<i64: 128, 512>}]} {
    %get3A = arith.constant 0 : index
    %get3A_0 = arith.constant 0 : index
    %get3A_1 = vector.load %arg3[%get3A, %get3A_0] : memref<128x32xf32, #tpu.memory_space<vmem>>, vector<128x32xf32>
    %add3A = arith.constant 1.000000e-16 : f32
    %add3A_2 = vector.broadcast %add3A : f32 to vector<128x32xf32>
    %add3A_3 = arith.addf %get3A_1, %add3A_2 : vector<128x32xf32>
    %sqrt3A = math.sqrt %add3A_3 : vector<128x32xf32>
    %lt3A = arith.constant 1.000000e+29 : f32
    %lt3A_4 = vector.broadcast %lt3A : f32 to vector<128x32xf32>
    %lt3A_5 = arith.cmpf olt, %get3A_1, %lt3A_4 : vector<128x32xf32>
    %lt3A_6 = arith.constant 1.000000e-01 : f32
    %lt3A_7 = vector.broadcast %lt3A_6 : f32 to vector<128x32xf32>
    %lt3A_8 = arith.cmpf olt, %sqrt3A, %lt3A_7 : vector<128x32xf32>
    %convert_element_type3A = arith.extui %lt3A_8 : vector<128x32xi1> to vector<128x32xi32>
    %convert_element_type3A_9 = arith.sitofp %convert_element_type3A : vector<128x32xi32> to vector<128x32xf32>
    %lt3A_10 = arith.constant 9.99999997E-7 : f32
    %lt3A_11 = vector.broadcast %lt3A_10 : f32 to vector<128x32xf32>
    %lt3A_12 = arith.cmpf olt, %sqrt3A, %lt3A_11 : vector<128x32xf32>
    %convert_element_type3A_13 = arith.extui %lt3A_12 : vector<128x32xi1> to vector<128x32xi32>
    %convert_element_type3A_14 = arith.sitofp %convert_element_type3A_13 : vector<128x32xi32> to vector<128x32xf32>
    %mul3A = arith.constant 1.000000e+09 : f32
    %mul3A_15 = vector.broadcast %mul3A : f32 to vector<128x32xf32>
    %mul3A_16 = arith.mulf %convert_element_type3A_14, %mul3A_15 : vector<128x32xf32>
    %add3A_17 = arith.addf %sqrt3A, %mul3A_16 : vector<128x32xf32>
    %mul3A_18 = arith.mulf %add3A_17, %add3A_17 : vector<128x32xf32>
    %div3A = arith.constant 1.000000e+00 : f32
    %div3A_19 = vector.broadcast %div3A : f32 to vector<128x32xf32>
    %div3A_20 = arith.divf %div3A_19, %mul3A_18 : vector<128x32xf32>
    %get3A_21 = arith.constant 0 : index
    %get3A_22 = arith.constant 0 : index
    %get3A_23 = vector.load %arg1[%get3A_21, %get3A_22] : memref<128x512xf32, #tpu.memory_space<vmem>>, vector<128x512xf32>
    %convert_element_type3A_24 = arith.truncf %get3A_23 : vector<128x512xf32> to vector<128x512xbf16>
    %convert_element_type3A_25 = arith.extf %convert_element_type3A_24 : vector<128x512xbf16> to vector<128x512xf32>
    %get3A_26 = arith.constant 0 : index
    %get3A_27 = arith.constant 0 : index
    %get3A_28 = arith.constant 0 : index
    %get3A_29 = vector.load %arg2[%get3A_26, %get3A_27, %get3A_28] : memref<32x128x512xf32, #tpu.memory_space<vmem>>, vector<1x128x512xf32>
    %get3A_30 = vector.shape_cast %get3A_29 : vector<1x128x512xf32> to vector<128x512xf32>
    %slice3A = vector.extract_strided_slice %div3A_20 {offsets = [0, 0], sizes = [128, 1], strides = [1, 1]} : vector<128x32xf32> to vector<128x1xf32>
    %mul3A_31 = vector.broadcast %slice3A : vector<128x1xf32> to vector<128x512xf32>
    %mul3A_32 = arith.mulf %get3A_30, %mul3A_31 : vector<128x512xf32>
    %convert_element_type3A_33 = arith.truncf %mul3A_32 : vector<128x512xf32> to vector<128x512xbf16>
    %convert_element_type3A_34 = arith.extf %convert_element_type3A_33 : vector<128x512xbf16> to vector<128x512xf32>
    %mul3A_35 = arith.mulf %convert_element_type3A_25, %convert_element_type3A_34 : vector<128x512xf32>
    %reduce_sum3A = arith.constant dense<0.000000e+00> : vector<128xf32>
    %reduce_sum3A_36 = vector.multi_reduction <add>, %mul3A_35, %reduce_sum3A [1] : vector<128x512xf32> to vector<128xf32>
    %broadcast_in_dim3A = vector.shape_cast %reduce_sum3A_36 : vector<128xf32> to vector<128x1xf32>
    %get3A_37 = arith.constant 1 : index
    %get3A_38 = arith.constant 0 : index
    %get3A_39 = arith.constant 0 : index
    %get3A_40 = vector.load %arg2[%get3A_37, %get3A_38, %get3A_39] : memref<32x128x512xf32, #tpu.memory_space<vmem>>, vector<1x128x512xf32>
    %get3A_41 = vector.shape_cast %get3A_40 : vector<1x128x512xf32> to vector<128x512xf32>
    %slice3A_42 = vector.extract_strided_slice %div3A_20 {offsets = [0, 1], sizes = [128, 1], strides = [1, 1]} : vector<128x32xf32> to vector<128x1xf32>
    %mul3A_43 = vector.broadcast %slice3A_42 : vector<128x1xf32> to vector<128x512xf32>
    %mul3A_44 = arith.mulf %get3A_41, %mul3A_43 : vector<128x512xf32>
    %convert_element_type3A_45 = arith.truncf %mul3A_44 : vector<128x512xf32> to vector<128x512xbf16>
    %convert_element_type3A_46 = arith.extf %convert_element_type3A_45 : vector<128x512xbf16> to vector<128x512xf32>
    %mul3A_47 = arith.mulf %convert_element_type3A_25, %convert_element_type3A_46 : vector<128x512xf32>
    %reduce_sum3A_48 = arith.constant dense<0.000000e+00> : vector<128xf32>
    %reduce_sum3A_49 = vector.multi_reduction <add>, %mul3A_47, %reduce_sum3A_48 [1] : vector<128x512xf32> to vector<128xf32>
    %broadcast_in_dim3A_50 = vector.shape_cast %reduce_sum3A_49 : vector<128xf32> to vector<128x1xf32>
    %get3A_51 = arith.constant 2 : index
    %get3A_52 = arith.constant 0 : index
    %get3A_53 = arith.constant 0 : index
    %get3A_54 = vector.load %arg2[%get3A_51, %get3A_52, %get3A_53] : memref<32x128x512xf32, #tpu.memory_space<vmem>>, vector<1x128x512xf32>
    %get3A_55 = vector.shape_cast %get3A_54 : vector<1x128x512xf32> to vector<128x512xf32>
    %slice3A_56 = vector.extract_strided_slice %div3A_20 {offsets = [0, 2], sizes = [128, 1], strides = [1, 1]} : vector<128x32xf32> to vector<128x1xf32>
    %mul3A_57 = vector.broadcast %slice3A_56 : vector<128x1xf32> to vector<128x512xf32>
    %mul3A_58 = arith.mulf %get3A_55, %mul3A_57 : vector<128x512xf32>
    %convert_element_type3A_59 = arith.truncf %mul3A_58 : vector<128x512xf32> to vector<128x512xbf16>
    %convert_element_type3A_60 = arith.extf %convert_element_type3A_59 : vector<128x512xbf16> to vector<128x512xf32>
    %mul3A_61 = arith.mulf %convert_element_type3A_25, %convert_element_type3A_60 : vector<128x512xf32>
    %reduce_sum3A_62 = arith.constant dense<0.000000e+00> : vector<128xf32>
    %reduce_sum3A_63 = vector.multi_reduction <add>, %mul3A_61, %reduce_sum3A_62 [1] : vector<128x512xf32> to vector<128xf32>
    %broadcast_in_dim3A_64 = vector.shape_cast %reduce_sum3A_63 : vector<128xf32> to vector<128x1xf32>
    %get3A_65 = arith.constant 3 : index
    %get3A_66 = arith.constant 0 : index
    %get3A_67 = arith.constant 0 : index
    %get3A_68 = vector.load %arg2[%get3A_65, %get3A_66, %get3A_67] : memref<32x128x512xf32, #tpu.memory_space<vmem>>, vector<1x128x512xf32>
    %get3A_69 = vector.shape_cast %get3A_68 : vector<1x128x512xf32> to vector<128x512xf32>
    %slice3A_70 = vector.extract_strided_slice %div3A_20 {offsets = [0, 3], sizes = [128, 1], strides = [1, 1]} : vector<128x32xf32> to vector<128x1xf32>
    %mul3A_71 = vector.broadcast %slice3A_70 : vector<128x1xf32> to vector<128x512xf32>
    %mul3A_72 = arith.mulf %get3A_69, %mul3A_71 : vector<128x512xf32>
    %convert_element_type3A_73 = arith.truncf %mul3A_72 : vector<128x512xf32> to vector<128x512xbf16>
    %convert_element_type3A_74 = arith.extf %convert_element_type3A_73 : vector<128x512xbf16> to vector<128x512xf32>
    %mul3A_75 = arith.mulf %convert_element_type3A_25, %convert_element_type3A_74 : vector<128x512xf32>
    %reduce_sum3A_76 = arith.constant dense<0.000000e+00> : vector<128xf32>
    %reduce_sum3A_77 = vector.multi_reduction <add>, %mul3A_75, %reduce_sum3A_76 [1] : vector<128x512xf32> to vector<128xf32>
    %broadcast_in_dim3A_78 = vector.shape_cast %reduce_sum3A_77 : vector<128xf32> to vector<128x1xf32>
    %get3A_79 = arith.constant 4 : index
    %get3A_80 = arith.constant 0 : index
    %get3A_81 = arith.constant 0 : index
    %get3A_82 = vector.load %arg2[%get3A_79, %get3A_80, %get3A_81] : memref<32x128x512xf32, #tpu.memory_space<vmem>>, vector<1x128x512xf32>
    %get3A_83 = vector.shape_cast %get3A_82 : vector<1x128x512xf32> to vector<128x512xf32>
    %slice3A_84 = vector.extract_strided_slice %div3A_20 {offsets = [0, 4], sizes = [128, 1], strides = [1, 1]} : vector<128x32xf32> to vector<128x1xf32>
    %mul3A_85 = vector.broadcast %slice3A_84 : vector<128x1xf32> to vector<128x512xf32>
    %mul3A_86 = arith.mulf %get3A_83, %mul3A_85 : vector<128x512xf32>
    %convert_element_type3A_87 = arith.truncf %mul3A_86 : vector<128x512xf32> to vector<128x512xbf16>
    %convert_element_type3A_88 = arith.extf %convert_element_type3A_87 : vector<128x512xbf16> to vector<128x512xf32>
    %mul3A_89 = arith.mulf %convert_element_type3A_25, %convert_element_type3A_88 : vector<128x512xf32>
    %reduce_sum3A_90 = arith.constant dense<0.000000e+00> : vector<128xf32>
    %reduce_sum3A_91 = vector.multi_reduction <add>, %mul3A_89, %reduce_sum3A_90 [1] : vector<128x512xf32> to vector<128xf32>
    %broadcast_in_dim3A_92 = vector.shape_cast %reduce_sum3A_91 : vector<128xf32> to vector<128x1xf32>
    %get3A_93 = arith.constant 5 : index
    %get3A_94 = arith.constant 0 : index
    %get3A_95 = arith.constant 0 : index
    %get3A_96 = vector.load %arg2[%get3A_93, %get3A_94, %get3A_95] : memref<32x128x512xf32, #tpu.memory_space<vmem>>, vector<1x128x512xf32>
    %get3A_97 = vector.shape_cast %get3A_96 : vector<1x128x512xf32> to vector<128x512xf32>
    %slice3A_98 = vector.extract_strided_slice %div3A_20 {offsets = [0, 5], sizes = [128, 1], strides = [1, 1]} : vector<128x32xf32> to vector<128x1xf32>
    %mul3A_99 = vector.broadcast %slice3A_98 : vector<128x1xf32> to vector<128x512xf32>
    %mul3A_100 = arith.mulf %get3A_97, %mul3A_99 : vector<128x512xf32>
    %convert_element_type3A_101 = arith.truncf %mul3A_100 : vector<128x512xf32> to vector<128x512xbf16>
    %convert_element_type3A_102 = arith.extf %convert_element_type3A_101 : vector<128x512xbf16> to vector<128x512xf32>
    %mul3A_103 = arith.mulf %convert_element_type3A_25, %convert_element_type3A_102 : vector<128x512xf32>
    %reduce_sum3A_104 = arith.constant dense<0.000000e+00> : vector<128xf32>
    %reduce_sum3A_105 = vector.multi_reduction <add>, %mul3A_103, %reduce_sum3A_104 [1] : vector<128x512xf32> to vector<128xf32>
    %broadcast_in_dim3A_106 = vector.shape_cast %reduce_sum3A_105 : vector<128xf32> to vector<128x1xf32>
    %get3A_107 = arith.constant 6 : index
    %get3A_108 = arith.constant 0 : index
    %get3A_109 = arith.constant 0 : index
    %get3A_110 = vector.load %arg2[%get3A_107, %get3A_108, %get3A_109] : memref<32x128x512xf32, #tpu.memory_space<vmem>>, vector<1x128x512xf32>
    %get3A_111 = vector.shape_cast %get3A_110 : vector<1x128x512xf32> to vector<128x512xf32>
    %slice3A_112 = vector.extract_strided_slice %div3A_20 {offsets = [0, 6], sizes = [128, 1], strides = [1, 1]} : vector<128x32xf32> to vector<128x1xf32>
    %mul3A_113 = vector.broadcast %slice3A_112 : vector<128x1xf32> to vector<128x512xf32>
    %mul3A_114 = arith.mulf %get3A_111, %mul3A_113 : vector<128x512xf32>
    %convert_element_type3A_115 = arith.truncf %mul3A_114 : vector<128x512xf32> to vector<128x512xbf16>
    %convert_element_type3A_116 = arith.extf %convert_element_type3A_115 : vector<128x512xbf16> to vector<128x512xf32>
    %mul3A_117 = arith.mulf %convert_element_type3A_25, %convert_element_type3A_116 : vector<128x512xf32>
    %reduce_sum3A_118 = arith.constant dense<0.000000e+00> : vector<128xf32>
    %reduce_sum3A_119 = vector.multi_reduction <add>, %mul3A_117, %reduce_sum3A_118 [1] : vector<128x512xf32> to vector<128xf32>
    %broadcast_in_dim3A_120 = vector.shape_cast %reduce_sum3A_119 : vector<128xf32> to vector<128x1xf32>
    %get3A_121 = arith.constant 7 : index
    %get3A_122 = arith.constant 0 : index
    %get3A_123 = arith.constant 0 : index
    %get3A_124 = vector.load %arg2[%get3A_121, %get3A_122, %get3A_123] : memref<32x128x512xf32, #tpu.memory_space<vmem>>, vector<1x128x512xf32>
    %get3A_125 = vector.shape_cast %get3A_124 : vector<1x128x512xf32> to vector<128x512xf32>
    %slice3A_126 = vector.extract_strided_slice %div3A_20 {offsets = [0, 7], sizes = [128, 1], strides = [1, 1]} : vector<128x32xf32> to vector<128x1xf32>
    %mul3A_127 = vector.broadcast %slice3A_126 : vector<128x1xf32> to vector<128x512xf32>
    %mul3A_128 = arith.mulf %get3A_125, %mul3A_127 : vector<128x512xf32>
    %convert_element_type3A_129 = arith.truncf %mul3A_128 : vector<128x512xf32> to vector<128x512xbf16>
    %convert_element_type3A_130 = arith.extf %convert_element_type3A_129 : vector<128x512xbf16> to vector<128x512xf32>
    %mul3A_131 = arith.mulf %convert_element_type3A_25, %convert_element_type3A_130 : vector<128x512xf32>
    %reduce_sum3A_132 = arith.constant dense<0.000000e+00> : vector<128xf32>
    %reduce_sum3A_133 = vector.multi_reduction <add>, %mul3A_131, %reduce_sum3A_132 [1] : vector<128x512xf32> to vector<128xf32>
    %broadcast_in_dim3A_134 = vector.shape_cast %reduce_sum3A_133 : vector<128xf32> to vector<128x1xf32>
    %get3A_135 = arith.constant 8 : index
    %get3A_136 = arith.constant 0 : index
    %get3A_137 = arith.constant 0 : index
    %get3A_138 = vector.load %arg2[%get3A_135, %get3A_136, %get3A_137] : memref<32x128x512xf32, #tpu.memory_space<vmem>>, vector<1x128x512xf32>
    %get3A_139 = vector.shape_cast %get3A_138 : vector<1x128x512xf32> to vector<128x512xf32>
    %slice3A_140 = vector.extract_strided_slice %div3A_20 {offsets = [0, 8], sizes = [128, 1], strides = [1, 1]} : vector<128x32xf32> to vector<128x1xf32>
    %mul3A_141 = vector.broadcast %slice3A_140 : vector<128x1xf32> to vector<128x512xf32>
    %mul3A_142 = arith.mulf %get3A_139, %mul3A_141 : vector<128x512xf32>
    %convert_element_type3A_143 = arith.truncf %mul3A_142 : vector<128x512xf32> to vector<128x512xbf16>
    %convert_element_type3A_144 = arith.extf %convert_element_type3A_143 : vector<128x512xbf16> to vector<128x512xf32>
    %mul3A_145 = arith.mulf %convert_element_type3A_25, %convert_element_type3A_144 : vector<128x512xf32>
    %reduce_sum3A_146 = arith.constant dense<0.000000e+00> : vector<128xf32>
    %reduce_sum3A_147 = vector.multi_reduction <add>, %mul3A_145, %reduce_sum3A_146 [1] : vector<128x512xf32> to vector<128xf32>
    %broadcast_in_dim3A_148 = vector.shape_cast %reduce_sum3A_147 : vector<128xf32> to vector<128x1xf32>
    %get3A_149 = arith.constant 9 : index
    %get3A_150 = arith.constant 0 : index
    %get3A_151 = arith.constant 0 : index
    %get3A_152 = vector.load %arg2[%get3A_149, %get3A_150, %get3A_151] : memref<32x128x512xf32, #tpu.memory_space<vmem>>, vector<1x128x512xf32>
    %get3A_153 = vector.shape_cast %get3A_152 : vector<1x128x512xf32> to vector<128x512xf32>
    %slice3A_154 = vector.extract_strided_slice %div3A_20 {offsets = [0, 9], sizes = [128, 1], strides = [1, 1]} : vector<128x32xf32> to vector<128x1xf32>
    %mul3A_155 = vector.broadcast %slice3A_154 : vector<128x1xf32> to vector<128x512xf32>
    %mul3A_156 = arith.mulf %get3A_153, %mul3A_155 : vector<128x512xf32>
    %convert_element_type3A_157 = arith.truncf %mul3A_156 : vector<128x512xf32> to vector<128x512xbf16>
    %convert_element_type3A_158 = arith.extf %convert_element_type3A_157 : vector<128x512xbf16> to vector<128x512xf32>
    %mul3A_159 = arith.mulf %convert_element_type3A_25, %convert_element_type3A_158 : vector<128x512xf32>
    %reduce_sum3A_160 = arith.constant dense<0.000000e+00> : vector<128xf32>
    %reduce_sum3A_161 = vector.multi_reduction <add>, %mul3A_159, %reduce_sum3A_160 [1] : vector<128x512xf32> to vector<128xf32>
    %broadcast_in_dim3A_162 = vector.shape_cast %reduce_sum3A_161 : vector<128xf32> to vector<128x1xf32>
    %get3A_163 = arith.constant 10 : index
    %get3A_164 = arith.constant 0 : index
    %get3A_165 = arith.constant 0 : index
    %get3A_166 = vector.load %arg2[%get3A_163, %get3A_164, %get3A_165] : memref<32x128x512xf32, #tpu.memory_space<vmem>>, vector<1x128x512xf32>
    %get3A_167 = vector.shape_cast %get3A_166 : vector<1x128x512xf32> to vector<128x512xf32>
    %slice3A_168 = vector.extract_strided_slice %div3A_20 {offsets = [0, 10], sizes = [128, 1], strides = [1, 1]} : vector<128x32xf32> to vector<128x1xf32>
    %mul3A_169 = vector.broadcast %slice3A_168 : vector<128x1xf32> to vector<128x512xf32>
    %mul3A_170 = arith.mulf %get3A_167, %mul3A_169 : vector<128x512xf32>
    %convert_element_type3A_171 = arith.truncf %mul3A_170 : vector<128x512xf32> to vector<128x512xbf16>
    %convert_element_type3A_172 = arith.extf %convert_element_type3A_171 : vector<128x512xbf16> to vector<128x512xf32>
    %mul3A_173 = arith.mulf %convert_element_type3A_25, %convert_element_type3A_172 : vector<128x512xf32>
    %reduce_sum3A_174 = arith.constant dense<0.000000e+00> : vector<128xf32>
    %reduce_sum3A_175 = vector.multi_reduction <add>, %mul3A_173, %reduce_sum3A_174 [1] : vector<128x512xf32> to vector<128xf32>
    %broadcast_in_dim3A_176 = vector.shape_cast %reduce_sum3A_175 : vector<128xf32> to vector<128x1xf32>
    %get3A_177 = arith.constant 11 : index
    %get3A_178 = arith.constant 0 : index
    %get3A_179 = arith.constant 0 : index
    %get3A_180 = vector.load %arg2[%get3A_177, %get3A_178, %get3A_179] : memref<32x128x512xf32, #tpu.memory_space<vmem>>, vector<1x128x512xf32>
    %get3A_181 = vector.shape_cast %get3A_180 : vector<1x128x512xf32> to vector<128x512xf32>
    %slice3A_182 = vector.extract_strided_slice %div3A_20 {offsets = [0, 11], sizes = [128, 1], strides = [1, 1]} : vector<128x32xf32> to vector<128x1xf32>
    %mul3A_183 = vector.broadcast %slice3A_182 : vector<128x1xf32> to vector<128x512xf32>
    %mul3A_184 = arith.mulf %get3A_181, %mul3A_183 : vector<128x512xf32>
    %convert_element_type3A_185 = arith.truncf %mul3A_184 : vector<128x512xf32> to vector<128x512xbf16>
    %convert_element_type3A_186 = arith.extf %convert_element_type3A_185 : vector<128x512xbf16> to vector<128x512xf32>
    %mul3A_187 = arith.mulf %convert_element_type3A_25, %convert_element_type3A_186 : vector<128x512xf32>
    %reduce_sum3A_188 = arith.constant dense<0.000000e+00> : vector<128xf32>
    %reduce_sum3A_189 = vector.multi_reduction <add>, %mul3A_187, %reduce_sum3A_188 [1] : vector<128x512xf32> to vector<128xf32>
    %broadcast_in_dim3A_190 = vector.shape_cast %reduce_sum3A_189 : vector<128xf32> to vector<128x1xf32>
    %get3A_191 = arith.constant 12 : index
    %get3A_192 = arith.constant 0 : index
    %get3A_193 = arith.constant 0 : index
    %get3A_194 = vector.load %arg2[%get3A_191, %get3A_192, %get3A_193] : memref<32x128x512xf32, #tpu.memory_space<vmem>>, vector<1x128x512xf32>
    %get3A_195 = vector.shape_cast %get3A_194 : vector<1x128x512xf32> to vector<128x512xf32>
    %slice3A_196 = vector.extract_strided_slice %div3A_20 {offsets = [0, 12], sizes = [128, 1], strides = [1, 1]} : vector<128x32xf32> to vector<128x1xf32>
    %mul3A_197 = vector.broadcast %slice3A_196 : vector<128x1xf32> to vector<128x512xf32>
    %mul3A_198 = arith.mulf %get3A_195, %mul3A_197 : vector<128x512xf32>
    %convert_element_type3A_199 = arith.truncf %mul3A_198 : vector<128x512xf32> to vector<128x512xbf16>
    %convert_element_type3A_200 = arith.extf %convert_element_type3A_199 : vector<128x512xbf16> to vector<128x512xf32>
    %mul3A_201 = arith.mulf %convert_element_type3A_25, %convert_element_type3A_200 : vector<128x512xf32>
    %reduce_sum3A_202 = arith.constant dense<0.000000e+00> : vector<128xf32>
    %reduce_sum3A_203 = vector.multi_reduction <add>, %mul3A_201, %reduce_sum3A_202 [1] : vector<128x512xf32> to vector<128xf32>
    %broadcast_in_dim3A_204 = vector.shape_cast %reduce_sum3A_203 : vector<128xf32> to vector<128x1xf32>
    %get3A_205 = arith.constant 13 : index
    %get3A_206 = arith.constant 0 : index
    %get3A_207 = arith.constant 0 : index
    %get3A_208 = vector.load %arg2[%get3A_205, %get3A_206, %get3A_207] : memref<32x128x512xf32, #tpu.memory_space<vmem>>, vector<1x128x512xf32>
    %get3A_209 = vector.shape_cast %get3A_208 : vector<1x128x512xf32> to vector<128x512xf32>
    %slice3A_210 = vector.extract_strided_slice %div3A_20 {offsets = [0, 13], sizes = [128, 1], strides = [1, 1]} : vector<128x32xf32> to vector<128x1xf32>
    %mul3A_211 = vector.broadcast %slice3A_210 : vector<128x1xf32> to vector<128x512xf32>
    %mul3A_212 = arith.mulf %get3A_209, %mul3A_211 : vector<128x512xf32>
    %convert_element_type3A_213 = arith.truncf %mul3A_212 : vector<128x512xf32> to vector<128x512xbf16>
    %convert_element_type3A_214 = arith.extf %convert_element_type3A_213 : vector<128x512xbf16> to vector<128x512xf32>
    %mul3A_215 = arith.mulf %convert_element_type3A_25, %convert_element_type3A_214 : vector<128x512xf32>
    %reduce_sum3A_216 = arith.constant dense<0.000000e+00> : vector<128xf32>
    %reduce_sum3A_217 = vector.multi_reduction <add>, %mul3A_215, %reduce_sum3A_216 [1] : vector<128x512xf32> to vector<128xf32>
    %broadcast_in_dim3A_218 = vector.shape_cast %reduce_sum3A_217 : vector<128xf32> to vector<128x1xf32>
    %get3A_219 = arith.constant 14 : index
    %get3A_220 = arith.constant 0 : index
    %get3A_221 = arith.constant 0 : index
    %get3A_222 = vector.load %arg2[%get3A_219, %get3A_220, %get3A_221] : memref<32x128x512xf32, #tpu.memory_space<vmem>>, vector<1x128x512xf32>
    %get3A_223 = vector.shape_cast %get3A_222 : vector<1x128x512xf32> to vector<128x512xf32>
    %slice3A_224 = vector.extract_strided_slice %div3A_20 {offsets = [0, 14], sizes = [128, 1], strides = [1, 1]} : vector<128x32xf32> to vector<128x1xf32>
    %mul3A_225 = vector.broadcast %slice3A_224 : vector<128x1xf32> to vector<128x512xf32>
    %mul3A_226 = arith.mulf %get3A_223, %mul3A_225 : vector<128x512xf32>
    %convert_element_type3A_227 = arith.truncf %mul3A_226 : vector<128x512xf32> to vector<128x512xbf16>
    %convert_element_type3A_228 = arith.extf %convert_element_type3A_227 : vector<128x512xbf16> to vector<128x512xf32>
    %mul3A_229 = arith.mulf %convert_element_type3A_25, %convert_element_type3A_228 : vector<128x512xf32>
    %reduce_sum3A_230 = arith.constant dense<0.000000e+00> : vector<128xf32>
    %reduce_sum3A_231 = vector.multi_reduction <add>, %mul3A_229, %reduce_sum3A_230 [1] : vector<128x512xf32> to vector<128xf32>
    %broadcast_in_dim3A_232 = vector.shape_cast %reduce_sum3A_231 : vector<128xf32> to vector<128x1xf32>
    %get3A_233 = arith.constant 15 : index
    %get3A_234 = arith.constant 0 : index
    %get3A_235 = arith.constant 0 : index
    %get3A_236 = vector.load %arg2[%get3A_233, %get3A_234, %get3A_235] : memref<32x128x512xf32, #tpu.memory_space<vmem>>, vector<1x128x512xf32>
    %get3A_237 = vector.shape_cast %get3A_236 : vector<1x128x512xf32> to vector<128x512xf32>
    %slice3A_238 = vector.extract_strided_slice %div3A_20 {offsets = [0, 15], sizes = [128, 1], strides = [1, 1]} : vector<128x32xf32> to vector<128x1xf32>
    %mul3A_239 = vector.broadcast %slice3A_238 : vector<128x1xf32> to vector<128x512xf32>
    %mul3A_240 = arith.mulf %get3A_237, %mul3A_239 : vector<128x512xf32>
    %convert_element_type3A_241 = arith.truncf %mul3A_240 : vector<128x512xf32> to vector<128x512xbf16>
    %convert_element_type3A_242 = arith.extf %convert_element_type3A_241 : vector<128x512xbf16> to vector<128x512xf32>
    %mul3A_243 = arith.mulf %convert_element_type3A_25, %convert_element_type3A_242 : vector<128x512xf32>
    %reduce_sum3A_244 = arith.constant dense<0.000000e+00> : vector<128xf32>
    %reduce_sum3A_245 = vector.multi_reduction <add>, %mul3A_243, %reduce_sum3A_244 [1] : vector<128x512xf32> to vector<128xf32>
    %broadcast_in_dim3A_246 = vector.shape_cast %reduce_sum3A_245 : vector<128xf32> to vector<128x1xf32>
    %get3A_247 = arith.constant 16 : index
    %get3A_248 = arith.constant 0 : index
    %get3A_249 = arith.constant 0 : index
    %get3A_250 = vector.load %arg2[%get3A_247, %get3A_248, %get3A_249] : memref<32x128x512xf32, #tpu.memory_space<vmem>>, vector<1x128x512xf32>
    %get3A_251 = vector.shape_cast %get3A_250 : vector<1x128x512xf32> to vector<128x512xf32>
    %slice3A_252 = vector.extract_strided_slice %div3A_20 {offsets = [0, 16], sizes = [128, 1], strides = [1, 1]} : vector<128x32xf32> to vector<128x1xf32>
    %mul3A_253 = vector.broadcast %slice3A_252 : vector<128x1xf32> to vector<128x512xf32>
    %mul3A_254 = arith.mulf %get3A_251, %mul3A_253 : vector<128x512xf32>
    %convert_element_type3A_255 = arith.truncf %mul3A_254 : vector<128x512xf32> to vector<128x512xbf16>
    %convert_element_type3A_256 = arith.extf %convert_element_type3A_255 : vector<128x512xbf16> to vector<128x512xf32>
    %mul3A_257 = arith.mulf %convert_element_type3A_25, %convert_element_type3A_256 : vector<128x512xf32>
    %reduce_sum3A_258 = arith.constant dense<0.000000e+00> : vector<128xf32>
    %reduce_sum3A_259 = vector.multi_reduction <add>, %mul3A_257, %reduce_sum3A_258 [1] : vector<128x512xf32> to vector<128xf32>
    %broadcast_in_dim3A_260 = vector.shape_cast %reduce_sum3A_259 : vector<128xf32> to vector<128x1xf32>
    %get3A_261 = arith.constant 17 : index
    %get3A_262 = arith.constant 0 : index
    %get3A_263 = arith.constant 0 : index
    %get3A_264 = vector.load %arg2[%get3A_261, %get3A_262, %get3A_263] : memref<32x128x512xf32, #tpu.memory_space<vmem>>, vector<1x128x512xf32>
    %get3A_265 = vector.shape_cast %get3A_264 : vector<1x128x512xf32> to vector<128x512xf32>
    %slice3A_266 = vector.extract_strided_slice %div3A_20 {offsets = [0, 17], sizes = [128, 1], strides = [1, 1]} : vector<128x32xf32> to vector<128x1xf32>
    %mul3A_267 = vector.broadcast %slice3A_266 : vector<128x1xf32> to vector<128x512xf32>
    %mul3A_268 = arith.mulf %get3A_265, %mul3A_267 : vector<128x512xf32>
    %convert_element_type3A_269 = arith.truncf %mul3A_268 : vector<128x512xf32> to vector<128x512xbf16>
    %convert_element_type3A_270 = arith.extf %convert_element_type3A_269 : vector<128x512xbf16> to vector<128x512xf32>
    %mul3A_271 = arith.mulf %convert_element_type3A_25, %convert_element_type3A_270 : vector<128x512xf32>
    %reduce_sum3A_272 = arith.constant dense<0.000000e+00> : vector<128xf32>
    %reduce_sum3A_273 = vector.multi_reduction <add>, %mul3A_271, %reduce_sum3A_272 [1] : vector<128x512xf32> to vector<128xf32>
    %broadcast_in_dim3A_274 = vector.shape_cast %reduce_sum3A_273 : vector<128xf32> to vector<128x1xf32>
    %get3A_275 = arith.constant 18 : index
    %get3A_276 = arith.constant 0 : index
    %get3A_277 = arith.constant 0 : index
    %get3A_278 = vector.load %arg2[%get3A_275, %get3A_276, %get3A_277] : memref<32x128x512xf32, #tpu.memory_space<vmem>>, vector<1x128x512xf32>
    %get3A_279 = vector.shape_cast %get3A_278 : vector<1x128x512xf32> to vector<128x512xf32>
    %slice3A_280 = vector.extract_strided_slice %div3A_20 {offsets = [0, 18], sizes = [128, 1], strides = [1, 1]} : vector<128x32xf32> to vector<128x1xf32>
    %mul3A_281 = vector.broadcast %slice3A_280 : vector<128x1xf32> to vector<128x512xf32>
    %mul3A_282 = arith.mulf %get3A_279, %mul3A_281 : vector<128x512xf32>
    %convert_element_type3A_283 = arith.truncf %mul3A_282 : vector<128x512xf32> to vector<128x512xbf16>
    %convert_element_type3A_284 = arith.extf %convert_element_type3A_283 : vector<128x512xbf16> to vector<128x512xf32>
    %mul3A_285 = arith.mulf %convert_element_type3A_25, %convert_element_type3A_284 : vector<128x512xf32>
    %reduce_sum3A_286 = arith.constant dense<0.000000e+00> : vector<128xf32>
    %reduce_sum3A_287 = vector.multi_reduction <add>, %mul3A_285, %reduce_sum3A_286 [1] : vector<128x512xf32> to vector<128xf32>
    %broadcast_in_dim3A_288 = vector.shape_cast %reduce_sum3A_287 : vector<128xf32> to vector<128x1xf32>
    %get3A_289 = arith.constant 19 : index
    %get3A_290 = arith.constant 0 : index
    %get3A_291 = arith.constant 0 : index
    %get3A_292 = vector.load %arg2[%get3A_289, %get3A_290, %get3A_291] : memref<32x128x512xf32, #tpu.memory_space<vmem>>, vector<1x128x512xf32>
    %get3A_293 = vector.shape_cast %get3A_292 : vector<1x128x512xf32> to vector<128x512xf32>
    %slice3A_294 = vector.extract_strided_slice %div3A_20 {offsets = [0, 19], sizes = [128, 1], strides = [1, 1]} : vector<128x32xf32> to vector<128x1xf32>
    %mul3A_295 = vector.broadcast %slice3A_294 : vector<128x1xf32> to vector<128x512xf32>
    %mul3A_296 = arith.mulf %get3A_293, %mul3A_295 : vector<128x512xf32>
    %convert_element_type3A_297 = arith.truncf %mul3A_296 : vector<128x512xf32> to vector<128x512xbf16>
    %convert_element_type3A_298 = arith.extf %convert_element_type3A_297 : vector<128x512xbf16> to vector<128x512xf32>
    %mul3A_299 = arith.mulf %convert_element_type3A_25, %convert_element_type3A_298 : vector<128x512xf32>
    %reduce_sum3A_300 = arith.constant dense<0.000000e+00> : vector<128xf32>
    %reduce_sum3A_301 = vector.multi_reduction <add>, %mul3A_299, %reduce_sum3A_300 [1] : vector<128x512xf32> to vector<128xf32>
    %broadcast_in_dim3A_302 = vector.shape_cast %reduce_sum3A_301 : vector<128xf32> to vector<128x1xf32>
    %get3A_303 = arith.constant 20 : index
    %get3A_304 = arith.constant 0 : index
    %get3A_305 = arith.constant 0 : index
    %get3A_306 = vector.load %arg2[%get3A_303, %get3A_304, %get3A_305] : memref<32x128x512xf32, #tpu.memory_space<vmem>>, vector<1x128x512xf32>
    %get3A_307 = vector.shape_cast %get3A_306 : vector<1x128x512xf32> to vector<128x512xf32>
    %slice3A_308 = vector.extract_strided_slice %div3A_20 {offsets = [0, 20], sizes = [128, 1], strides = [1, 1]} : vector<128x32xf32> to vector<128x1xf32>
    %mul3A_309 = vector.broadcast %slice3A_308 : vector<128x1xf32> to vector<128x512xf32>
    %mul3A_310 = arith.mulf %get3A_307, %mul3A_309 : vector<128x512xf32>
    %convert_element_type3A_311 = arith.truncf %mul3A_310 : vector<128x512xf32> to vector<128x512xbf16>
    %convert_element_type3A_312 = arith.extf %convert_element_type3A_311 : vector<128x512xbf16> to vector<128x512xf32>
    %mul3A_313 = arith.mulf %convert_element_type3A_25, %convert_element_type3A_312 : vector<128x512xf32>
    %reduce_sum3A_314 = arith.constant dense<0.000000e+00> : vector<128xf32>
    %reduce_sum3A_315 = vector.multi_reduction <add>, %mul3A_313, %reduce_sum3A_314 [1] : vector<128x512xf32> to vector<128xf32>
    %broadcast_in_dim3A_316 = vector.shape_cast %reduce_sum3A_315 : vector<128xf32> to vector<128x1xf32>
    %get3A_317 = arith.constant 21 : index
    %get3A_318 = arith.constant 0 : index
    %get3A_319 = arith.constant 0 : index
    %get3A_320 = vector.load %arg2[%get3A_317, %get3A_318, %get3A_319] : memref<32x128x512xf32, #tpu.memory_space<vmem>>, vector<1x128x512xf32>
    %get3A_321 = vector.shape_cast %get3A_320 : vector<1x128x512xf32> to vector<128x512xf32>
    %slice3A_322 = vector.extract_strided_slice %div3A_20 {offsets = [0, 21], sizes = [128, 1], strides = [1, 1]} : vector<128x32xf32> to vector<128x1xf32>
    %mul3A_323 = vector.broadcast %slice3A_322 : vector<128x1xf32> to vector<128x512xf32>
    %mul3A_324 = arith.mulf %get3A_321, %mul3A_323 : vector<128x512xf32>
    %convert_element_type3A_325 = arith.truncf %mul3A_324 : vector<128x512xf32> to vector<128x512xbf16>
    %convert_element_type3A_326 = arith.extf %convert_element_type3A_325 : vector<128x512xbf16> to vector<128x512xf32>
    %mul3A_327 = arith.mulf %convert_element_type3A_25, %convert_element_type3A_326 : vector<128x512xf32>
    %reduce_sum3A_328 = arith.constant dense<0.000000e+00> : vector<128xf32>
    %reduce_sum3A_329 = vector.multi_reduction <add>, %mul3A_327, %reduce_sum3A_328 [1] : vector<128x512xf32> to vector<128xf32>
    %broadcast_in_dim3A_330 = vector.shape_cast %reduce_sum3A_329 : vector<128xf32> to vector<128x1xf32>
    %get3A_331 = arith.constant 22 : index
    %get3A_332 = arith.constant 0 : index
    %get3A_333 = arith.constant 0 : index
    %get3A_334 = vector.load %arg2[%get3A_331, %get3A_332, %get3A_333] : memref<32x128x512xf32, #tpu.memory_space<vmem>>, vector<1x128x512xf32>
    %get3A_335 = vector.shape_cast %get3A_334 : vector<1x128x512xf32> to vector<128x512xf32>
    %slice3A_336 = vector.extract_strided_slice %div3A_20 {offsets = [0, 22], sizes = [128, 1], strides = [1, 1]} : vector<128x32xf32> to vector<128x1xf32>
    %mul3A_337 = vector.broadcast %slice3A_336 : vector<128x1xf32> to vector<128x512xf32>
    %mul3A_338 = arith.mulf %get3A_335, %mul3A_337 : vector<128x512xf32>
    %convert_element_type3A_339 = arith.truncf %mul3A_338 : vector<128x512xf32> to vector<128x512xbf16>
    %convert_element_type3A_340 = arith.extf %convert_element_type3A_339 : vector<128x512xbf16> to vector<128x512xf32>
    %mul3A_341 = arith.mulf %convert_element_type3A_25, %convert_element_type3A_340 : vector<128x512xf32>
    %reduce_sum3A_342 = arith.constant dense<0.000000e+00> : vector<128xf32>
    %reduce_sum3A_343 = vector.multi_reduction <add>, %mul3A_341, %reduce_sum3A_342 [1] : vector<128x512xf32> to vector<128xf32>
    %broadcast_in_dim3A_344 = vector.shape_cast %reduce_sum3A_343 : vector<128xf32> to vector<128x1xf32>
    %get3A_345 = arith.constant 23 : index
    %get3A_346 = arith.constant 0 : index
    %get3A_347 = arith.constant 0 : index
    %get3A_348 = vector.load %arg2[%get3A_345, %get3A_346, %get3A_347] : memref<32x128x512xf32, #tpu.memory_space<vmem>>, vector<1x128x512xf32>
    %get3A_349 = vector.shape_cast %get3A_348 : vector<1x128x512xf32> to vector<128x512xf32>
    %slice3A_350 = vector.extract_strided_slice %div3A_20 {offsets = [0, 23], sizes = [128, 1], strides = [1, 1]} : vector<128x32xf32> to vector<128x1xf32>
    %mul3A_351 = vector.broadcast %slice3A_350 : vector<128x1xf32> to vector<128x512xf32>
    %mul3A_352 = arith.mulf %get3A_349, %mul3A_351 : vector<128x512xf32>
    %convert_element_type3A_353 = arith.truncf %mul3A_352 : vector<128x512xf32> to vector<128x512xbf16>
    %convert_element_type3A_354 = arith.extf %convert_element_type3A_353 : vector<128x512xbf16> to vector<128x512xf32>
    %mul3A_355 = arith.mulf %convert_element_type3A_25, %convert_element_type3A_354 : vector<128x512xf32>
    %reduce_sum3A_356 = arith.constant dense<0.000000e+00> : vector<128xf32>
    %reduce_sum3A_357 = vector.multi_reduction <add>, %mul3A_355, %reduce_sum3A_356 [1] : vector<128x512xf32> to vector<128xf32>
    %broadcast_in_dim3A_358 = vector.shape_cast %reduce_sum3A_357 : vector<128xf32> to vector<128x1xf32>
    %get3A_359 = arith.constant 24 : index
    %get3A_360 = arith.constant 0 : index
    %get3A_361 = arith.constant 0 : index
    %get3A_362 = vector.load %arg2[%get3A_359, %get3A_360, %get3A_361] : memref<32x128x512xf32, #tpu.memory_space<vmem>>, vector<1x128x512xf32>
    %get3A_363 = vector.shape_cast %get3A_362 : vector<1x128x512xf32> to vector<128x512xf32>
    %slice3A_364 = vector.extract_strided_slice %div3A_20 {offsets = [0, 24], sizes = [128, 1], strides = [1, 1]} : vector<128x32xf32> to vector<128x1xf32>
    %mul3A_365 = vector.broadcast %slice3A_364 : vector<128x1xf32> to vector<128x512xf32>
    %mul3A_366 = arith.mulf %get3A_363, %mul3A_365 : vector<128x512xf32>
    %convert_element_type3A_367 = arith.truncf %mul3A_366 : vector<128x512xf32> to vector<128x512xbf16>
    %convert_element_type3A_368 = arith.extf %convert_element_type3A_367 : vector<128x512xbf16> to vector<128x512xf32>
    %mul3A_369 = arith.mulf %convert_element_type3A_25, %convert_element_type3A_368 : vector<128x512xf32>
    %reduce_sum3A_370 = arith.constant dense<0.000000e+00> : vector<128xf32>
    %reduce_sum3A_371 = vector.multi_reduction <add>, %mul3A_369, %reduce_sum3A_370 [1] : vector<128x512xf32> to vector<128xf32>
    %broadcast_in_dim3A_372 = vector.shape_cast %reduce_sum3A_371 : vector<128xf32> to vector<128x1xf32>
    %get3A_373 = arith.constant 25 : index
    %get3A_374 = arith.constant 0 : index
    %get3A_375 = arith.constant 0 : index
    %get3A_376 = vector.load %arg2[%get3A_373, %get3A_374, %get3A_375] : memref<32x128x512xf32, #tpu.memory_space<vmem>>, vector<1x128x512xf32>
    %get3A_377 = vector.shape_cast %get3A_376 : vector<1x128x512xf32> to vector<128x512xf32>
    %slice3A_378 = vector.extract_strided_slice %div3A_20 {offsets = [0, 25], sizes = [128, 1], strides = [1, 1]} : vector<128x32xf32> to vector<128x1xf32>
    %mul3A_379 = vector.broadcast %slice3A_378 : vector<128x1xf32> to vector<128x512xf32>
    %mul3A_380 = arith.mulf %get3A_377, %mul3A_379 : vector<128x512xf32>
    %convert_element_type3A_381 = arith.truncf %mul3A_380 : vector<128x512xf32> to vector<128x512xbf16>
    %convert_element_type3A_382 = arith.extf %convert_element_type3A_381 : vector<128x512xbf16> to vector<128x512xf32>
    %mul3A_383 = arith.mulf %convert_element_type3A_25, %convert_element_type3A_382 : vector<128x512xf32>
    %reduce_sum3A_384 = arith.constant dense<0.000000e+00> : vector<128xf32>
    %reduce_sum3A_385 = vector.multi_reduction <add>, %mul3A_383, %reduce_sum3A_384 [1] : vector<128x512xf32> to vector<128xf32>
    %broadcast_in_dim3A_386 = vector.shape_cast %reduce_sum3A_385 : vector<128xf32> to vector<128x1xf32>
    %get3A_387 = arith.constant 26 : index
    %get3A_388 = arith.constant 0 : index
    %get3A_389 = arith.constant 0 : index
    %get3A_390 = vector.load %arg2[%get3A_387, %get3A_388, %get3A_389] : memref<32x128x512xf32, #tpu.memory_space<vmem>>, vector<1x128x512xf32>
    %get3A_391 = vector.shape_cast %get3A_390 : vector<1x128x512xf32> to vector<128x512xf32>
    %slice3A_392 = vector.extract_strided_slice %div3A_20 {offsets = [0, 26], sizes = [128, 1], strides = [1, 1]} : vector<128x32xf32> to vector<128x1xf32>
    %mul3A_393 = vector.broadcast %slice3A_392 : vector<128x1xf32> to vector<128x512xf32>
    %mul3A_394 = arith.mulf %get3A_391, %mul3A_393 : vector<128x512xf32>
    %convert_element_type3A_395 = arith.truncf %mul3A_394 : vector<128x512xf32> to vector<128x512xbf16>
    %convert_element_type3A_396 = arith.extf %convert_element_type3A_395 : vector<128x512xbf16> to vector<128x512xf32>
    %mul3A_397 = arith.mulf %convert_element_type3A_25, %convert_element_type3A_396 : vector<128x512xf32>
    %reduce_sum3A_398 = arith.constant dense<0.000000e+00> : vector<128xf32>
    %reduce_sum3A_399 = vector.multi_reduction <add>, %mul3A_397, %reduce_sum3A_398 [1] : vector<128x512xf32> to vector<128xf32>
    %broadcast_in_dim3A_400 = vector.shape_cast %reduce_sum3A_399 : vector<128xf32> to vector<128x1xf32>
    %get3A_401 = arith.constant 27 : index
    %get3A_402 = arith.constant 0 : index
    %get3A_403 = arith.constant 0 : index
    %get3A_404 = vector.load %arg2[%get3A_401, %get3A_402, %get3A_403] : memref<32x128x512xf32, #tpu.memory_space<vmem>>, vector<1x128x512xf32>
    %get3A_405 = vector.shape_cast %get3A_404 : vector<1x128x512xf32> to vector<128x512xf32>
    %slice3A_406 = vector.extract_strided_slice %div3A_20 {offsets = [0, 27], sizes = [128, 1], strides = [1, 1]} : vector<128x32xf32> to vector<128x1xf32>
    %mul3A_407 = vector.broadcast %slice3A_406 : vector<128x1xf32> to vector<128x512xf32>
    %mul3A_408 = arith.mulf %get3A_405, %mul3A_407 : vector<128x512xf32>
    %convert_element_type3A_409 = arith.truncf %mul3A_408 : vector<128x512xf32> to vector<128x512xbf16>
    %convert_element_type3A_410 = arith.extf %convert_element_type3A_409 : vector<128x512xbf16> to vector<128x512xf32>
    %mul3A_411 = arith.mulf %convert_element_type3A_25, %convert_element_type3A_410 : vector<128x512xf32>
    %reduce_sum3A_412 = arith.constant dense<0.000000e+00> : vector<128xf32>
    %reduce_sum3A_413 = vector.multi_reduction <add>, %mul3A_411, %reduce_sum3A_412 [1] : vector<128x512xf32> to vector<128xf32>
    %broadcast_in_dim3A_414 = vector.shape_cast %reduce_sum3A_413 : vector<128xf32> to vector<128x1xf32>
    %get3A_415 = arith.constant 28 : index
    %get3A_416 = arith.constant 0 : index
    %get3A_417 = arith.constant 0 : index
    %get3A_418 = vector.load %arg2[%get3A_415, %get3A_416, %get3A_417] : memref<32x128x512xf32, #tpu.memory_space<vmem>>, vector<1x128x512xf32>
    %get3A_419 = vector.shape_cast %get3A_418 : vector<1x128x512xf32> to vector<128x512xf32>
    %slice3A_420 = vector.extract_strided_slice %div3A_20 {offsets = [0, 28], sizes = [128, 1], strides = [1, 1]} : vector<128x32xf32> to vector<128x1xf32>
    %mul3A_421 = vector.broadcast %slice3A_420 : vector<128x1xf32> to vector<128x512xf32>
    %mul3A_422 = arith.mulf %get3A_419, %mul3A_421 : vector<128x512xf32>
    %convert_element_type3A_423 = arith.truncf %mul3A_422 : vector<128x512xf32> to vector<128x512xbf16>
    %convert_element_type3A_424 = arith.extf %convert_element_type3A_423 : vector<128x512xbf16> to vector<128x512xf32>
    %mul3A_425 = arith.mulf %convert_element_type3A_25, %convert_element_type3A_424 : vector<128x512xf32>
    %reduce_sum3A_426 = arith.constant dense<0.000000e+00> : vector<128xf32>
    %reduce_sum3A_427 = vector.multi_reduction <add>, %mul3A_425, %reduce_sum3A_426 [1] : vector<128x512xf32> to vector<128xf32>
    %broadcast_in_dim3A_428 = vector.shape_cast %reduce_sum3A_427 : vector<128xf32> to vector<128x1xf32>
    %get3A_429 = arith.constant 29 : index
    %get3A_430 = arith.constant 0 : index
    %get3A_431 = arith.constant 0 : index
    %get3A_432 = vector.load %arg2[%get3A_429, %get3A_430, %get3A_431] : memref<32x128x512xf32, #tpu.memory_space<vmem>>, vector<1x128x512xf32>
    %get3A_433 = vector.shape_cast %get3A_432 : vector<1x128x512xf32> to vector<128x512xf32>
    %slice3A_434 = vector.extract_strided_slice %div3A_20 {offsets = [0, 29], sizes = [128, 1], strides = [1, 1]} : vector<128x32xf32> to vector<128x1xf32>
    %mul3A_435 = vector.broadcast %slice3A_434 : vector<128x1xf32> to vector<128x512xf32>
    %mul3A_436 = arith.mulf %get3A_433, %mul3A_435 : vector<128x512xf32>
    %convert_element_type3A_437 = arith.truncf %mul3A_436 : vector<128x512xf32> to vector<128x512xbf16>
    %convert_element_type3A_438 = arith.extf %convert_element_type3A_437 : vector<128x512xbf16> to vector<128x512xf32>
    %mul3A_439 = arith.mulf %convert_element_type3A_25, %convert_element_type3A_438 : vector<128x512xf32>
    %reduce_sum3A_440 = arith.constant dense<0.000000e+00> : vector<128xf32>
    %reduce_sum3A_441 = vector.multi_reduction <add>, %mul3A_439, %reduce_sum3A_440 [1] : vector<128x512xf32> to vector<128xf32>
    %broadcast_in_dim3A_442 = vector.shape_cast %reduce_sum3A_441 : vector<128xf32> to vector<128x1xf32>
    %get3A_443 = arith.constant 30 : index
    %get3A_444 = arith.constant 0 : index
    %get3A_445 = arith.constant 0 : index
    %get3A_446 = vector.load %arg2[%get3A_443, %get3A_444, %get3A_445] : memref<32x128x512xf32, #tpu.memory_space<vmem>>, vector<1x128x512xf32>
    %get3A_447 = vector.shape_cast %get3A_446 : vector<1x128x512xf32> to vector<128x512xf32>
    %slice3A_448 = vector.extract_strided_slice %div3A_20 {offsets = [0, 30], sizes = [128, 1], strides = [1, 1]} : vector<128x32xf32> to vector<128x1xf32>
    %mul3A_449 = vector.broadcast %slice3A_448 : vector<128x1xf32> to vector<128x512xf32>
    %mul3A_450 = arith.mulf %get3A_447, %mul3A_449 : vector<128x512xf32>
    %convert_element_type3A_451 = arith.truncf %mul3A_450 : vector<128x512xf32> to vector<128x512xbf16>
    %convert_element_type3A_452 = arith.extf %convert_element_type3A_451 : vector<128x512xbf16> to vector<128x512xf32>
    %mul3A_453 = arith.mulf %convert_element_type3A_25, %convert_element_type3A_452 : vector<128x512xf32>
    %reduce_sum3A_454 = arith.constant dense<0.000000e+00> : vector<128xf32>
    %reduce_sum3A_455 = vector.multi_reduction <add>, %mul3A_453, %reduce_sum3A_454 [1] : vector<128x512xf32> to vector<128xf32>
    %broadcast_in_dim3A_456 = vector.shape_cast %reduce_sum3A_455 : vector<128xf32> to vector<128x1xf32>
    %get3A_457 = arith.constant 31 : index
    %get3A_458 = arith.constant 0 : index
    %get3A_459 = arith.constant 0 : index
    %get3A_460 = vector.load %arg2[%get3A_457, %get3A_458, %get3A_459] : memref<32x128x512xf32, #tpu.memory_space<vmem>>, vector<1x128x512xf32>
    %get3A_461 = vector.shape_cast %get3A_460 : vector<1x128x512xf32> to vector<128x512xf32>
    %slice3A_462 = vector.extract_strided_slice %div3A_20 {offsets = [0, 31], sizes = [128, 1], strides = [1, 1]} : vector<128x32xf32> to vector<128x1xf32>
    %mul3A_463 = vector.broadcast %slice3A_462 : vector<128x1xf32> to vector<128x512xf32>
    %mul3A_464 = arith.mulf %get3A_461, %mul3A_463 : vector<128x512xf32>
    %convert_element_type3A_465 = arith.truncf %mul3A_464 : vector<128x512xf32> to vector<128x512xbf16>
    %convert_element_type3A_466 = arith.extf %convert_element_type3A_465 : vector<128x512xbf16> to vector<128x512xf32>
    %mul3A_467 = arith.mulf %convert_element_type3A_25, %convert_element_type3A_466 : vector<128x512xf32>
    %reduce_sum3A_468 = arith.constant dense<0.000000e+00> : vector<128xf32>
    %reduce_sum3A_469 = vector.multi_reduction <add>, %mul3A_467, %reduce_sum3A_468 [1] : vector<128x512xf32> to vector<128xf32>
    %broadcast_in_dim3A_470 = vector.shape_cast %reduce_sum3A_469 : vector<128xf32> to vector<128x1xf32>
    %concatenate3A = tpu.concatenate %broadcast_in_dim3A, %broadcast_in_dim3A_50, %broadcast_in_dim3A_64, %broadcast_in_dim3A_78, %broadcast_in_dim3A_92, %broadcast_in_dim3A_106, %broadcast_in_dim3A_120, %broadcast_in_dim3A_134, %broadcast_in_dim3A_148, %broadcast_in_dim3A_162, %broadcast_in_dim3A_176, %broadcast_in_dim3A_190, %broadcast_in_dim3A_204, %broadcast_in_dim3A_218, %broadcast_in_dim3A_232, %broadcast_in_dim3A_246, %broadcast_in_dim3A_260, %broadcast_in_dim3A_274, %broadcast_in_dim3A_288, %broadcast_in_dim3A_302, %broadcast_in_dim3A_316, %broadcast_in_dim3A_330, %broadcast_in_dim3A_344, %broadcast_in_dim3A_358, %broadcast_in_dim3A_372, %broadcast_in_dim3A_386, %broadcast_in_dim3A_400, %broadcast_in_dim3A_414, %broadcast_in_dim3A_428, %broadcast_in_dim3A_442, %broadcast_in_dim3A_456, %broadcast_in_dim3A_470 in 1 : vector<128x1xf32>, vector<128x1xf32>, vector<128x1xf32>, vector<128x1xf32>, vector<128x1xf32>, vector<128x1xf32>, vector<128x1xf32>, vector<128x1xf32>, vector<128x1xf32>, vector<128x1xf32>, vector<128x1xf32>, vector<128x1xf32>, vector<128x1xf32>, vector<128x1xf32>, vector<128x1xf32>, vector<128x1xf32>, vector<128x1xf32>, vector<128x1xf32>, vector<128x1xf32>, vector<128x1xf32>, vector<128x1xf32>, vector<128x1xf32>, vector<128x1xf32>, vector<128x1xf32>, vector<128x1xf32>, vector<128x1xf32>, vector<128x1xf32>, vector<128x1xf32>, vector<128x1xf32>, vector<128x1xf32>, vector<128x1xf32>, vector<128x1xf32> -> vector<128x32xf32>
    %sqrt3A_471 = arith.constant 4.480000e+02 : f32
    %sqrt3A_472 = math.sqrt %sqrt3A_471 : f32
    %div3A_473 = vector.broadcast %sqrt3A_472 : f32 to vector<128x32xf32>
    %div3A_474 = arith.divf %concatenate3A, %div3A_473 : vector<128x32xf32>
    %sub3A = arith.constant 1.000000e+00 : f32
    %sub3A_475 = vector.broadcast %sub3A : f32 to vector<128x32xf32>
    %sub3A_476 = arith.subf %convert_element_type3A_9, %sub3A_475 : vector<128x32xf32>
    %mul3A_477 = arith.constant 1.000000e+09 : f32
    %mul3A_478 = vector.broadcast %mul3A_477 : f32 to vector<128x32xf32>
    %mul3A_479 = arith.mulf %mul3A_478, %sub3A_476 : vector<128x32xf32>
    %add3A_480 = arith.addf %div3A_474, %mul3A_479 : vector<128x32xf32>
    %jit3A = arith.constant -1.000000e+30 : f32
    %broadcast_in_dim3A_481 = vector.broadcast %jit3A : f32 to vector<128x32xf32>
    %select_n3A = arith.select %lt3A_5, %add3A_480, %broadcast_in_dim3A_481 : vector<128x32xi1>, vector<128x32xf32>
    %reduce_max3A = arith.constant dense<0xFF800000> : vector<128xf32>
    %reduce_max3A_482 = vector.multi_reduction <maximumf>, %select_n3A, %reduce_max3A [1] : vector<128x32xf32> to vector<128xf32>
    %broadcast_in_dim3A_483 = vector.shape_cast %reduce_max3A_482 : vector<128xf32> to vector<128x1xf32>
    %sub3A_484 = vector.broadcast %broadcast_in_dim3A_483 : vector<128x1xf32> to vector<128x32xf32>
    %sub3A_485 = arith.subf %select_n3A, %sub3A_484 : vector<128x32xf32>
    %exp3A = math.exp %sub3A_485 : vector<128x32xf32>
    %reduce_sum3A_486 = arith.constant dense<0.000000e+00> : vector<128xf32>
    %reduce_sum3A_487 = vector.multi_reduction <add>, %exp3A, %reduce_sum3A_486 [1] : vector<128x32xf32> to vector<128xf32>
    %broadcast_in_dim3A_488 = vector.shape_cast %reduce_sum3A_487 : vector<128xf32> to vector<128x1xf32>
    %div3A_489 = vector.broadcast %broadcast_in_dim3A_488 : vector<128x1xf32> to vector<128x32xf32>
    %div3A_490 = arith.divf %exp3A, %div3A_489 : vector<128x32xf32>
    %broadcast_in_dim3A_491 = arith.constant 0.000000e+00 : f32
    %broadcast_in_dim3A_492 = vector.broadcast %broadcast_in_dim3A_491 : f32 to vector<128x512xf32>
    %get3A_493 = arith.constant 0 : index
    %get3A_494 = arith.constant 0 : index
    %get3A_495 = arith.constant 0 : index
    %get3A_496 = vector.load %arg2[%get3A_493, %get3A_494, %get3A_495] : memref<32x128x512xf32, #tpu.memory_space<vmem>>, vector<1x128x512xf32>
    %get3A_497 = vector.shape_cast %get3A_496 : vector<1x128x512xf32> to vector<128x512xf32>
    %slice3A_498 = vector.extract_strided_slice %div3A_20 {offsets = [0, 0], sizes = [128, 1], strides = [1, 1]} : vector<128x32xf32> to vector<128x1xf32>
    %mul3A_499 = vector.broadcast %slice3A_498 : vector<128x1xf32> to vector<128x512xf32>
    %mul3A_500 = arith.mulf %get3A_497, %mul3A_499 : vector<128x512xf32>
    %slice3A_501 = vector.extract_strided_slice %div3A_490 {offsets = [0, 0], sizes = [128, 1], strides = [1, 1]} : vector<128x32xf32> to vector<128x1xf32>
    %mul3A_502 = vector.broadcast %slice3A_501 : vector<128x1xf32> to vector<128x512xf32>
    %mul3A_503 = arith.mulf %mul3A_502, %mul3A_500 : vector<128x512xf32>
    %add3A_504 = arith.addf %broadcast_in_dim3A_492, %mul3A_503 : vector<128x512xf32>
    %get3A_505 = arith.constant 1 : index
    %get3A_506 = arith.constant 0 : index
    %get3A_507 = arith.constant 0 : index
    %get3A_508 = vector.load %arg2[%get3A_505, %get3A_506, %get3A_507] : memref<32x128x512xf32, #tpu.memory_space<vmem>>, vector<1x128x512xf32>
    %get3A_509 = vector.shape_cast %get3A_508 : vector<1x128x512xf32> to vector<128x512xf32>
    %slice3A_510 = vector.extract_strided_slice %div3A_20 {offsets = [0, 1], sizes = [128, 1], strides = [1, 1]} : vector<128x32xf32> to vector<128x1xf32>
    %mul3A_511 = vector.broadcast %slice3A_510 : vector<128x1xf32> to vector<128x512xf32>
    %mul3A_512 = arith.mulf %get3A_509, %mul3A_511 : vector<128x512xf32>
    %slice3A_513 = vector.extract_strided_slice %div3A_490 {offsets = [0, 1], sizes = [128, 1], strides = [1, 1]} : vector<128x32xf32> to vector<128x1xf32>
    %mul3A_514 = vector.broadcast %slice3A_513 : vector<128x1xf32> to vector<128x512xf32>
    %mul3A_515 = arith.mulf %mul3A_514, %mul3A_512 : vector<128x512xf32>
    %add3A_516 = arith.addf %add3A_504, %mul3A_515 : vector<128x512xf32>
    %get3A_517 = arith.constant 2 : index
    %get3A_518 = arith.constant 0 : index
    %get3A_519 = arith.constant 0 : index
    %get3A_520 = vector.load %arg2[%get3A_517, %get3A_518, %get3A_519] : memref<32x128x512xf32, #tpu.memory_space<vmem>>, vector<1x128x512xf32>
    %get3A_521 = vector.shape_cast %get3A_520 : vector<1x128x512xf32> to vector<128x512xf32>
    %slice3A_522 = vector.extract_strided_slice %div3A_20 {offsets = [0, 2], sizes = [128, 1], strides = [1, 1]} : vector<128x32xf32> to vector<128x1xf32>
    %mul3A_523 = vector.broadcast %slice3A_522 : vector<128x1xf32> to vector<128x512xf32>
    %mul3A_524 = arith.mulf %get3A_521, %mul3A_523 : vector<128x512xf32>
    %slice3A_525 = vector.extract_strided_slice %div3A_490 {offsets = [0, 2], sizes = [128, 1], strides = [1, 1]} : vector<128x32xf32> to vector<128x1xf32>
    %mul3A_526 = vector.broadcast %slice3A_525 : vector<128x1xf32> to vector<128x512xf32>
    %mul3A_527 = arith.mulf %mul3A_526, %mul3A_524 : vector<128x512xf32>
    %add3A_528 = arith.addf %add3A_516, %mul3A_527 : vector<128x512xf32>
    %get3A_529 = arith.constant 3 : index
    %get3A_530 = arith.constant 0 : index
    %get3A_531 = arith.constant 0 : index
    %get3A_532 = vector.load %arg2[%get3A_529, %get3A_530, %get3A_531] : memref<32x128x512xf32, #tpu.memory_space<vmem>>, vector<1x128x512xf32>
    %get3A_533 = vector.shape_cast %get3A_532 : vector<1x128x512xf32> to vector<128x512xf32>
    %slice3A_534 = vector.extract_strided_slice %div3A_20 {offsets = [0, 3], sizes = [128, 1], strides = [1, 1]} : vector<128x32xf32> to vector<128x1xf32>
    %mul3A_535 = vector.broadcast %slice3A_534 : vector<128x1xf32> to vector<128x512xf32>
    %mul3A_536 = arith.mulf %get3A_533, %mul3A_535 : vector<128x512xf32>
    %slice3A_537 = vector.extract_strided_slice %div3A_490 {offsets = [0, 3], sizes = [128, 1], strides = [1, 1]} : vector<128x32xf32> to vector<128x1xf32>
    %mul3A_538 = vector.broadcast %slice3A_537 : vector<128x1xf32> to vector<128x512xf32>
    %mul3A_539 = arith.mulf %mul3A_538, %mul3A_536 : vector<128x512xf32>
    %add3A_540 = arith.addf %add3A_528, %mul3A_539 : vector<128x512xf32>
    %get3A_541 = arith.constant 4 : index
    %get3A_542 = arith.constant 0 : index
    %get3A_543 = arith.constant 0 : index
    %get3A_544 = vector.load %arg2[%get3A_541, %get3A_542, %get3A_543] : memref<32x128x512xf32, #tpu.memory_space<vmem>>, vector<1x128x512xf32>
    %get3A_545 = vector.shape_cast %get3A_544 : vector<1x128x512xf32> to vector<128x512xf32>
    %slice3A_546 = vector.extract_strided_slice %div3A_20 {offsets = [0, 4], sizes = [128, 1], strides = [1, 1]} : vector<128x32xf32> to vector<128x1xf32>
    %mul3A_547 = vector.broadcast %slice3A_546 : vector<128x1xf32> to vector<128x512xf32>
    %mul3A_548 = arith.mulf %get3A_545, %mul3A_547 : vector<128x512xf32>
    %slice3A_549 = vector.extract_strided_slice %div3A_490 {offsets = [0, 4], sizes = [128, 1], strides = [1, 1]} : vector<128x32xf32> to vector<128x1xf32>
    %mul3A_550 = vector.broadcast %slice3A_549 : vector<128x1xf32> to vector<128x512xf32>
    %mul3A_551 = arith.mulf %mul3A_550, %mul3A_548 : vector<128x512xf32>
    %add3A_552 = arith.addf %add3A_540, %mul3A_551 : vector<128x512xf32>
    %get3A_553 = arith.constant 5 : index
    %get3A_554 = arith.constant 0 : index
    %get3A_555 = arith.constant 0 : index
    %get3A_556 = vector.load %arg2[%get3A_553, %get3A_554, %get3A_555] : memref<32x128x512xf32, #tpu.memory_space<vmem>>, vector<1x128x512xf32>
    %get3A_557 = vector.shape_cast %get3A_556 : vector<1x128x512xf32> to vector<128x512xf32>
    %slice3A_558 = vector.extract_strided_slice %div3A_20 {offsets = [0, 5], sizes = [128, 1], strides = [1, 1]} : vector<128x32xf32> to vector<128x1xf32>
    %mul3A_559 = vector.broadcast %slice3A_558 : vector<128x1xf32> to vector<128x512xf32>
    %mul3A_560 = arith.mulf %get3A_557, %mul3A_559 : vector<128x512xf32>
    %slice3A_561 = vector.extract_strided_slice %div3A_490 {offsets = [0, 5], sizes = [128, 1], strides = [1, 1]} : vector<128x32xf32> to vector<128x1xf32>
    %mul3A_562 = vector.broadcast %slice3A_561 : vector<128x1xf32> to vector<128x512xf32>
    %mul3A_563 = arith.mulf %mul3A_562, %mul3A_560 : vector<128x512xf32>
    %add3A_564 = arith.addf %add3A_552, %mul3A_563 : vector<128x512xf32>
    %get3A_565 = arith.constant 6 : index
    %get3A_566 = arith.constant 0 : index
    %get3A_567 = arith.constant 0 : index
    %get3A_568 = vector.load %arg2[%get3A_565, %get3A_566, %get3A_567] : memref<32x128x512xf32, #tpu.memory_space<vmem>>, vector<1x128x512xf32>
    %get3A_569 = vector.shape_cast %get3A_568 : vector<1x128x512xf32> to vector<128x512xf32>
    %slice3A_570 = vector.extract_strided_slice %div3A_20 {offsets = [0, 6], sizes = [128, 1], strides = [1, 1]} : vector<128x32xf32> to vector<128x1xf32>
    %mul3A_571 = vector.broadcast %slice3A_570 : vector<128x1xf32> to vector<128x512xf32>
    %mul3A_572 = arith.mulf %get3A_569, %mul3A_571 : vector<128x512xf32>
    %slice3A_573 = vector.extract_strided_slice %div3A_490 {offsets = [0, 6], sizes = [128, 1], strides = [1, 1]} : vector<128x32xf32> to vector<128x1xf32>
    %mul3A_574 = vector.broadcast %slice3A_573 : vector<128x1xf32> to vector<128x512xf32>
    %mul3A_575 = arith.mulf %mul3A_574, %mul3A_572 : vector<128x512xf32>
    %add3A_576 = arith.addf %add3A_564, %mul3A_575 : vector<128x512xf32>
    %get3A_577 = arith.constant 7 : index
    %get3A_578 = arith.constant 0 : index
    %get3A_579 = arith.constant 0 : index
    %get3A_580 = vector.load %arg2[%get3A_577, %get3A_578, %get3A_579] : memref<32x128x512xf32, #tpu.memory_space<vmem>>, vector<1x128x512xf32>
    %get3A_581 = vector.shape_cast %get3A_580 : vector<1x128x512xf32> to vector<128x512xf32>
    %slice3A_582 = vector.extract_strided_slice %div3A_20 {offsets = [0, 7], sizes = [128, 1], strides = [1, 1]} : vector<128x32xf32> to vector<128x1xf32>
    %mul3A_583 = vector.broadcast %slice3A_582 : vector<128x1xf32> to vector<128x512xf32>
    %mul3A_584 = arith.mulf %get3A_581, %mul3A_583 : vector<128x512xf32>
    %slice3A_585 = vector.extract_strided_slice %div3A_490 {offsets = [0, 7], sizes = [128, 1], strides = [1, 1]} : vector<128x32xf32> to vector<128x1xf32>
    %mul3A_586 = vector.broadcast %slice3A_585 : vector<128x1xf32> to vector<128x512xf32>
    %mul3A_587 = arith.mulf %mul3A_586, %mul3A_584 : vector<128x512xf32>
    %add3A_588 = arith.addf %add3A_576, %mul3A_587 : vector<128x512xf32>
    %get3A_589 = arith.constant 8 : index
    %get3A_590 = arith.constant 0 : index
    %get3A_591 = arith.constant 0 : index
    %get3A_592 = vector.load %arg2[%get3A_589, %get3A_590, %get3A_591] : memref<32x128x512xf32, #tpu.memory_space<vmem>>, vector<1x128x512xf32>
    %get3A_593 = vector.shape_cast %get3A_592 : vector<1x128x512xf32> to vector<128x512xf32>
    %slice3A_594 = vector.extract_strided_slice %div3A_20 {offsets = [0, 8], sizes = [128, 1], strides = [1, 1]} : vector<128x32xf32> to vector<128x1xf32>
    %mul3A_595 = vector.broadcast %slice3A_594 : vector<128x1xf32> to vector<128x512xf32>
    %mul3A_596 = arith.mulf %get3A_593, %mul3A_595 : vector<128x512xf32>
    %slice3A_597 = vector.extract_strided_slice %div3A_490 {offsets = [0, 8], sizes = [128, 1], strides = [1, 1]} : vector<128x32xf32> to vector<128x1xf32>
    %mul3A_598 = vector.broadcast %slice3A_597 : vector<128x1xf32> to vector<128x512xf32>
    %mul3A_599 = arith.mulf %mul3A_598, %mul3A_596 : vector<128x512xf32>
    %add3A_600 = arith.addf %add3A_588, %mul3A_599 : vector<128x512xf32>
    %get3A_601 = arith.constant 9 : index
    %get3A_602 = arith.constant 0 : index
    %get3A_603 = arith.constant 0 : index
    %get3A_604 = vector.load %arg2[%get3A_601, %get3A_602, %get3A_603] : memref<32x128x512xf32, #tpu.memory_space<vmem>>, vector<1x128x512xf32>
    %get3A_605 = vector.shape_cast %get3A_604 : vector<1x128x512xf32> to vector<128x512xf32>
    %slice3A_606 = vector.extract_strided_slice %div3A_20 {offsets = [0, 9], sizes = [128, 1], strides = [1, 1]} : vector<128x32xf32> to vector<128x1xf32>
    %mul3A_607 = vector.broadcast %slice3A_606 : vector<128x1xf32> to vector<128x512xf32>
    %mul3A_608 = arith.mulf %get3A_605, %mul3A_607 : vector<128x512xf32>
    %slice3A_609 = vector.extract_strided_slice %div3A_490 {offsets = [0, 9], sizes = [128, 1], strides = [1, 1]} : vector<128x32xf32> to vector<128x1xf32>
    %mul3A_610 = vector.broadcast %slice3A_609 : vector<128x1xf32> to vector<128x512xf32>
    %mul3A_611 = arith.mulf %mul3A_610, %mul3A_608 : vector<128x512xf32>
    %add3A_612 = arith.addf %add3A_600, %mul3A_611 : vector<128x512xf32>
    %get3A_613 = arith.constant 10 : index
    %get3A_614 = arith.constant 0 : index
    %get3A_615 = arith.constant 0 : index
    %get3A_616 = vector.load %arg2[%get3A_613, %get3A_614, %get3A_615] : memref<32x128x512xf32, #tpu.memory_space<vmem>>, vector<1x128x512xf32>
    %get3A_617 = vector.shape_cast %get3A_616 : vector<1x128x512xf32> to vector<128x512xf32>
    %slice3A_618 = vector.extract_strided_slice %div3A_20 {offsets = [0, 10], sizes = [128, 1], strides = [1, 1]} : vector<128x32xf32> to vector<128x1xf32>
    %mul3A_619 = vector.broadcast %slice3A_618 : vector<128x1xf32> to vector<128x512xf32>
    %mul3A_620 = arith.mulf %get3A_617, %mul3A_619 : vector<128x512xf32>
    %slice3A_621 = vector.extract_strided_slice %div3A_490 {offsets = [0, 10], sizes = [128, 1], strides = [1, 1]} : vector<128x32xf32> to vector<128x1xf32>
    %mul3A_622 = vector.broadcast %slice3A_621 : vector<128x1xf32> to vector<128x512xf32>
    %mul3A_623 = arith.mulf %mul3A_622, %mul3A_620 : vector<128x512xf32>
    %add3A_624 = arith.addf %add3A_612, %mul3A_623 : vector<128x512xf32>
    %get3A_625 = arith.constant 11 : index
    %get3A_626 = arith.constant 0 : index
    %get3A_627 = arith.constant 0 : index
    %get3A_628 = vector.load %arg2[%get3A_625, %get3A_626, %get3A_627] : memref<32x128x512xf32, #tpu.memory_space<vmem>>, vector<1x128x512xf32>
    %get3A_629 = vector.shape_cast %get3A_628 : vector<1x128x512xf32> to vector<128x512xf32>
    %slice3A_630 = vector.extract_strided_slice %div3A_20 {offsets = [0, 11], sizes = [128, 1], strides = [1, 1]} : vector<128x32xf32> to vector<128x1xf32>
    %mul3A_631 = vector.broadcast %slice3A_630 : vector<128x1xf32> to vector<128x512xf32>
    %mul3A_632 = arith.mulf %get3A_629, %mul3A_631 : vector<128x512xf32>
    %slice3A_633 = vector.extract_strided_slice %div3A_490 {offsets = [0, 11], sizes = [128, 1], strides = [1, 1]} : vector<128x32xf32> to vector<128x1xf32>
    %mul3A_634 = vector.broadcast %slice3A_633 : vector<128x1xf32> to vector<128x512xf32>
    %mul3A_635 = arith.mulf %mul3A_634, %mul3A_632 : vector<128x512xf32>
    %add3A_636 = arith.addf %add3A_624, %mul3A_635 : vector<128x512xf32>
    %get3A_637 = arith.constant 12 : index
    %get3A_638 = arith.constant 0 : index
    %get3A_639 = arith.constant 0 : index
    %get3A_640 = vector.load %arg2[%get3A_637, %get3A_638, %get3A_639] : memref<32x128x512xf32, #tpu.memory_space<vmem>>, vector<1x128x512xf32>
    %get3A_641 = vector.shape_cast %get3A_640 : vector<1x128x512xf32> to vector<128x512xf32>
    %slice3A_642 = vector.extract_strided_slice %div3A_20 {offsets = [0, 12], sizes = [128, 1], strides = [1, 1]} : vector<128x32xf32> to vector<128x1xf32>
    %mul3A_643 = vector.broadcast %slice3A_642 : vector<128x1xf32> to vector<128x512xf32>
    %mul3A_644 = arith.mulf %get3A_641, %mul3A_643 : vector<128x512xf32>
    %slice3A_645 = vector.extract_strided_slice %div3A_490 {offsets = [0, 12], sizes = [128, 1], strides = [1, 1]} : vector<128x32xf32> to vector<128x1xf32>
    %mul3A_646 = vector.broadcast %slice3A_645 : vector<128x1xf32> to vector<128x512xf32>
    %mul3A_647 = arith.mulf %mul3A_646, %mul3A_644 : vector<128x512xf32>
    %add3A_648 = arith.addf %add3A_636, %mul3A_647 : vector<128x512xf32>
    %get3A_649 = arith.constant 13 : index
    %get3A_650 = arith.constant 0 : index
    %get3A_651 = arith.constant 0 : index
    %get3A_652 = vector.load %arg2[%get3A_649, %get3A_650, %get3A_651] : memref<32x128x512xf32, #tpu.memory_space<vmem>>, vector<1x128x512xf32>
    %get3A_653 = vector.shape_cast %get3A_652 : vector<1x128x512xf32> to vector<128x512xf32>
    %slice3A_654 = vector.extract_strided_slice %div3A_20 {offsets = [0, 13], sizes = [128, 1], strides = [1, 1]} : vector<128x32xf32> to vector<128x1xf32>
    %mul3A_655 = vector.broadcast %slice3A_654 : vector<128x1xf32> to vector<128x512xf32>
    %mul3A_656 = arith.mulf %get3A_653, %mul3A_655 : vector<128x512xf32>
    %slice3A_657 = vector.extract_strided_slice %div3A_490 {offsets = [0, 13], sizes = [128, 1], strides = [1, 1]} : vector<128x32xf32> to vector<128x1xf32>
    %mul3A_658 = vector.broadcast %slice3A_657 : vector<128x1xf32> to vector<128x512xf32>
    %mul3A_659 = arith.mulf %mul3A_658, %mul3A_656 : vector<128x512xf32>
    %add3A_660 = arith.addf %add3A_648, %mul3A_659 : vector<128x512xf32>
    %get3A_661 = arith.constant 14 : index
    %get3A_662 = arith.constant 0 : index
    %get3A_663 = arith.constant 0 : index
    %get3A_664 = vector.load %arg2[%get3A_661, %get3A_662, %get3A_663] : memref<32x128x512xf32, #tpu.memory_space<vmem>>, vector<1x128x512xf32>
    %get3A_665 = vector.shape_cast %get3A_664 : vector<1x128x512xf32> to vector<128x512xf32>
    %slice3A_666 = vector.extract_strided_slice %div3A_20 {offsets = [0, 14], sizes = [128, 1], strides = [1, 1]} : vector<128x32xf32> to vector<128x1xf32>
    %mul3A_667 = vector.broadcast %slice3A_666 : vector<128x1xf32> to vector<128x512xf32>
    %mul3A_668 = arith.mulf %get3A_665, %mul3A_667 : vector<128x512xf32>
    %slice3A_669 = vector.extract_strided_slice %div3A_490 {offsets = [0, 14], sizes = [128, 1], strides = [1, 1]} : vector<128x32xf32> to vector<128x1xf32>
    %mul3A_670 = vector.broadcast %slice3A_669 : vector<128x1xf32> to vector<128x512xf32>
    %mul3A_671 = arith.mulf %mul3A_670, %mul3A_668 : vector<128x512xf32>
    %add3A_672 = arith.addf %add3A_660, %mul3A_671 : vector<128x512xf32>
    %get3A_673 = arith.constant 15 : index
    %get3A_674 = arith.constant 0 : index
    %get3A_675 = arith.constant 0 : index
    %get3A_676 = vector.load %arg2[%get3A_673, %get3A_674, %get3A_675] : memref<32x128x512xf32, #tpu.memory_space<vmem>>, vector<1x128x512xf32>
    %get3A_677 = vector.shape_cast %get3A_676 : vector<1x128x512xf32> to vector<128x512xf32>
    %slice3A_678 = vector.extract_strided_slice %div3A_20 {offsets = [0, 15], sizes = [128, 1], strides = [1, 1]} : vector<128x32xf32> to vector<128x1xf32>
    %mul3A_679 = vector.broadcast %slice3A_678 : vector<128x1xf32> to vector<128x512xf32>
    %mul3A_680 = arith.mulf %get3A_677, %mul3A_679 : vector<128x512xf32>
    %slice3A_681 = vector.extract_strided_slice %div3A_490 {offsets = [0, 15], sizes = [128, 1], strides = [1, 1]} : vector<128x32xf32> to vector<128x1xf32>
    %mul3A_682 = vector.broadcast %slice3A_681 : vector<128x1xf32> to vector<128x512xf32>
    %mul3A_683 = arith.mulf %mul3A_682, %mul3A_680 : vector<128x512xf32>
    %add3A_684 = arith.addf %add3A_672, %mul3A_683 : vector<128x512xf32>
    %get3A_685 = arith.constant 16 : index
    %get3A_686 = arith.constant 0 : index
    %get3A_687 = arith.constant 0 : index
    %get3A_688 = vector.load %arg2[%get3A_685, %get3A_686, %get3A_687] : memref<32x128x512xf32, #tpu.memory_space<vmem>>, vector<1x128x512xf32>
    %get3A_689 = vector.shape_cast %get3A_688 : vector<1x128x512xf32> to vector<128x512xf32>
    %slice3A_690 = vector.extract_strided_slice %div3A_20 {offsets = [0, 16], sizes = [128, 1], strides = [1, 1]} : vector<128x32xf32> to vector<128x1xf32>
    %mul3A_691 = vector.broadcast %slice3A_690 : vector<128x1xf32> to vector<128x512xf32>
    %mul3A_692 = arith.mulf %get3A_689, %mul3A_691 : vector<128x512xf32>
    %slice3A_693 = vector.extract_strided_slice %div3A_490 {offsets = [0, 16], sizes = [128, 1], strides = [1, 1]} : vector<128x32xf32> to vector<128x1xf32>
    %mul3A_694 = vector.broadcast %slice3A_693 : vector<128x1xf32> to vector<128x512xf32>
    %mul3A_695 = arith.mulf %mul3A_694, %mul3A_692 : vector<128x512xf32>
    %add3A_696 = arith.addf %add3A_684, %mul3A_695 : vector<128x512xf32>
    %get3A_697 = arith.constant 17 : index
    %get3A_698 = arith.constant 0 : index
    %get3A_699 = arith.constant 0 : index
    %get3A_700 = vector.load %arg2[%get3A_697, %get3A_698, %get3A_699] : memref<32x128x512xf32, #tpu.memory_space<vmem>>, vector<1x128x512xf32>
    %get3A_701 = vector.shape_cast %get3A_700 : vector<1x128x512xf32> to vector<128x512xf32>
    %slice3A_702 = vector.extract_strided_slice %div3A_20 {offsets = [0, 17], sizes = [128, 1], strides = [1, 1]} : vector<128x32xf32> to vector<128x1xf32>
    %mul3A_703 = vector.broadcast %slice3A_702 : vector<128x1xf32> to vector<128x512xf32>
    %mul3A_704 = arith.mulf %get3A_701, %mul3A_703 : vector<128x512xf32>
    %slice3A_705 = vector.extract_strided_slice %div3A_490 {offsets = [0, 17], sizes = [128, 1], strides = [1, 1]} : vector<128x32xf32> to vector<128x1xf32>
    %mul3A_706 = vector.broadcast %slice3A_705 : vector<128x1xf32> to vector<128x512xf32>
    %mul3A_707 = arith.mulf %mul3A_706, %mul3A_704 : vector<128x512xf32>
    %add3A_708 = arith.addf %add3A_696, %mul3A_707 : vector<128x512xf32>
    %get3A_709 = arith.constant 18 : index
    %get3A_710 = arith.constant 0 : index
    %get3A_711 = arith.constant 0 : index
    %get3A_712 = vector.load %arg2[%get3A_709, %get3A_710, %get3A_711] : memref<32x128x512xf32, #tpu.memory_space<vmem>>, vector<1x128x512xf32>
    %get3A_713 = vector.shape_cast %get3A_712 : vector<1x128x512xf32> to vector<128x512xf32>
    %slice3A_714 = vector.extract_strided_slice %div3A_20 {offsets = [0, 18], sizes = [128, 1], strides = [1, 1]} : vector<128x32xf32> to vector<128x1xf32>
    %mul3A_715 = vector.broadcast %slice3A_714 : vector<128x1xf32> to vector<128x512xf32>
    %mul3A_716 = arith.mulf %get3A_713, %mul3A_715 : vector<128x512xf32>
    %slice3A_717 = vector.extract_strided_slice %div3A_490 {offsets = [0, 18], sizes = [128, 1], strides = [1, 1]} : vector<128x32xf32> to vector<128x1xf32>
    %mul3A_718 = vector.broadcast %slice3A_717 : vector<128x1xf32> to vector<128x512xf32>
    %mul3A_719 = arith.mulf %mul3A_718, %mul3A_716 : vector<128x512xf32>
    %add3A_720 = arith.addf %add3A_708, %mul3A_719 : vector<128x512xf32>
    %get3A_721 = arith.constant 19 : index
    %get3A_722 = arith.constant 0 : index
    %get3A_723 = arith.constant 0 : index
    %get3A_724 = vector.load %arg2[%get3A_721, %get3A_722, %get3A_723] : memref<32x128x512xf32, #tpu.memory_space<vmem>>, vector<1x128x512xf32>
    %get3A_725 = vector.shape_cast %get3A_724 : vector<1x128x512xf32> to vector<128x512xf32>
    %slice3A_726 = vector.extract_strided_slice %div3A_20 {offsets = [0, 19], sizes = [128, 1], strides = [1, 1]} : vector<128x32xf32> to vector<128x1xf32>
    %mul3A_727 = vector.broadcast %slice3A_726 : vector<128x1xf32> to vector<128x512xf32>
    %mul3A_728 = arith.mulf %get3A_725, %mul3A_727 : vector<128x512xf32>
    %slice3A_729 = vector.extract_strided_slice %div3A_490 {offsets = [0, 19], sizes = [128, 1], strides = [1, 1]} : vector<128x32xf32> to vector<128x1xf32>
    %mul3A_730 = vector.broadcast %slice3A_729 : vector<128x1xf32> to vector<128x512xf32>
    %mul3A_731 = arith.mulf %mul3A_730, %mul3A_728 : vector<128x512xf32>
    %add3A_732 = arith.addf %add3A_720, %mul3A_731 : vector<128x512xf32>
    %get3A_733 = arith.constant 20 : index
    %get3A_734 = arith.constant 0 : index
    %get3A_735 = arith.constant 0 : index
    %get3A_736 = vector.load %arg2[%get3A_733, %get3A_734, %get3A_735] : memref<32x128x512xf32, #tpu.memory_space<vmem>>, vector<1x128x512xf32>
    %get3A_737 = vector.shape_cast %get3A_736 : vector<1x128x512xf32> to vector<128x512xf32>
    %slice3A_738 = vector.extract_strided_slice %div3A_20 {offsets = [0, 20], sizes = [128, 1], strides = [1, 1]} : vector<128x32xf32> to vector<128x1xf32>
    %mul3A_739 = vector.broadcast %slice3A_738 : vector<128x1xf32> to vector<128x512xf32>
    %mul3A_740 = arith.mulf %get3A_737, %mul3A_739 : vector<128x512xf32>
    %slice3A_741 = vector.extract_strided_slice %div3A_490 {offsets = [0, 20], sizes = [128, 1], strides = [1, 1]} : vector<128x32xf32> to vector<128x1xf32>
    %mul3A_742 = vector.broadcast %slice3A_741 : vector<128x1xf32> to vector<128x512xf32>
    %mul3A_743 = arith.mulf %mul3A_742, %mul3A_740 : vector<128x512xf32>
    %add3A_744 = arith.addf %add3A_732, %mul3A_743 : vector<128x512xf32>
    %get3A_745 = arith.constant 21 : index
    %get3A_746 = arith.constant 0 : index
    %get3A_747 = arith.constant 0 : index
    %get3A_748 = vector.load %arg2[%get3A_745, %get3A_746, %get3A_747] : memref<32x128x512xf32, #tpu.memory_space<vmem>>, vector<1x128x512xf32>
    %get3A_749 = vector.shape_cast %get3A_748 : vector<1x128x512xf32> to vector<128x512xf32>
    %slice3A_750 = vector.extract_strided_slice %div3A_20 {offsets = [0, 21], sizes = [128, 1], strides = [1, 1]} : vector<128x32xf32> to vector<128x1xf32>
    %mul3A_751 = vector.broadcast %slice3A_750 : vector<128x1xf32> to vector<128x512xf32>
    %mul3A_752 = arith.mulf %get3A_749, %mul3A_751 : vector<128x512xf32>
    %slice3A_753 = vector.extract_strided_slice %div3A_490 {offsets = [0, 21], sizes = [128, 1], strides = [1, 1]} : vector<128x32xf32> to vector<128x1xf32>
    %mul3A_754 = vector.broadcast %slice3A_753 : vector<128x1xf32> to vector<128x512xf32>
    %mul3A_755 = arith.mulf %mul3A_754, %mul3A_752 : vector<128x512xf32>
    %add3A_756 = arith.addf %add3A_744, %mul3A_755 : vector<128x512xf32>
    %get3A_757 = arith.constant 22 : index
    %get3A_758 = arith.constant 0 : index
    %get3A_759 = arith.constant 0 : index
    %get3A_760 = vector.load %arg2[%get3A_757, %get3A_758, %get3A_759] : memref<32x128x512xf32, #tpu.memory_space<vmem>>, vector<1x128x512xf32>
    %get3A_761 = vector.shape_cast %get3A_760 : vector<1x128x512xf32> to vector<128x512xf32>
    %slice3A_762 = vector.extract_strided_slice %div3A_20 {offsets = [0, 22], sizes = [128, 1], strides = [1, 1]} : vector<128x32xf32> to vector<128x1xf32>
    %mul3A_763 = vector.broadcast %slice3A_762 : vector<128x1xf32> to vector<128x512xf32>
    %mul3A_764 = arith.mulf %get3A_761, %mul3A_763 : vector<128x512xf32>
    %slice3A_765 = vector.extract_strided_slice %div3A_490 {offsets = [0, 22], sizes = [128, 1], strides = [1, 1]} : vector<128x32xf32> to vector<128x1xf32>
    %mul3A_766 = vector.broadcast %slice3A_765 : vector<128x1xf32> to vector<128x512xf32>
    %mul3A_767 = arith.mulf %mul3A_766, %mul3A_764 : vector<128x512xf32>
    %add3A_768 = arith.addf %add3A_756, %mul3A_767 : vector<128x512xf32>
    %get3A_769 = arith.constant 23 : index
    %get3A_770 = arith.constant 0 : index
    %get3A_771 = arith.constant 0 : index
    %get3A_772 = vector.load %arg2[%get3A_769, %get3A_770, %get3A_771] : memref<32x128x512xf32, #tpu.memory_space<vmem>>, vector<1x128x512xf32>
    %get3A_773 = vector.shape_cast %get3A_772 : vector<1x128x512xf32> to vector<128x512xf32>
    %slice3A_774 = vector.extract_strided_slice %div3A_20 {offsets = [0, 23], sizes = [128, 1], strides = [1, 1]} : vector<128x32xf32> to vector<128x1xf32>
    %mul3A_775 = vector.broadcast %slice3A_774 : vector<128x1xf32> to vector<128x512xf32>
    %mul3A_776 = arith.mulf %get3A_773, %mul3A_775 : vector<128x512xf32>
    %slice3A_777 = vector.extract_strided_slice %div3A_490 {offsets = [0, 23], sizes = [128, 1], strides = [1, 1]} : vector<128x32xf32> to vector<128x1xf32>
    %mul3A_778 = vector.broadcast %slice3A_777 : vector<128x1xf32> to vector<128x512xf32>
    %mul3A_779 = arith.mulf %mul3A_778, %mul3A_776 : vector<128x512xf32>
    %add3A_780 = arith.addf %add3A_768, %mul3A_779 : vector<128x512xf32>
    %get3A_781 = arith.constant 24 : index
    %get3A_782 = arith.constant 0 : index
    %get3A_783 = arith.constant 0 : index
    %get3A_784 = vector.load %arg2[%get3A_781, %get3A_782, %get3A_783] : memref<32x128x512xf32, #tpu.memory_space<vmem>>, vector<1x128x512xf32>
    %get3A_785 = vector.shape_cast %get3A_784 : vector<1x128x512xf32> to vector<128x512xf32>
    %slice3A_786 = vector.extract_strided_slice %div3A_20 {offsets = [0, 24], sizes = [128, 1], strides = [1, 1]} : vector<128x32xf32> to vector<128x1xf32>
    %mul3A_787 = vector.broadcast %slice3A_786 : vector<128x1xf32> to vector<128x512xf32>
    %mul3A_788 = arith.mulf %get3A_785, %mul3A_787 : vector<128x512xf32>
    %slice3A_789 = vector.extract_strided_slice %div3A_490 {offsets = [0, 24], sizes = [128, 1], strides = [1, 1]} : vector<128x32xf32> to vector<128x1xf32>
    %mul3A_790 = vector.broadcast %slice3A_789 : vector<128x1xf32> to vector<128x512xf32>
    %mul3A_791 = arith.mulf %mul3A_790, %mul3A_788 : vector<128x512xf32>
    %add3A_792 = arith.addf %add3A_780, %mul3A_791 : vector<128x512xf32>
    %get3A_793 = arith.constant 25 : index
    %get3A_794 = arith.constant 0 : index
    %get3A_795 = arith.constant 0 : index
    %get3A_796 = vector.load %arg2[%get3A_793, %get3A_794, %get3A_795] : memref<32x128x512xf32, #tpu.memory_space<vmem>>, vector<1x128x512xf32>
    %get3A_797 = vector.shape_cast %get3A_796 : vector<1x128x512xf32> to vector<128x512xf32>
    %slice3A_798 = vector.extract_strided_slice %div3A_20 {offsets = [0, 25], sizes = [128, 1], strides = [1, 1]} : vector<128x32xf32> to vector<128x1xf32>
    %mul3A_799 = vector.broadcast %slice3A_798 : vector<128x1xf32> to vector<128x512xf32>
    %mul3A_800 = arith.mulf %get3A_797, %mul3A_799 : vector<128x512xf32>
    %slice3A_801 = vector.extract_strided_slice %div3A_490 {offsets = [0, 25], sizes = [128, 1], strides = [1, 1]} : vector<128x32xf32> to vector<128x1xf32>
    %mul3A_802 = vector.broadcast %slice3A_801 : vector<128x1xf32> to vector<128x512xf32>
    %mul3A_803 = arith.mulf %mul3A_802, %mul3A_800 : vector<128x512xf32>
    %add3A_804 = arith.addf %add3A_792, %mul3A_803 : vector<128x512xf32>
    %get3A_805 = arith.constant 26 : index
    %get3A_806 = arith.constant 0 : index
    %get3A_807 = arith.constant 0 : index
    %get3A_808 = vector.load %arg2[%get3A_805, %get3A_806, %get3A_807] : memref<32x128x512xf32, #tpu.memory_space<vmem>>, vector<1x128x512xf32>
    %get3A_809 = vector.shape_cast %get3A_808 : vector<1x128x512xf32> to vector<128x512xf32>
    %slice3A_810 = vector.extract_strided_slice %div3A_20 {offsets = [0, 26], sizes = [128, 1], strides = [1, 1]} : vector<128x32xf32> to vector<128x1xf32>
    %mul3A_811 = vector.broadcast %slice3A_810 : vector<128x1xf32> to vector<128x512xf32>
    %mul3A_812 = arith.mulf %get3A_809, %mul3A_811 : vector<128x512xf32>
    %slice3A_813 = vector.extract_strided_slice %div3A_490 {offsets = [0, 26], sizes = [128, 1], strides = [1, 1]} : vector<128x32xf32> to vector<128x1xf32>
    %mul3A_814 = vector.broadcast %slice3A_813 : vector<128x1xf32> to vector<128x512xf32>
    %mul3A_815 = arith.mulf %mul3A_814, %mul3A_812 : vector<128x512xf32>
    %add3A_816 = arith.addf %add3A_804, %mul3A_815 : vector<128x512xf32>
    %get3A_817 = arith.constant 27 : index
    %get3A_818 = arith.constant 0 : index
    %get3A_819 = arith.constant 0 : index
    %get3A_820 = vector.load %arg2[%get3A_817, %get3A_818, %get3A_819] : memref<32x128x512xf32, #tpu.memory_space<vmem>>, vector<1x128x512xf32>
    %get3A_821 = vector.shape_cast %get3A_820 : vector<1x128x512xf32> to vector<128x512xf32>
    %slice3A_822 = vector.extract_strided_slice %div3A_20 {offsets = [0, 27], sizes = [128, 1], strides = [1, 1]} : vector<128x32xf32> to vector<128x1xf32>
    %mul3A_823 = vector.broadcast %slice3A_822 : vector<128x1xf32> to vector<128x512xf32>
    %mul3A_824 = arith.mulf %get3A_821, %mul3A_823 : vector<128x512xf32>
    %slice3A_825 = vector.extract_strided_slice %div3A_490 {offsets = [0, 27], sizes = [128, 1], strides = [1, 1]} : vector<128x32xf32> to vector<128x1xf32>
    %mul3A_826 = vector.broadcast %slice3A_825 : vector<128x1xf32> to vector<128x512xf32>
    %mul3A_827 = arith.mulf %mul3A_826, %mul3A_824 : vector<128x512xf32>
    %add3A_828 = arith.addf %add3A_816, %mul3A_827 : vector<128x512xf32>
    %get3A_829 = arith.constant 28 : index
    %get3A_830 = arith.constant 0 : index
    %get3A_831 = arith.constant 0 : index
    %get3A_832 = vector.load %arg2[%get3A_829, %get3A_830, %get3A_831] : memref<32x128x512xf32, #tpu.memory_space<vmem>>, vector<1x128x512xf32>
    %get3A_833 = vector.shape_cast %get3A_832 : vector<1x128x512xf32> to vector<128x512xf32>
    %slice3A_834 = vector.extract_strided_slice %div3A_20 {offsets = [0, 28], sizes = [128, 1], strides = [1, 1]} : vector<128x32xf32> to vector<128x1xf32>
    %mul3A_835 = vector.broadcast %slice3A_834 : vector<128x1xf32> to vector<128x512xf32>
    %mul3A_836 = arith.mulf %get3A_833, %mul3A_835 : vector<128x512xf32>
    %slice3A_837 = vector.extract_strided_slice %div3A_490 {offsets = [0, 28], sizes = [128, 1], strides = [1, 1]} : vector<128x32xf32> to vector<128x1xf32>
    %mul3A_838 = vector.broadcast %slice3A_837 : vector<128x1xf32> to vector<128x512xf32>
    %mul3A_839 = arith.mulf %mul3A_838, %mul3A_836 : vector<128x512xf32>
    %add3A_840 = arith.addf %add3A_828, %mul3A_839 : vector<128x512xf32>
    %get3A_841 = arith.constant 29 : index
    %get3A_842 = arith.constant 0 : index
    %get3A_843 = arith.constant 0 : index
    %get3A_844 = vector.load %arg2[%get3A_841, %get3A_842, %get3A_843] : memref<32x128x512xf32, #tpu.memory_space<vmem>>, vector<1x128x512xf32>
    %get3A_845 = vector.shape_cast %get3A_844 : vector<1x128x512xf32> to vector<128x512xf32>
    %slice3A_846 = vector.extract_strided_slice %div3A_20 {offsets = [0, 29], sizes = [128, 1], strides = [1, 1]} : vector<128x32xf32> to vector<128x1xf32>
    %mul3A_847 = vector.broadcast %slice3A_846 : vector<128x1xf32> to vector<128x512xf32>
    %mul3A_848 = arith.mulf %get3A_845, %mul3A_847 : vector<128x512xf32>
    %slice3A_849 = vector.extract_strided_slice %div3A_490 {offsets = [0, 29], sizes = [128, 1], strides = [1, 1]} : vector<128x32xf32> to vector<128x1xf32>
    %mul3A_850 = vector.broadcast %slice3A_849 : vector<128x1xf32> to vector<128x512xf32>
    %mul3A_851 = arith.mulf %mul3A_850, %mul3A_848 : vector<128x512xf32>
    %add3A_852 = arith.addf %add3A_840, %mul3A_851 : vector<128x512xf32>
    %get3A_853 = arith.constant 30 : index
    %get3A_854 = arith.constant 0 : index
    %get3A_855 = arith.constant 0 : index
    %get3A_856 = vector.load %arg2[%get3A_853, %get3A_854, %get3A_855] : memref<32x128x512xf32, #tpu.memory_space<vmem>>, vector<1x128x512xf32>
    %get3A_857 = vector.shape_cast %get3A_856 : vector<1x128x512xf32> to vector<128x512xf32>
    %slice3A_858 = vector.extract_strided_slice %div3A_20 {offsets = [0, 30], sizes = [128, 1], strides = [1, 1]} : vector<128x32xf32> to vector<128x1xf32>
    %mul3A_859 = vector.broadcast %slice3A_858 : vector<128x1xf32> to vector<128x512xf32>
    %mul3A_860 = arith.mulf %get3A_857, %mul3A_859 : vector<128x512xf32>
    %slice3A_861 = vector.extract_strided_slice %div3A_490 {offsets = [0, 30], sizes = [128, 1], strides = [1, 1]} : vector<128x32xf32> to vector<128x1xf32>
    %mul3A_862 = vector.broadcast %slice3A_861 : vector<128x1xf32> to vector<128x512xf32>
    %mul3A_863 = arith.mulf %mul3A_862, %mul3A_860 : vector<128x512xf32>
    %add3A_864 = arith.addf %add3A_852, %mul3A_863 : vector<128x512xf32>
    %get3A_865 = arith.constant 31 : index
    %get3A_866 = arith.constant 0 : index
    %get3A_867 = arith.constant 0 : index
    %get3A_868 = vector.load %arg2[%get3A_865, %get3A_866, %get3A_867] : memref<32x128x512xf32, #tpu.memory_space<vmem>>, vector<1x128x512xf32>
    %get3A_869 = vector.shape_cast %get3A_868 : vector<1x128x512xf32> to vector<128x512xf32>
    %slice3A_870 = vector.extract_strided_slice %div3A_20 {offsets = [0, 31], sizes = [128, 1], strides = [1, 1]} : vector<128x32xf32> to vector<128x1xf32>
    %mul3A_871 = vector.broadcast %slice3A_870 : vector<128x1xf32> to vector<128x512xf32>
    %mul3A_872 = arith.mulf %get3A_869, %mul3A_871 : vector<128x512xf32>
    %slice3A_873 = vector.extract_strided_slice %div3A_490 {offsets = [0, 31], sizes = [128, 1], strides = [1, 1]} : vector<128x32xf32> to vector<128x1xf32>
    %mul3A_874 = vector.broadcast %slice3A_873 : vector<128x1xf32> to vector<128x512xf32>
    %mul3A_875 = arith.mulf %mul3A_874, %mul3A_872 : vector<128x512xf32>
    %add3A_876 = arith.addf %add3A_864, %mul3A_875 : vector<128x512xf32>
    %swap3A = arith.constant 0 : index
    %swap3A_877 = arith.constant 0 : index
    %swap3A_878 = vector.load %arg4[%swap3A, %swap3A_877] : memref<128x512xf32, #tpu.memory_space<vmem>>, vector<128x512xf32>
    tpu.vector_store %arg4[%swap3A, %swap3A_877], %add3A_876 {strides = array<i32>} : memref<128x512xf32, #tpu.memory_space<vmem>>, vector<128x512xf32>,
    return
  }
  func.func @transform_0(%arg0: i32) -> (i32, i32) {
    %c0_i32 = arith.constant 0 : i32
    %c0_i32_0 = arith.constant 0 : i32
    return %arg0, %c0_i32 : i32, i32
  }
  func.func @transform_1(%arg0: i32) -> (i32, i32, i32) {
    %c0_i32 = arith.constant 0 : i32
    %c0_i32_0 = arith.constant 0 : i32
    %c0_i32_1 = arith.constant 0 : i32
    return %c0_i32, %arg0, %c0_i32_0 : i32, i32, i32
  }
  func.func @transform_2(%arg0: i32) -> (i32, i32) {
    %c0_i32 = arith.constant 0 : i32
    %c0_i32_0 = arith.constant 0 : i32
    return %arg0, %c0_i32 : i32, i32
  }
  func.func @transform_3(%arg0: i32) -> (i32, i32) {
    %c0_i32 = arith.constant 0 : i32
    %c0_i32_0 = arith.constant 0 : i32
    return %arg0, %c0_i32 : i32, i32
  }
}

</mosaic_0001>

<sc_bundles>
// kernel: kernel.12.cloned.1.call-start
scs
__scs_entry_jumppad:
0x0: {  	(pc) =	sbr.rel $0x88, $3  }
0x1: {  	(tag) =	ssettag $0x0;
	lr =	simm.s32 $0x1  }
0x2: {  	[smem:$0x3F9B] =	sst lr;
	_ =	strace $0xD0000000  }
0x3: {  	_ = 	snop  }
0x4: {  	_ = 	snop  }
0x5: {  	_ = 	snop  }
0x6: {  	_ = 	snop  }
0x7: {  	_ = 	snop  }
__scs_overlays_trampoline_lowered:
0x8: {  	[smem:$0x3FAA] =	sst s0  }
0x9: {  	[smem:$0x3FAB] =	sst s1  }
0xa: {  	[smem:$0x3FAC] =	sst s2  }
0xb: {  	[smem:$0x3FAD] =	sst s3  }
0xc: {  	[smem:$0x3FAE] =	sst s4  }
0xd: {  	[smem:$0x3FAF] =	sst s5  }
0xe: {  	[smem:$0x3FB0] =	sst s6  }
0xf: {  	[smem:$0x3FB1] =	sst s7  }
0x10: {  	[smem:$0x3FB2] =	sst s8  }
0x11: {  	[smem:$0x3FB3] =	sst s9;
	s0 =	simm.s32 @!p0 $0x0  }
0x12: {  	s1 =	sld [smem:$0x3F99];
	s0 =	simm.s32 @p0 $0x1  }
0x13: {  	[smem:$0x3FB4] =	sst s0;
	s0 =	simm.s32 @!p1 $0x0  }
0x14: {  	s2 =	sld [smem:$0x3F98];
	s0 =	simm.s32 @p1 $0x1  }
0x15: {  	[smem:$0x3FB5] =	sst s0;
	s0 =	simm.s32 @!p2 $0x0  }
0x16: {  	s3 =	sld [smem:$0x3FDB];
	s0 =	simm.s32 @p2 $0x1  }
0x17: {  	s4 =	simm.s32 $0x1BF5;
	[smem:$0x3FB7] =	sst s0  }
0x18: {  	s0 =	sld [smem:$0x3F9A];
	_ =	swait.ge [sflag:s4], $0x0  }
0x19: {  	s7 =	sld [smem:$0x3F9B]  }
0x1a: {  	s8 =	sadd.s32 $0xFFFFE003, lr  }
0x1b: {  	s9 =	sadd.s32 $0xFFFFFEF7, lr;
	s5 =	simm.s32 $0xFFFFFFFF;
	p2 =	slt.u32 s8, $0xFFFFF086  }
0x1c: {  	p1 =	slt.u32 s9, $0xF7A;
	s5 =	simm.s32 @!p2 $0x0  }
0x1d: {  	s5 =	simm.s32 @p1 $0x1;
	p0 =	seq.s32 s7, s2  }
0x1e: {  	s7 =	smul.u32 @!p0 $0xF7A, s2;
	p2 =	seq.s32 @!p0 s5, $0x0  }
0x1f: {  	s9 =	smul.u32 $0xF7A, s1;
	s8 =	simm.s32 @!p0 $0x1BF5;
	p2 =	por !p2, p0  }
0x20: {  	[sflag:s8] =	ssyncset.s32 @!p0 $0xFFFFF086;
	s6 =	sadd.s32 @!p0 s3, s7;
	s7 =	simm.s32 @!p0 $0x108  }
0x21: {  	s3 =	sadd.s32 s3, s9;
	s6 =	sadd.s32 @!p0 $0x88, s6;
	s7 =	simm.s32 @p2 $0x1082  }
0x22: {  	[simem:s7], [sflag:s8] =	dma.local @!p0 [hbm:s6], $0xF7A  }
0x23: {  	s9 =	sor.u32 $0xD0000000, s2;
	s6 =	simm.s32 $0x108;
	_ =	swait.ge @!p0 [sflag:s8], $0x0  }
0x24: {  	s3 =	sadd.s32 $0x88, s3;
	s6 =	simm.s32 @!p1 $0x1082;
	[sflag:s4] =	ssyncset.s32 $0xFFFFF086  }
0x25: {  	[simem:s6], [sflag:s4] =	dma.local [hbm:s3], $0xF7A  }
0x26: {  	[smem:$0x3F9B] =	sst s1;
	(tag) =	ssettag s2;
	_ =	strace s9  }
0x27: {  	s1 =	sld [smem:$0x3FAB]  }
0x28: {  	s2 =	sld [smem:$0x3FAC]  }
0x29: {  	s4 =	sld [smem:$0x3FAE]  }
0x2a: {  	p0 =	seq.s32 s5, $0x0;
	s5 =	sld [smem:$0x3FAF]  }
0x2b: {  	s6 =	sld [smem:$0x3FB0]  }
0x2c: {  	s7 =	sld [smem:$0x3FB1]  }
0x2d: {  	s3 =	simm.s32 $0x108;
	s8 =	sld [smem:$0x3FB2]  }
0x2e: {  	s3 =	simm.s32 @!p0 $0x1082;
	s9 =	sld [smem:$0x3FB3]  }
0x2f: {  	lr =	sadd.s32 s0, s3;
	s0 =	sld [smem:$0x3FAA]  }
0x30: {  	s3 =	sld [smem:$0x3FAD]  }
0x31: {  	[smem:$0x3FB6] =	sst s10  }
0x32: {  	s10 =	sld [smem:$0x3FB4];
	_ =	sdelay $0x3  }
0x33: {  	p0 =	seq.s32 s10, $0x1;
	s10 =	sld [smem:$0x3FB6];
	_ =	sdelay $0x3  }
0x34: {  	[smem:$0x3FB6] =	sst s10  }
0x35: {  	s10 =	sld [smem:$0x3FB5];
	_ =	sdelay $0x3  }
0x36: {  	p1 =	seq.s32 s10, $0x1;
	s10 =	sld [smem:$0x3FB6];
	_ =	sdelay $0x3  }
0x37: {  	[smem:$0x3FB6] =	sst s10  }
0x38: {  	s10 =	sld [smem:$0x3FB7]  }
0x39: {  	_ = 	snop;
	(pc) =	sbr.ind lr, $3  }
0x3a: {  	_ = 	snop  }
0x3b: {  	_ = 	snop  }
0x3c: {  	p2 =	seq.s32 s10, $0x1;
	s10 =	sld [smem:$0x3FB6]  }
0x3d: {  	_ =	shalt  }
0x3e: {  	_ =	shalt  }
0x3f: {  	_ =	shalt  }
0x40: {  	_ =	shalt  }
0x41: {  	_ =	shalt  }
0x42: {  	_ =	shalt  }
0x43: {  	_ =	shalt  }
0x44: {  	_ =	shalt  }
0x45: {  	_ =	shalt  }
0x46: {  	_ =	shalt  }
0x47: {  	_ =	shalt  }
0x48: {  	_ =	shalt  }
0x49: {  	_ =	shalt  }
0x4a: {  	_ =	shalt  }
0x4b: {  	_ =	shalt  }
0x4c: {  	_ =	shalt  }
0x4d: {  	_ =	shalt  }
0x4e: {  	_ =	shalt  }
0x4f: {  	_ =	shalt  }
0x50: {  	_ =	shalt  }
0x51: {  	_ =	shalt  }
0x52: {  	_ =	shalt  }
0x53: {  	_ =	shalt  }
0x54: {  	_ =	shalt  }
0x55: {  	_ =	shalt  }
0x56: {  	_ =	shalt  }
0x57: {  	_ =	shalt  }
0x58: {  	_ =	shalt  }
0x59: {  	_ =	shalt  }
0x5a: {  	_ =	shalt  }
0x5b: {  	_ =	shalt  }
0x5c: {  	_ =	shalt  }
0x5d: {  	_ =	shalt  }
0x5e: {  	_ =	shalt  }
0x5f: {  	_ =	shalt  }
0x60: {  	_ =	shalt  }
0x61: {  	_ =	shalt  }
0x62: {  	_ =	shalt  }
0x63: {  	_ =	shalt  }
0x64: {  	_ =	shalt  }
0x65: {  	_ =	shalt  }
0x66: {  	_ =	shalt  }
0x67: {  	_ =	shalt  }
0x68: {  	_ =	shalt  }
0x69: {  	_ =	shalt  }
0x6a: {  	_ =	shalt  }
0x6b: {  	_ =	shalt  }
0x6c: {  	_ =	shalt  }
0x6d: {  	_ =	shalt  }
0x6e: {  	_ =	shalt  }
0x6f: {  	_ =	shalt  }
0x70: {  	_ =	shalt  }
0x71: {  	_ =	shalt  }
0x72: {  	_ =	shalt  }
0x73: {  	_ =	shalt  }
0x74: {  	_ =	shalt  }
0x75: {  	_ =	shalt  }
0x76: {  	_ =	shalt  }
0x77: {  	_ =	shalt  }
0x78: {  	_ =	shalt  }
0x79: {  	_ =	shalt  }
0x7a: {  	_ =	shalt  }
0x7b: {  	_ =	shalt  }
0x7c: {  	_ =	shalt  }
0x7d: {  	_ =	shalt  }
0x7e: {  	_ =	shalt  }
0x7f: {  	_ =	shalt  }
0x80: {  	_ =	shalt  }
0x81: {  	_ =	shalt  }
0x82: {  	_ =	shalt  }
0x83: {  	_ =	shalt  }
0x84: {  	_ =	shalt  }
0x85: {  	_ =	shalt  }
0x86: {  	_ =	shalt  }
0x87: {  	_ =	shalt  }
.Lfunc_end0:
.L_simem_size_0:
called_computation.1_lowered:
.L_overlay_start_0:
0x88: {  	s2 =	sld [smem:$0x3FD9]  }
0x89: {  	s3 =	sld [smem:$0x3FFE];
	_ =	sdelay $0x1  }
0x8a: {  	s1 =	srdreg.scid  }
0x8b: {  	s0 =	sand.u32 $0x1, s1  }
0x8c: {  	s17 =	sshll.u32 s0, $0xA;
	s2 =	sadd.s32 s3, s2  }
0x8d: {  	s2 =	sadd.s32 s2, s17  }
0x8e: {  	[smem:$0x3FC2] =	sst s2  }
0x8f: {  	_ = 	snop  }
0x90: {  	s2 =	sld [smem:$0x3FD0];
	(tm) =	ssettm $0x1  }
0x91: {  	s18 =	sld [smem:$0x3FFB];
	_ =	sdelay $0x3  }
0x92: {  	_ =	strace s18  }
0x93: {  	s3 =	sld [smem:$0x3FFC];
	_ =	sdelay $0x3  }
0x94: {  	_ =	strace s3  }
0x95: {  	s3 =	sld [smem:$0x3FFD];
	_ =	sdelay $0x3  }
0x96: {  	_ =	strace s3  }
0x97: {  	_ =	strace $0x8FFFFFFF  }
0x98: {  	s19 =	sld [smem:$0x3FDB];
	_ =	sdelay $0x1  }
0x99: {  	s4 =	simm.s32 $_scs_section_size  }
0x9a: {  	s5 =	simm.s32 $_size__tile_overlayer_lowered;
	s6 =	simm.s32 $_tile_overlayer_lowered  }
0x9b: {  	s22 =	simm.s32 $0x1BFF;
	s21 =	sshll.u32 s6, $0x1;
	s3 =	sadd.s32 s4, s19  }
0x9c: {  	s7 =	simm.s32 $0x0;
	s20 =	sshll.u32 s5, $0x1;
	s5 =	sadd.s32 s21, s3  }
0x9d: {  	[timem:s7], [sflag:s22] =	dma.local [hbm:s5], s20  }
0x9e: {  	_ =	swait.ge [sflag:s22], s20  }
0x9f: {  	s4 =	ssub.s32 $0x0, s20;
	[sflag:s22] =	ssyncset.done $0x0  }
0xa0: {  	[sflag:s22] =	ssyncadd.s32 s4;
	_ =	sdelay $0x1  }
0xa1: {  	s23 =	simm.s32 $0x1B8B  }
0xa2: {  	_ =	swait.ge [sflag:s23], $0x1  }
0xa3: {  	[sflag:s23] =	ssyncset.done $0x0  }
0xa4: {  	s25 =	simm.s32 $0x1B8E;
	s24 =	sld [smem:$0x3FFE];
	[sflag:s23] =	ssyncadd.s32 $0xFFFFFFFF  }
0xa5: {  	s26 =	simm.s32 $execute0_lowered;
	[smem:$0x3FD2] =	sst s25  }
0xa6: {  	s5 =	sshll.u32 s26, $0x1;
	_ =	strace $0x80000049;
	[dreg:$0x1] =	wrdreg $0xFFFFFFFF  }
0xa7: {  	s28 =	simm.s32 $_size_execute0_lowered;
	s3 =	sadd.s32 s3, s5;
	[dreg:$0x0] =	wrdreg $0x0  }
0xa8: {  	s5 =	sshll.u32 s28, $0x1;
	[dreg:$0x2] =	wrdreg s3  }
0xa9: {  	[dreg:$0x3] =	wrdreg s5  }
0xaa: {  	[dreg:$0x4] =	wrdreg $0xC0  }
0xab: {  	_ =	task [dreg:s7], $0x5FFFF  }
0xac: {  	[dreg:$0x1] =	wrdreg $0xFFFFFFFF  }
0xad: {  	[dreg:$0x0] =	wrdreg $0x60  }
0xae: {  	[dreg:$0x2] =	wrdreg s24  }
0xaf: {  	[dreg:$0x3] =	wrdreg s2  }
0xb0: {  	[dreg:$0x4] =	wrdreg $0x9  }
0xb1: {  	_ =	task.clear_ibuf [dreg:s7], $0x5FFFF;
	_ =	strace $0x90000049  }
0xb2: {  	s29 =	simm.s32 $0x9;
	_ =	strace $0x8000004B  }
0xb3: {  	_ =	swait.ge [sflag:s29], $0x1  }
0xb4: {  	[sflag:s29] =	ssyncadd.s32 $0xFFFFFFFF  }
0xb5: {  	_ =	strace $0x9000004B  }
0xb6: {  	_ =	sfence  }
0xb7: {  	s30 =	sld [smem:$0x0];
	_ =	sdelay $0x2  }
0xb8: {  	s31 =	sshll.u32 s1, $0xD;
	s1 =	sshrl.u32 s1, $0x2  }
0xb9: {  	s3 =	sand.u32 $0x4000, s31;
	s1 =	sadd.s32 s1, s30  }
0xba: {  	s0 =	sor.u32 s3, s0;
	s1 =	sshll.u32 s1, $0x11  }
0xbb: {  	s0 =	sor.u32 s1, s0  }
0xbc: {  	s0 =	sadd.s32 $0x8F2B, s0  }
0xbd: {  	[sflag:s0] =	ssyncadd.remote.s32 $0x1  }
0xbe: {  	_ =	sfence.sel $0xFFFF  }
0xbf: {  	[dreg:$0x0] =	wrdreg $0xFFFFFFFF;
	(pc) =	sbr.abs _section_cstart, $3  }
0xc0: {  	[dreg:$0x1] =	wrdreg $0xFFFFFFFF  }
0xc1: {  	_ =	task.clear_ibuf [dreg:s7], $0x2FFFF;
	_ =	strace $0x9FFFFFFF  }
0xc2: {  	(tm) =	ssettm $0x7FFFFFFF  }
0xc3: {  	_ =	shalt  }
tec
execute0_lowered:
.L_overlay_start_1:
0x0: {  	(tag) =	ssettag $0x1  }
0x1: {  	s4 =	rddreg [dreg:$0x0]  }
0x2: {  	s5 =	rddreg [dreg:$0x1]  }
0x3: {  	s0 =	rddreg [dreg:$0x2];
	s1 =	simm.s32 $0x0  }
0x4: {  	s6 =	srdreg.scid;
	s2 =	stileid.u32;
	s11 =	simm.s32 $0x4000  }
0x5: {  	s12 =	simm.s32 $0x8000;
	s13 =	simm.s32 $0x1;
	s14 =	simm.s32 $0x2  }
0x6: {  	s15 =	simm.s32 $0x3;
	s16 =	simm.s32 $0x4;
	s17 =	simm.s32 $0x0  }
0x7: {  	[smem:$0x7FF] =	sst s1;
	s3 =	sadd.s32 $0x43000, s4;
	s6 =	sand.u32 $0x1, s6  }
0x8: {  	s8 =	sshll.u32 s2, $0xF;
	s10 =	sadd.s32 $0xA3600, s4;
	s30 =	sshll.u32 s2, $0x13  }
0x9: {  	_ =	strace $0x8000004A;
	s7 =	ssub.s32 $0x2, s6;
	s9 =	sshll.u32 s6, $0xE  }
0xa: {  	s31 =	sshll.u32 s6, $0x12;
	s28 =	sshrl.u32 s7, $0x1;
	s8 =	sor.u32 s9, s8  }
0xb: {  	s9 =	sadd.s32 s30, s10;
	s29 =	sshrl.u32 s8, $0x3;
	s8 =	sshll.u32 s8, $0x4  }
0xc: {  	s7 =	ssub.s32 s7, s28;
	s4 =	sadd.s32 s5, s29;
	s8 =	sadd.s32 s10, s8  }
0xd: {  	s5 =	smax.u32 s7, $0x1;
	s10 =	simm.s32 $0x80;
	s6 =	sadd.s32 $0x3F000, s8  }
0xe: {  	s7 =	sadd.s32 $0x3F800, s8;
	s8 =	sadd.s32 s31, s9;
	s9 =	simm.s32 $0x5  }
.LBB2_1:
0xf: {  	[tilespmem:s1], [sflag:$0x5] =	stream.linear.gather [hbm4b:s4+s1], $0x4000, $0x38;
	[tilespmem:$0xC000] =	vst v63  }
0x10: {  	_ =	swait.ge [sflag:s9], $0x4000  }
0x11: {  	[sflag:s9] =	ssyncset.done $0x0  }
0x12: {  	[sflag:s9] =	ssyncadd.s32 $0xFFFFC000  }
0x13: {  	[tilespmem:s11], [sflag:$0x1] =	stream.indirect.gather [hbm4b:s3+s10], $0x80, s1, s10, $0xb8;
	[tilespmem:$0xC000] =	vst v63  }
0x14: {  	_ = 	snop  }
0x15: {  	[tilespmem:s12], [sflag:$0x2] =	stream.indirect.gather [hbm4b:s3+s10], $0x80, s10, s10, $0xb8;
	[tilespmem:$0xC000] =	vst v63  }
0x16: {  	_ =	swait.ge [sflag:s13], $0x4000  }
0x17: {  	[sflag:s13] =	ssyncset.done $0x0  }
0x18: {  	s18 =	sadd.s32 $0x0, s8;
	[sflag:s13] =	ssyncadd.s32 $0xFFFFC000  }
0x19: {  	[hbm4b:s18+s1] =	stream.linear.scatter [tilespmem:s11], [sflag:$0x3], $0x4000, $0x38;
	[tilespmem:$0xC000] =	vst v63  }
0x1a: {  	_ =	swait.ge [sflag:s14], $0x4000  }
0x1b: {  	[sflag:s14] =	ssyncset.done $0x0  }
0x1c: {  	s18 =	sadd.s32 $0x800, s18;
	[sflag:s14] =	ssyncadd.s32 $0xFFFFC000  }
0x1d: {  	[hbm4b:s18+s1] =	stream.linear.scatter [tilespmem:s12], [sflag:$0x4], $0x4000, $0x38;
	[tilespmem:$0xC000] =	vst v63  }
0x1e: {  	_ =	swait.ge [sflag:s15], $0x4000  }
0x1f: {  	[sflag:s15] =	ssyncset.done $0x0  }
0x20: {  	s31 =	simm.s32 $0x100;
	[sflag:s15] =	ssyncadd.s32 $0xFFFFC000  }
0x21: {  	[tilespmem:s11], [sflag:$0x1] =	stream.indirect.gather [hbm4b:s3+s10], $0x80, s31, s10, $0xb8;
	[tilespmem:$0xC000] =	vst v63  }
0x22: {  	_ =	swait.ge [sflag:s16], $0x4000  }
0x23: {  	s19 =	simm.s32 $0x1000;
	[sflag:s16] =	ssyncset.done $0x0  }
0x24: {  	s20 =	simm.s32 $0x280;
	s18 =	simm.s32 $0x180;
	[sflag:s16] =	ssyncadd.s32 $0xFFFFC000  }
.LBB2_2:
0x25: {  	[tilespmem:s12], [sflag:$0x2] =	stream.indirect.gather [hbm4b:s3+s10], $0x80, s18, s10, $0xb8;
	[tilespmem:$0xC000] =	vst v63  }
0x26: {  	s21 =	smov.u32 s19;
	s18 =	smov.u32 s20  }
0x27: {  	p0 =	sne.s32 s19, $0x3E000;
	s19 =	sadd.s32 $0x1000, s19;
	_ =	swait.ge [sflag:s13], $0x4000  }
0x28: {  	[sflag:s13] =	ssyncset.done $0x0  }
0x29: {  	s21 =	sadd.s32 s21, s8;
	[sflag:s13] =	ssyncadd.s32 $0xFFFFC000  }
0x2a: {  	[hbm4b:s21+s1] =	stream.linear.scatter [tilespmem:s11], [sflag:$0x3], $0x4000, $0x38;
	[tilespmem:$0xC000] =	vst v63  }
0x2b: {  	_ =	swait.ge [sflag:s14], $0x4000  }
0x2c: {  	[sflag:s14] =	ssyncset.done $0x0  }
0x2d: {  	s21 =	sadd.s32 $0x800, s21;
	[sflag:s14] =	ssyncadd.s32 $0xFFFFC000  }
0x2e: {  	[hbm4b:s21+s1] =	stream.linear.scatter [tilespmem:s12], [sflag:$0x4], $0x4000, $0x38;
	[tilespmem:$0xC000] =	vst v63  }
0x2f: {  	_ =	swait.ge [sflag:s15], $0x4000  }
0x30: {  	[sflag:s15] =	ssyncset.done $0x0  }
.Ltmp0:
0x31: {  	s21 =	sadd.s32 $0xFFFFFF80, s20;
	[sflag:s15] =	ssyncadd.s32 $0xFFFFC000;
	(pc) =	sbr.rel @p0 .LBB2_2-.Ltmp0, $4  }
0x32: {  	[tilespmem:s11], [sflag:$0x1] =	stream.indirect.gather [hbm4b:s3+s10], $0x80, s21, s10, $0xb8;
	[tilespmem:$0xC000] =	vst v63  }
0x33: {  	_ =	swait.ge [sflag:s16], $0x4000  }
0x34: {  	[sflag:s16] =	ssyncset.done $0x0  }
0x35: {  	s20 =	sadd.s32 $0x100, s20;
	[sflag:s16] =	ssyncadd.s32 $0xFFFFC000  }
0x36: {  	[tilespmem:s12], [sflag:$0x2] =	stream.indirect.gather [hbm4b:s3+s10], $0x80, s18, s10, $0xb8;
	[tilespmem:$0xC000] =	vst v63  }
0x37: {  	_ =	swait.ge [sflag:s13], $0x4000  }
0x38: {  	[sflag:s13] =	ssyncset.done $0x0  }
0x39: {  	[sflag:s13] =	ssyncadd.s32 $0xFFFFC000  }
0x3a: {  	[hbm4b:s6+s1] =	stream.linear.scatter [tilespmem:s11], [sflag:$0x3], $0x4000, $0x38;
	[tilespmem:$0xC000] =	vst v63  }
0x3b: {  	_ =	swait.ge [sflag:s14], $0x4000  }
0x3c: {  	[sflag:s14] =	ssyncset.done $0x0  }
0x3d: {  	s17 =	sadd.s32 $0x1, s17;
	[sflag:s14] =	ssyncadd.s32 $0xFFFFC000  }
0x3e: {  	[hbm4b:s7+s1] =	stream.linear.scatter [tilespmem:s12], [sflag:$0x4], $0x4000, $0x38;
	[tilespmem:$0xC000] =	vst v63  }
0x3f: {  	p0 =	sne.s32 s17, s5;
	_ =	swait.ge [sflag:s15], $0x4000  }
.Ltmp1:
0x40: {  	[sflag:s15] =	ssyncset.done $0x0;
	(pc) =	sbr.rel @p0 .LBB2_1-.Ltmp1, $4  }
0x41: {  	[sflag:s15] =	ssyncadd.s32 $0xFFFFC000  }
0x42: {  	_ =	swait.ge [sflag:s16], $0x4000  }
0x43: {  	[sflag:s16] =	ssyncset.done $0x0  }
0x44: {  	[sflag:s16] =	ssyncadd.s32 $0xFFFFC000  }
0x45: {  	_ =	sfence.sel $0x180000  }
0x46: {  	[bflag:$0x0] =	sbarrier.arrive $0xFFFF  }
0x47: {  	p0 =	sne.s32 s2, $0x0;
	_ =	strace $0x9000004A  }
0x48: {  	s0 =	sadd.s32 @!p0 $0x100000, s0;
	[bflag:$0x2] =	sbarrier.arrive $0xFFFF  }
0x49: {  	[sflag:s0] =	ssyncadd.tile.s32 @!p0 $0x1;
	_ =	shalt  }
.Lfunc_end2:
_tile_overlayer_lowered:
.L_overlay_start_2:
0x4a: {  	(tag) =	ssettag $0x2  }
0x4b: {  	s0 =	rddreg [dreg:$0x0];
	s2 =	stileid.u32  }
0x4c: {  	s1 =	rddreg [dreg:$0x1];
	p0 =	sne.s32 s2, $0x0  }
0x4d: {  	s3 =	rddreg [dreg:$0x2];
	[bflag:$0x3] =	sbarrier.arrive $0xFFFF;
	s2 =	simm.s32 @!p0 $0x1C05  }
0x4e: {  	[timem:s3], [sflag:s2] =	dma.local @!p0 [hbm:s0], s1  }
0x4f: {  	s0 =	simm.s32 @!p0 $0x5  }
0x50: {  	_ =	swait.ge @!p0 [sflag:s0], s1  }
0x51: {  	s1 =	ssub.s32 @!p0 $0x0, s1;
	[sflag:s0] =	ssyncset.done @!p0 $0x0  }
0x52: {  	[sflag:s0] =	ssyncadd.s32 @!p0 s1  }
0x53: {  	[bflag:$0x3] =	sbarrier.arrive $0xFFFF  }
0x54: {  	_ =	shalt  }

// kernel: kernel.9.cloned.1.call-start
scs
__scs_entry_jumppad:
0x0: {  	(pc) =	sbr.rel $0x88, $3  }
0x1: {  	(tag) =	ssettag $0x0;
	lr =	simm.s32 $0x1  }
0x2: {  	[smem:$0x3F9B] =	sst lr;
	_ =	strace $0xD0000000  }
0x3: {  	_ = 	snop  }
0x4: {  	_ = 	snop  }
0x5: {  	_ = 	snop  }
0x6: {  	_ = 	snop  }
0x7: {  	_ = 	snop  }
__scs_overlays_trampoline_lowered:
0x8: {  	[smem:$0x3FAA] =	sst s0  }
0x9: {  	[smem:$0x3FAB] =	sst s1  }
0xa: {  	[smem:$0x3FAC] =	sst s2  }
0xb: {  	[smem:$0x3FAD] =	sst s3  }
0xc: {  	[smem:$0x3FAE] =	sst s4  }
0xd: {  	[smem:$0x3FAF] =	sst s5  }
0xe: {  	[smem:$0x3FB0] =	sst s6  }
0xf: {  	[smem:$0x3FB1] =	sst s7  }
0x10: {  	[smem:$0x3FB2] =	sst s8  }
0x11: {  	[smem:$0x3FB3] =	sst s9;
	s0 =	simm.s32 @!p0 $0x0  }
0x12: {  	s1 =	sld [smem:$0x3F99];
	s0 =	simm.s32 @p0 $0x1  }
0x13: {  	[smem:$0x3FB4] =	sst s0;
	s0 =	simm.s32 @!p1 $0x0  }
0x14: {  	s2 =	sld [smem:$0x3F98];
	s0 =	simm.s32 @p1 $0x1  }
0x15: {  	[smem:$0x3FB5] =	sst s0;
	s0 =	simm.s32 @!p2 $0x0  }
0x16: {  	s3 =	sld [smem:$0x3FDB];
	s0 =	simm.s32 @p2 $0x1  }
0x17: {  	s4 =	simm.s32 $0x1BF5;
	[smem:$0x3FB7] =	sst s0  }
0x18: {  	s0 =	sld [smem:$0x3F9A];
	_ =	swait.ge [sflag:s4], $0x0  }
0x19: {  	s7 =	sld [smem:$0x3F9B]  }
0x1a: {  	s8 =	sadd.s32 $0xFFFFE003, lr  }
0x1b: {  	s9 =	sadd.s32 $0xFFFFFEF7, lr;
	s5 =	simm.s32 $0xFFFFFFFF;
	p2 =	slt.u32 s8, $0xFFFFF086  }
0x1c: {  	p1 =	slt.u32 s9, $0xF7A;
	s5 =	simm.s32 @!p2 $0x0  }
0x1d: {  	s5 =	simm.s32 @p1 $0x1;
	p0 =	seq.s32 s7, s2  }
0x1e: {  	s7 =	smul.u32 @!p0 $0xF7A, s2;
	p2 =	seq.s32 @!p0 s5, $0x0  }
0x1f: {  	s9 =	smul.u32 $0xF7A, s1;
	s8 =	simm.s32 @!p0 $0x1BF5;
	p2 =	por !p2, p0  }
0x20: {  	[sflag:s8] =	ssyncset.s32 @!p0 $0xFFFFF086;
	s6 =	sadd.s32 @!p0 s3, s7;
	s7 =	simm.s32 @!p0 $0x108  }
0x21: {  	s3 =	sadd.s32 s3, s9;
	s6 =	sadd.s32 @!p0 $0x88, s6;
	s7 =	simm.s32 @p2 $0x1082  }
0x22: {  	[simem:s7], [sflag:s8] =	dma.local @!p0 [hbm:s6], $0xF7A  }
0x23: {  	s9 =	sor.u32 $0xD0000000, s2;
	s6 =	simm.s32 $0x108;
	_ =	swait.ge @!p0 [sflag:s8], $0x0  }
0x24: {  	s3 =	sadd.s32 $0x88, s3;
	s6 =	simm.s32 @!p1 $0x1082;
	[sflag:s4] =	ssyncset.s32 $0xFFFFF086  }
0x25: {  	[simem:s6], [sflag:s4] =	dma.local [hbm:s3], $0xF7A  }
0x26: {  	[smem:$0x3F9B] =	sst s1;
	(tag) =	ssettag s2;
	_ =	strace s9  }
0x27: {  	s1 =	sld [smem:$0x3FAB]  }
0x28: {  	s2 =	sld [smem:$0x3FAC]  }
0x29: {  	s4 =	sld [smem:$0x3FAE]  }
0x2a: {  	p0 =	seq.s32 s5, $0x0;
	s5 =	sld [smem:$0x3FAF]  }
0x2b: {  	s6 =	sld [smem:$0x3FB0]  }
0x2c: {  	s7 =	sld [smem:$0x3FB1]  }
0x2d: {  	s3 =	simm.s32 $0x108;
	s8 =	sld [smem:$0x3FB2]  }
0x2e: {  	s3 =	simm.s32 @!p0 $0x1082;
	s9 =	sld [smem:$0x3FB3]  }
0x2f: {  	lr =	sadd.s32 s0, s3;
	s0 =	sld [smem:$0x3FAA]  }
0x30: {  	s3 =	sld [smem:$0x3FAD]  }
0x31: {  	[smem:$0x3FB6] =	sst s10  }
0x32: {  	s10 =	sld [smem:$0x3FB4];
	_ =	sdelay $0x3  }
0x33: {  	p0 =	seq.s32 s10, $0x1;
	s10 =	sld [smem:$0x3FB6];
	_ =	sdelay $0x3  }
0x34: {  	[smem:$0x3FB6] =	sst s10  }
0x35: {  	s10 =	sld [smem:$0x3FB5];
	_ =	sdelay $0x3  }
0x36: {  	p1 =	seq.s32 s10, $0x1;
	s10 =	sld [smem:$0x3FB6];
	_ =	sdelay $0x3  }
0x37: {  	[smem:$0x3FB6] =	sst s10  }
0x38: {  	s10 =	sld [smem:$0x3FB7]  }
0x39: {  	_ = 	snop;
	(pc) =	sbr.ind lr, $3  }
0x3a: {  	_ = 	snop  }
0x3b: {  	_ = 	snop  }
0x3c: {  	p2 =	seq.s32 s10, $0x1;
	s10 =	sld [smem:$0x3FB6]  }
0x3d: {  	_ =	shalt  }
0x3e: {  	_ =	shalt  }
0x3f: {  	_ =	shalt  }
0x40: {  	_ =	shalt  }
0x41: {  	_ =	shalt  }
0x42: {  	_ =	shalt  }
0x43: {  	_ =	shalt  }
0x44: {  	_ =	shalt  }
0x45: {  	_ =	shalt  }
0x46: {  	_ =	shalt  }
0x47: {  	_ =	shalt  }
0x48: {  	_ =	shalt  }
0x49: {  	_ =	shalt  }
0x4a: {  	_ =	shalt  }
0x4b: {  	_ =	shalt  }
0x4c: {  	_ =	shalt  }
0x4d: {  	_ =	shalt  }
0x4e: {  	_ =	shalt  }
0x4f: {  	_ =	shalt  }
0x50: {  	_ =	shalt  }
0x51: {  	_ =	shalt  }
0x52: {  	_ =	shalt  }
0x53: {  	_ =	shalt  }
0x54: {  	_ =	shalt  }
0x55: {  	_ =	shalt  }
0x56: {  	_ =	shalt  }
0x57: {  	_ =	shalt  }
0x58: {  	_ =	shalt  }
0x59: {  	_ =	shalt  }
0x5a: {  	_ =	shalt  }
0x5b: {  	_ =	shalt  }
0x5c: {  	_ =	shalt  }
0x5d: {  	_ =	shalt  }
0x5e: {  	_ =	shalt  }
0x5f: {  	_ =	shalt  }
0x60: {  	_ =	shalt  }
0x61: {  	_ =	shalt  }
0x62: {  	_ =	shalt  }
0x63: {  	_ =	shalt  }
0x64: {  	_ =	shalt  }
0x65: {  	_ =	shalt  }
0x66: {  	_ =	shalt  }
0x67: {  	_ =	shalt  }
0x68: {  	_ =	shalt  }
0x69: {  	_ =	shalt  }
0x6a: {  	_ =	shalt  }
0x6b: {  	_ =	shalt  }
0x6c: {  	_ =	shalt  }
0x6d: {  	_ =	shalt  }
0x6e: {  	_ =	shalt  }
0x6f: {  	_ =	shalt  }
0x70: {  	_ =	shalt  }
0x71: {  	_ =	shalt  }
0x72: {  	_ =	shalt  }
0x73: {  	_ =	shalt  }
0x74: {  	_ =	shalt  }
0x75: {  	_ =	shalt  }
0x76: {  	_ =	shalt  }
0x77: {  	_ =	shalt  }
0x78: {  	_ =	shalt  }
0x79: {  	_ =	shalt  }
0x7a: {  	_ =	shalt  }
0x7b: {  	_ =	shalt  }
0x7c: {  	_ =	shalt  }
0x7d: {  	_ =	shalt  }
0x7e: {  	_ =	shalt  }
0x7f: {  	_ =	shalt  }
0x80: {  	_ =	shalt  }
0x81: {  	_ =	shalt  }
0x82: {  	_ =	shalt  }
0x83: {  	_ =	shalt  }
0x84: {  	_ =	shalt  }
0x85: {  	_ =	shalt  }
0x86: {  	_ =	shalt  }
0x87: {  	_ =	shalt  }
.Lfunc_end0:
.L_simem_size_0:
called_computation_lowered:
.L_overlay_start_0:
0x88: {  	s2 =	sld [smem:$0x3FD9]  }
0x89: {  	s3 =	sld [smem:$0x3FFE];
	_ =	sdelay $0x1  }
0x8a: {  	s1 =	srdreg.scid  }
0x8b: {  	s0 =	sand.u32 $0x1, s1  }
0x8c: {  	s16 =	sshll.u32 s0, $0xA;
	s2 =	sadd.s32 s3, s2  }
0x8d: {  	s2 =	sadd.s32 s2, s16  }
0x8e: {  	[smem:$0x3FC2] =	sst s2  }
0x8f: {  	_ = 	snop  }
0x90: {  	(tm) =	ssettm $0x1  }
0x91: {  	s17 =	sld [smem:$0x3FFB];
	_ =	sdelay $0x3  }
0x92: {  	_ =	strace s17  }
0x93: {  	s2 =	sld [smem:$0x3FFC];
	_ =	sdelay $0x3  }
0x94: {  	_ =	strace s2  }
0x95: {  	s2 =	sld [smem:$0x3FFD];
	_ =	sdelay $0x3  }
0x96: {  	_ =	strace s2  }
0x97: {  	_ =	strace $0x8FFFFFFF  }
0x98: {  	s18 =	sld [smem:$0x3FDB];
	_ =	sdelay $0x1  }
0x99: {  	s19 =	simm.s32 $_scs_section_size  }
0x9a: {  	s4 =	simm.s32 $_size__tile_overlayer_lowered;
	s5 =	simm.s32 $_tile_overlayer_lowered  }
0x9b: {  	s22 =	simm.s32 $0x1BFF;
	s21 =	sshll.u32 s5, $0x1;
	s2 =	sadd.s32 s19, s18  }
0x9c: {  	s6 =	simm.s32 $0x0;
	s20 =	sshll.u32 s4, $0x1;
	s4 =	sadd.s32 s21, s2  }
0x9d: {  	[timem:s6], [sflag:s22] =	dma.local [hbm:s4], s20  }
0x9e: {  	_ =	swait.ge [sflag:s22], s20  }
0x9f: {  	s3 =	ssub.s32 $0x0, s20;
	[sflag:s22] =	ssyncset.done $0x0  }
0xa0: {  	[sflag:s22] =	ssyncadd.s32 s3;
	_ =	sdelay $0x1  }
0xa1: {  	s23 =	simm.s32 $0x1B8B  }
0xa2: {  	_ =	swait.ge [sflag:s23], $0x1  }
0xa3: {  	[sflag:s23] =	ssyncset.done $0x0  }
0xa4: {  	s25 =	simm.s32 $0x1B8E;
	s24 =	sld [smem:$0x3FFE];
	[sflag:s23] =	ssyncadd.s32 $0xFFFFFFFF  }
0xa5: {  	s26 =	simm.s32 $execute0_lowered;
	[smem:$0x3FD2] =	sst s25  }
0xa6: {  	s4 =	sshll.u32 s26, $0x1;
	_ =	strace $0x80000046;
	[dreg:$0x1] =	wrdreg $0xFFFFFFFF  }
0xa7: {  	s28 =	simm.s32 $_size_execute0_lowered;
	s2 =	sadd.s32 s2, s4;
	[dreg:$0x0] =	wrdreg $0x0  }
0xa8: {  	s4 =	sshll.u32 s28, $0x1;
	[dreg:$0x2] =	wrdreg s2  }
0xa9: {  	[dreg:$0x3] =	wrdreg s4  }
0xaa: {  	[dreg:$0x4] =	wrdreg $0xC0  }
0xab: {  	_ =	task [dreg:s6], $0x5FFFF  }
0xac: {  	[dreg:$0x1] =	wrdreg $0xFFFFFFFF  }
0xad: {  	[dreg:$0x0] =	wrdreg $0x60  }
0xae: {  	[dreg:$0x2] =	wrdreg s24  }
0xaf: {  	[dreg:$0x3] =	wrdreg $0x9  }
0xb0: {  	_ =	task.clear_ibuf [dreg:s6], $0x4FFFF;
	_ =	strace $0x90000046  }
0xb1: {  	s29 =	simm.s32 $0x9;
	_ =	strace $0x80000048  }
0xb2: {  	_ =	swait.ge [sflag:s29], $0x1  }
0xb3: {  	[sflag:s29] =	ssyncadd.s32 $0xFFFFFFFF  }
0xb4: {  	_ =	strace $0x90000048  }
0xb5: {  	_ =	sfence  }
0xb6: {  	s30 =	sld [smem:$0x0];
	_ =	sdelay $0x2  }
0xb7: {  	s31 =	sshll.u32 s1, $0xD;
	s1 =	sshrl.u32 s1, $0x2  }
0xb8: {  	s3 =	sand.u32 $0x4000, s31;
	s1 =	sadd.s32 s1, s30  }
0xb9: {  	s0 =	sor.u32 s3, s0;
	s1 =	sshll.u32 s1, $0x11  }
0xba: {  	s0 =	sor.u32 s1, s0  }
0xbb: {  	s0 =	sadd.s32 $0x8F2B, s0  }
0xbc: {  	[sflag:s0] =	ssyncadd.remote.s32 $0x1  }
0xbd: {  	_ =	sfence.sel $0xFFFF  }
0xbe: {  	[dreg:$0x0] =	wrdreg $0xFFFFFFFF;
	(pc) =	sbr.abs _section_cstart, $3  }
0xbf: {  	[dreg:$0x1] =	wrdreg $0xFFFFFFFF  }
0xc0: {  	_ =	task.clear_ibuf [dreg:s6], $0x2FFFF;
	_ =	strace $0x9FFFFFFF  }
0xc1: {  	(tm) =	ssettm $0x7FFFFFFF  }
tec
execute0_lowered:
.L_overlay_start_1:
0x0: {  	(tag) =	ssettag $0x1  }
0x1: {  	s1 =	srdreg.scid  }
0x2: {  	s0 =	stileid.u32;
	s5 =	sand.u32 $0x1, s1  }
0x3: {  	s30 =	sshll.u32 s0, $0x8;
	s2 =	sshll.u32 s5, $0x7  }
0x4: {  	s6 =	rddreg [dreg:$0x0];
	s7 =	sor.u32 s2, s30  }
0x5: {  	s1 =	rddreg [dreg:$0x1];
	s2 =	simm.s32 $0x0;
	s3 =	sshrl.u32 s7, $0x3  }
0x6: {  	[smem:$0x7FF] =	sst s2;
	s8 =	sadd.s32 s3, s6  }
0x7: {  	_ =	strace $0x80000047;
	s3 =	simm.s32 $0x2;
	s10 =	sadd.s32 $0x3400, s8  }
0x8: {  	[tilespmem:s2], [sflag:$0x2] =	stream.linear.gather [hbm4b:s10+s2], $0x80, $0x38;
	[tilespmem:$0x4200] =	vst v63  }
0x9: {  	_ =	swait.ge [sflag:s3], $0x80  }
0xa: {  	[sflag:s3] =	ssyncset.done $0x0  }
0xb: {  	s4 =	simm.s32 $0x80;
	s11 =	sadd.s32 $0x3200, s8;
	[sflag:s3] =	ssyncadd.s32 $0xFFFFFF80  }
0xc: {  	[tilespmem:s4], [sflag:$0x2] =	stream.linear.gather [hbm4b:s11+s2], $0x80, $0x38;
	[tilespmem:$0x4200] =	vst v63  }
0xd: {  	_ =	swait.ge [sflag:s3], $0x80  }
0xe: {  	[sflag:s3] =	ssyncset.done $0x0  }
0xf: {  	s13 =	simm.s32 $0x100;
	s12 =	sadd.s32 $0x3000, s8;
	[sflag:s3] =	ssyncadd.s32 $0xFFFFFF80  }
0x10: {  	[tilespmem:s13], [sflag:$0x2] =	stream.linear.gather [hbm4b:s12+s2], $0x80, $0x38;
	[tilespmem:$0x4200] =	vst v63  }
0x11: {  	_ =	swait.ge [sflag:s3], $0x80  }
0x12: {  	[sflag:s3] =	ssyncset.done $0x0  }
0x13: {  	[sflag:s3] =	ssyncadd.s32 $0xFFFFFF80  }
0x14: {  	v1 =	vld [tilespmem:$0x100]  }
0x15: {  	v0 =	vld [tilespmem:$0x170]  }
0x16: {  	v2 =	vld [tilespmem:$0xA0]  }
0x17: {  	v3 =	vld [tilespmem:$0x20]  }
0x18: {  	v4 =	vld [tilespmem:$0xF0]  }
0x19: {  	v5 =	vld [tilespmem:$0xB0]  }
0x1a: {  	v6 =	vld [tilespmem:$0x90]  }
0x1b: {  	v14 =	vld [tilespmem:$0x50]  }
0x1c: {  	v11 =	vld [tilespmem:$0x80]  }
0x1d: {  	s5 =	ssub.s32 $0x2, s5;
	v9 =	vld [tilespmem:$0x10];
	v4 =	vtrunc.f32 v4  }
0x1e: {  	s31 =	sshrl.u32 s5, $0x1;
	v10 =	vld [tilespmem:$0x70];
	v5 =	vtrunc.f32 v5;
	v7 =	vtrunc.f32 v2  }
0x1f: {  	s8 =	ssub.s32 s5, s31;
	v15 =	vld [tilespmem:$0x0];
	v2 =	vtrunc.f32 v6;
	v6 =	vtrunc.f32 v3  }
0x20: {  	s14 =	smax.u32 s8, $0x1;
	v12 =	vld [tilespmem:$0x30];
	v0 =	vtrunc.f32 v0;
	v18 =	vtrunc.f32 v14  }
0x21: {  	p0 =	sne.s32 s14, $0x1;
	v13 =	vld [tilespmem:$0x130];
	v11 =	vtrunc.f32 v11;
	v1 =	vtrunc.f32 v1  }
.Ltmp0:
0x22: {  	v14 =	vld [tilespmem:$0xD0];
	v4 =	vcvt.f32.s32 v4;
	v8 =	vcvt.f32.s32 v5;
	(pc) =	sbr.rel @!p0 .LBB2_2-.Ltmp0, $4  }
0x23: {  	v17 =	vld [tilespmem:$0x120];
	v3 =	vcvt.f32.s32 v2;
	v2 =	vtrunc.f32 v9  }
0x24: {  	s9 =	simm.s32 $0x1;
	s7 =	sshll.u32 s7, $0x4;
	v9 =	vtrunc.f32 v15;
	v15 =	vld [tilespmem:$0x110];
	v16 =	vcvt.f32.s32 v2  }
0x25: {  	s5 =	sadd.s32 $0x3600, s6;
	s6 =	sadd.s32 s7, s6;
	s7 =	simm.s32 $0x180;
	v5 =	vld [tilespmem:$0x150];
	v0 =	vcvt.f32.s32 v0;
	v1 =	vcvt.f32.s32 v1  }
0x26: {  	s6 =	sadd.s32 $0x83600, s6;
	s8 =	simm.s32 $0x200;
	s14 =	sadd.s32 $0xFFFFFFFF, s14;
	v18 =	vcvt.f32.s32 v18;
	v2 =	vcvt.f32.s32 v11;
	v11 =	vshll.u32 v16, $0xA;
	v16 =	vld [tilespmem:$0x40]  }
.LBB2_1:
0x27: {  	p0 =	sne.s32 s14, $0x1;
	s14 =	sadd.s32 $0xFFFFFFFF, s14;
	v19 =	vld [tilespmem:$0xC0];
	v14 =	vtrunc.f32 v14;
	v10 =	vtrunc.f32 v10  }
0x28: {  	v12 =	vtrunc.f32 v12;
	v13 =	vtrunc.f32 v13;
	v20 =	vld [tilespmem:$0x140]  }
0x29: {  	v7 =	vcvt.f32.s32 v7;
	v8 =	vshll.u32 v8, $0x5;
	v15 =	vtrunc.f32 v15;
	v21 =	vld [tilespmem:$0x60]  }
0x2a: {  	v18 =	vshll.u32 v18, $0xA;
	v10 =	vcvt.f32.s32 v10;
	v17 =	vtrunc.f32 v17;
	v22 =	vld [tilespmem:$0xE0]  }
0x2b: {  	v6 =	vcvt.f32.s32 v6;
	v4 =	vshll.u32 v4, $0x5;
	v16 =	vtrunc.f32 v16;
	v23 =	vld [tilespmem:$0x160]  }
0x2c: {  	v7 =	vshll.u32 v7, $0x5;
	v10 =	vshll.u32 v10, $0xA;
	v19 =	vtrunc.f32 v19  }
0x2d: {  	v6 =	vshll.u32 v6, $0xA;
	v4 =	vadd.s32 v10, v4;
	v20 =	vtrunc.f32 v20  }
0x2e: {  	v9 =	vcvt.f32.s32 v9;
	v6 =	vadd.s32 v6, v7;
	v7 =	vcvt.f32.s32 v13  }
0x2f: {  	v3 =	vshll.u32 v3, $0x5;
	v10 =	vcvt.f32.s32 v12;
	v12 =	vtrunc.f32 v22  }
0x30: {  	v3 =	vadd.s32 v11, v3;
	v5 =	vtrunc.f32 v5;
	v11 =	vtrunc.f32 v23  }
0x31: {  	v10 =	vshll.u32 v10, $0xA;
	v13 =	vcvt.f32.s32 v19;
	v11 =	vcvt.f32.s32 v11  }
0x32: {  	v5 =	vcvt.f32.s32 v5;
	v8 =	vadd.s32 v10, v8;
	v10 =	vcvt.f32.s32 v20  }
0x33: {  	v14 =	vcvt.f32.s32 v14;
	v19 =	vtrunc.f32 v21;
	v13 =	vshll.u32 v13, $0x5  }
0x34: {  	v17 =	vcvt.f32.s32 v17;
	v7 =	vadd.s32 v7, v8;
	v8 =	vcvt.f32.s32 v16  }
0x35: {  	v12 =	vcvt.f32.s32 v12;
	[tilespmem:$0x1B0] =	vst v7;
	v7 =	vshll.u32 v14, $0x5;
	v14 =	vcvt.f32.s32 v19  }
0x36: {  	v15 =	vcvt.f32.s32 v15;
	v6 =	vadd.s32 v17, v6;
	v7 =	vadd.s32 v18, v7  }
0x37: {  	[tilespmem:$0x1A0] =	vst v6;
	v6 =	vshll.u32 v8, $0xA;
	v5 =	vadd.s32 v5, v7;
	v7 =	vshll.u32 v14, $0xA  }
0x38: {  	v3 =	vadd.s32 v15, v3;
	v0 =	vadd.s32 v0, v4;
	[tilespmem:$0x1D0] =	vst v5;
	v5 =	vshll.u32 v12, $0x5  }
0x39: {  	v2 =	vshll.u32 v2, $0x5;
	v4 =	vshll.u32 v9, $0xA;
	v5 =	vadd.s32 v7, v5;
	[tilespmem:$0x1F0] =	vst v0  }
0x3a: {  	v0 =	vadd.s32 v4, v2;
	v2 =	vadd.s32 v6, v13;
	[tilespmem:$0x190] =	vst v3;
	v3 =	vadd.s32 v11, v5  }
0x3b: {  	v0 =	vadd.s32 v1, v0;
	v1 =	vadd.s32 v10, v2;
	[tilespmem:$0x1E0] =	vst v3  }
0x3c: {  	[tilespmem:$0x180] =	vst v0;
	_ =	sdelay $0x1  }
0x3d: {  	[tilespmem:$0x1C0] =	vst v1  }
0x3e: {  	[tilespmem:s8], [sflag:$0x1] =	stream.indirect.gather [hbm4b:s5+s4], $0x80, s7, s4, $0xb8;
	[tilespmem:$0x4200] =	vst v63  }
0x3f: {  	_ =	swait.ge [sflag:s9], $0x4000  }
0x40: {  	[sflag:s9] =	ssyncset.done $0x0  }
0x41: {  	[sflag:s9] =	ssyncadd.s32 $0xFFFFC000  }
0x42: {  	[hbm4b:s6+s2] =	stream.linear.scatter [tilespmem:s8], [sflag:$0x2], $0x4000, $0x38;
	[tilespmem:$0x4200] =	vst v63  }
0x43: {  	_ =	swait.ge [sflag:s3], $0x4000  }
0x44: {  	[sflag:s3] =	ssyncset.done $0x0  }
0x45: {  	[sflag:s3] =	ssyncadd.s32 $0xFFFFC000  }
0x46: {  	[tilespmem:s2], [sflag:$0x2] =	stream.linear.gather [hbm4b:s10+s2], $0x80, $0x38;
	[tilespmem:$0x4200] =	vst v63  }
0x47: {  	_ =	swait.ge [sflag:s3], $0x80  }
0x48: {  	[sflag:s3] =	ssyncset.done $0x0  }
0x49: {  	[sflag:s3] =	ssyncadd.s32 $0xFFFFFF80  }
0x4a: {  	[tilespmem:s4], [sflag:$0x2] =	stream.linear.gather [hbm4b:s11+s2], $0x80, $0x38;
	[tilespmem:$0x4200] =	vst v63  }
0x4b: {  	_ =	swait.ge [sflag:s3], $0x80  }
0x4c: {  	[sflag:s3] =	ssyncset.done $0x0  }
0x4d: {  	[sflag:s3] =	ssyncadd.s32 $0xFFFFFF80  }
0x4e: {  	[tilespmem:s13], [sflag:$0x2] =	stream.linear.gather [hbm4b:s12+s2], $0x80, $0x38;
	[tilespmem:$0x4200] =	vst v63  }
0x4f: {  	_ =	swait.ge [sflag:s3], $0x80  }
0x50: {  	[sflag:s3] =	ssyncset.done $0x0  }
0x51: {  	[sflag:s3] =	ssyncadd.s32 $0xFFFFFF80  }
0x52: {  	v1 =	vld [tilespmem:$0x100]  }
0x53: {  	v0 =	vld [tilespmem:$0x170]  }
0x54: {  	v2 =	vld [tilespmem:$0xA0]  }
0x55: {  	v3 =	vld [tilespmem:$0x20]  }
0x56: {  	v4 =	vld [tilespmem:$0xF0]  }
0x57: {  	v5 =	vld [tilespmem:$0xB0]  }
0x58: {  	v9 =	vld [tilespmem:$0x10]  }
0x59: {  	v6 =	vld [tilespmem:$0x90]  }
0x5a: {  	v11 =	vld [tilespmem:$0x80]  }
0x5b: {  	v14 =	vld [tilespmem:$0x50];
	v4 =	vtrunc.f32 v4  }
0x5c: {  	v5 =	vtrunc.f32 v5;
	v10 =	vld [tilespmem:$0x70];
	v4 =	vcvt.f32.s32 v4  }
0x5d: {  	v7 =	vtrunc.f32 v2;
	v15 =	vld [tilespmem:$0x0];
	v8 =	vcvt.f32.s32 v5  }
0x5e: {  	v2 =	vtrunc.f32 v6;
	v6 =	vtrunc.f32 v3;
	v12 =	vld [tilespmem:$0x30]  }
0x5f: {  	v0 =	vtrunc.f32 v0;
	v3 =	vcvt.f32.s32 v2;
	v13 =	vld [tilespmem:$0x130]  }
.Ltmp1:
0x60: {  	v2 =	vtrunc.f32 v9;
	v18 =	vtrunc.f32 v14;
	v14 =	vld [tilespmem:$0xD0];
	(pc) =	sbr.rel @p0 .LBB2_1-.Ltmp1, $4  }
0x61: {  	v0 =	vcvt.f32.s32 v0;
	v11 =	vtrunc.f32 v11;
	v5 =	vld [tilespmem:$0x150]  }
0x62: {  	v16 =	vcvt.f32.s32 v2;
	v9 =	vtrunc.f32 v15;
	v15 =	vld [tilespmem:$0x110]  }
0x63: {  	v1 =	vtrunc.f32 v1;
	v2 =	vcvt.f32.s32 v11;
	v17 =	vld [tilespmem:$0x120]  }
0x64: {  	v1 =	vcvt.f32.s32 v1;
	v18 =	vcvt.f32.s32 v18;
	v11 =	vshll.u32 v16, $0xA;
	v16 =	vld [tilespmem:$0x40]  }
.LBB2_2:
0x65: {  	v14 =	vtrunc.f32 v14  }
0x66: {  	v10 =	vtrunc.f32 v10;
	v12 =	vtrunc.f32 v12  }
0x67: {  	v13 =	vtrunc.f32 v13;
	v7 =	vcvt.f32.s32 v7;
	v8 =	vshll.u32 v8, $0x5  }
0x68: {  	v6 =	vcvt.f32.s32 v6;
	v4 =	vshll.u32 v4, $0x5;
	v9 =	vcvt.f32.s32 v9  }
0x69: {  	v3 =	vshll.u32 v3, $0x5;
	v10 =	vcvt.f32.s32 v10;
	v18 =	vshll.u32 v18, $0xA  }
0x6a: {  	v19 =	vld [tilespmem:$0xC0];
	v52 =	vcvt.f32.s32 v13;
	v12 =	vcvt.f32.s32 v12;
	v3 =	vadd.s32 v11, v3  }
0x6b: {  	v20 =	vld [tilespmem:$0x140];
	v14 =	vcvt.f32.s32 v14;
	v2 =	vshll.u32 v2, $0x5;
	v15 =	vtrunc.f32 v15  }
0x6c: {  	v21 =	vld [tilespmem:$0xE0];
	v7 =	vshll.u32 v7, $0x5;
	v6 =	vshll.u32 v6, $0xA;
	v61 =	vshll.u32 v9, $0xA  }
0x6d: {  	v22 =	vld [tilespmem:$0x160];
	v17 =	vtrunc.f32 v17;
	v10 =	vshll.u32 v10, $0xA;
	v6 =	vadd.s32 v6, v7  }
0x6e: {  	v51 =	vld [tilespmem:$0x60];
	v5 =	vtrunc.f32 v5;
	v12 =	vshll.u32 v12, $0xA;
	v56 =	vshll.u32 v14, $0x5  }
0x6f: {  	v57 =	vcvt.f32.s32 v15;
	v2 =	vadd.s32 v61, v2;
	v16 =	vtrunc.f32 v16  }
0x70: {  	v4 =	vadd.s32 v10, v4;
	v8 =	vadd.s32 v12, v8;
	v5 =	vcvt.f32.s32 v5  }
0x71: {  	v17 =	vcvt.f32.s32 v17;
	v10 =	vadd.s32 v18, v56;
	v19 =	vtrunc.f32 v19  }
0x72: {  	v1 =	vadd.s32 v1, v2;
	v20 =	vtrunc.f32 v20;
	v53 =	vtrunc.f32 v21  }
0x73: {  	v54 =	vtrunc.f32 v22;
	v7 =	vtrunc.f32 v51;
	v8 =	vadd.s32 v52, v8  }
0x74: {  	v58 =	vcvt.f32.s32 v16;
	v3 =	vadd.s32 v57, v3;
	[tilespmem:$0x180] =	vst v1;
	v19 =	vcvt.f32.s32 v19  }
0x75: {  	v0 =	vadd.s32 v0, v4;
	v7 =	vcvt.f32.s32 v7;
	v13 =	vcvt.f32.s32 v53;
	[tilespmem:$0x1B0] =	vst v8  }
0x76: {  	v11 =	vcvt.f32.s32 v54;
	v55 =	vcvt.f32.s32 v20;
	v6 =	vadd.s32 v17, v6;
	[tilespmem:$0x1F0] =	vst v0  }
0x77: {  	v5 =	vadd.s32 v5, v10;
	[tilespmem:$0x190] =	vst v3;
	v59 =	vshll.u32 v7, $0xA;
	v60 =	vshll.u32 v13, $0x5  }
0x78: {  	[tilespmem:$0x1D0] =	vst v5;
	v62 =	vshll.u32 v58, $0xA;
	v19 =	vshll.u32 v19, $0x5;
	v5 =	vadd.s32 v59, v60  }
0x79: {  	[tilespmem:$0x1A0] =	vst v6;
	v0 =	vadd.s32 v62, v19;
	v63 =	vadd.s32 v11, v5  }
0x7a: {  	v0 =	vadd.s32 v55, v0;
	[tilespmem:$0x1E0] =	vst v63  }
0x7b: {  	[tilespmem:$0x1C0] =	vst v0  }
0x7c: {  	[tilespmem:s8], [sflag:$0x1] =	stream.indirect.gather [hbm4b:s5+s4], $0x80, s7, s4, $0xb8;
	[tilespmem:$0x4200] =	vst v63  }
0x7d: {  	_ =	swait.ge [sflag:s9], $0x4000  }
0x7e: {  	[sflag:s9] =	ssyncset.done $0x0  }
0x7f: {  	[sflag:s9] =	ssyncadd.s32 $0xFFFFC000  }
0x80: {  	[hbm4b:s6+s2] =	stream.linear.scatter [tilespmem:s8], [sflag:$0x2], $0x4000, $0x38;
	[tilespmem:$0x4200] =	vst v63  }
0x81: {  	_ =	swait.ge [sflag:s3], $0x4000  }
0x82: {  	[sflag:s3] =	ssyncset.done $0x0  }
0x83: {  	[sflag:s3] =	ssyncadd.s32 $0xFFFFC000  }
0x84: {  	_ =	sfence.sel $0x180000  }
0x85: {  	[bflag:$0x0] =	sbarrier.arrive $0xFFFF  }
0x86: {  	p0 =	sne.s32 s0, $0x0;
	_ =	strace $0x90000047  }
0x87: {  	s0 =	sadd.s32 @!p0 $0x100000, s1;
	[bflag:$0x2] =	sbarrier.arrive $0xFFFF  }
0x88: {  	[sflag:s0] =	ssyncadd.tile.s32 @!p0 $0x1;
	_ =	shalt  }
.Lfunc_end2:
_tile_overlayer_lowered:
.L_overlay_start_2:
0x89: {  	(tag) =	ssettag $0x2  }
0x8a: {  	s0 =	rddreg [dreg:$0x0];
	s2 =	stileid.u32  }
0x8b: {  	s1 =	rddreg [dreg:$0x1];
	p0 =	sne.s32 s2, $0x0  }
0x8c: {  	s3 =	rddreg [dreg:$0x2];
	[bflag:$0x3] =	sbarrier.arrive $0xFFFF;
	s2 =	simm.s32 @!p0 $0x1C02  }
0x8d: {  	[timem:s3], [sflag:s2] =	dma.local @!p0 [hbm:s0], s1  }
0x8e: {  	s0 =	simm.s32 @!p0 $0x2  }
0x8f: {  	_ =	swait.ge @!p0 [sflag:s0], s1  }
0x90: {  	s1 =	ssub.s32 @!p0 $0x0, s1;
	[sflag:s0] =	ssyncset.done @!p0 $0x0  }
0x91: {  	[sflag:s0] =	ssyncadd.s32 @!p0 s1  }
0x92: {  	[bflag:$0x3] =	sbarrier.arrive $0xFFFF  }
0x93: {  	_ =	shalt  }

</sc_bundles>
